<compile_context>
chip_gen: v7x
topology: tpu7x:2x2x1
jax: 0.10.2.dev20260603
libtpu: 0.0.44.dev20260713+nightly
codegen_flags: <defaults>
</compile_context>

<pallas_src>
import functools

import jax
import jax.numpy as jnp
from jax import lax
from jax.experimental import pallas as pl
from jax.experimental.pallas import tpu as pltpu
from jax.experimental.pallas import tpu_sc as plsc

N = 10000
E = 320000
F = 128
HID = 128
CT = 16
NN = 2000
T = 5
LH = 256
RS = 256
NT = 4

NUM_CORES = 2
NUM_SUBCORES = 16
NUM_TILES = NUM_CORES * NUM_SUBCORES
EDGES_PER_TILE = E // NUM_TILES
CHUNK = 96
EPT_PAD = 10080
E_PAD = EPT_PAD * NUM_TILES
NCH = EPT_PAD // CHUNK
ROWS_PER_TILE = N // NUM_SUBCORES
NA = N + 8

NBUF = 2
NGROUP = (NCH - 1) // NBUF


ROWS_A = 624
ROWS_REM = N - ROWS_A * NUM_SUBCORES


def _zero_acc(zeros_hbm, acc, s):
    pltpu.sync_copy(zeros_hbm, acc.at[pl.ds(s * ROWS_A, ROWS_A)])

    @pl.when(s == NUM_SUBCORES - 1)
    def _():
        pltpu.sync_copy(zeros_hbm.at[pl.ds(0, ROWS_REM)],
                        acc.at[pl.ds(ROWS_A * NUM_SUBCORES, ROWS_REM)])


def _write_out(acc, out_hbm, c, s):
    pltpu.sync_copy(acc.at[pl.ds(s * ROWS_A, ROWS_A)],
                    out_hbm.at[c].at[pl.ds(s * ROWS_A, ROWS_A)])

    @pl.when(s == NUM_SUBCORES - 1)
    def _():
        pltpu.sync_copy(acc.at[pl.ds(ROWS_A * NUM_SUBCORES, ROWS_REM)],
                        out_hbm.at[c].at[pl.ds(ROWS_A * NUM_SUBCORES, ROWS_REM)])


def _make_sc_aggregate(D):
    mesh = plsc.VectorSubcoreMesh(core_axis_name="c", subcore_axis_name="s")

    @functools.partial(
        pl.kernel,
        mesh=mesh,
        out_type=jax.ShapeDtypeStruct((NUM_CORES, N, D), jnp.float32),
        scratch_types=[
            pltpu.VMEM((EPT_PAD,), jnp.int32),
            pltpu.VMEM((NCH, CHUNK), jnp.int32),
            pltpu.VMEM((NBUF, CHUNK, D), jnp.float32),
            pltpu.VMEM_SHARED((NA, D), jnp.float32),
        ] + [pltpu.SemaphoreType.DMA] * NBUF,
    )
    def agg(table_hbm, src_hbm, dst_hbm, zeros_hbm, out_hbm,
            sidx, didx, rows, acc, *sems):
        c = lax.axis_index("c")
        s = lax.axis_index("s")
        wid = c * NUM_SUBCORES + s
        _zero_acc(zeros_hbm, acc, s)
        plsc.subcore_barrier()

        pltpu.sync_copy(src_hbm.at[pl.ds(wid * EPT_PAD, EPT_PAD)], sidx)
        pltpu.sync_copy(dst_hbm.at[wid], didx)
        prol = [pltpu.async_copy(table_hbm.at[sidx.at[pl.ds(b * CHUNK, CHUNK)]],
                                 rows.at[b], sems[b])
                for b in range(NBUF)]

        def body(g, carry):
            j0 = g * NBUF
            for b in range(NBUF):
                prol[b].wait()
                pltpu.sync_copy(rows.at[b], acc.at[didx.at[j0 + b]], add=True)

                @pl.when(j0 + b + NBUF < NCH)
                def _():
                    pltpu.async_copy(
                        table_hbm.at[sidx.at[pl.ds((j0 + b + NBUF) * CHUNK,
                                                   CHUNK)]],
                        rows.at[b], sems[b])
            return carry

        lax.fori_loop(0, NGROUP, body, 0)
        prol[0].wait()
        pltpu.sync_copy(rows.at[0], acc.at[didx.at[NCH - 1]], add=True)

        plsc.subcore_barrier()
        _write_out(acc, out_hbm, c, s)

    return agg


_sc_agg128 = _make_sc_aggregate(HID)


def _make_sc_degree():
    mesh = plsc.VectorSubcoreMesh(core_axis_name="c", subcore_axis_name="s")

    @functools.partial(
        pl.kernel,
        mesh=mesh,
        out_type=jax.ShapeDtypeStruct((NUM_CORES, N, HID), jnp.float32),
        scratch_types=[
            pltpu.VMEM((NCH, CHUNK), jnp.int32),
            pltpu.VMEM((CHUNK, HID), jnp.float32),
            pltpu.VMEM_SHARED((NA, HID), jnp.float32),
        ],
    )
    def degk(dst_hbm, ones_hbm, zeros_hbm, out_hbm, didx, rows, acc):
        c = lax.axis_index("c")
        s = lax.axis_index("s")
        wid = c * NUM_SUBCORES + s
        pltpu.sync_copy(ones_hbm, rows)
        _zero_acc(zeros_hbm, acc, s)
        plsc.subcore_barrier()

        pltpu.sync_copy(dst_hbm.at[wid], didx)

        def body(j, carry):
            pltpu.sync_copy(rows, acc.at[didx.at[j]], add=True)
            return carry

        lax.fori_loop(0, NCH, body, 0)

        plsc.subcore_barrier()
        _write_out(acc, out_hbm, c, s)

    return degk


_sc_degree = _make_sc_degree()


_RB = 2000
_GRID = N // _RB

_lrelu = lambda v: jnp.where(v >= 0, v, 0.01 * v)


def _full(shape):
    return pl.BlockSpec(shape, lambda i: tuple(0 for _ in shape))


def _rows2(d):
    return pl.BlockSpec((_RB, d), lambda i: (i, 0))


def _k1a_body(x_ref, w_ref, u_ref):
    u_ref[...] = jnp.dot(x_ref[...], w_ref[...],
                         preferred_element_type=jnp.float32)


def _k1a(x, W1):
    return pl.pallas_call(
        _k1a_body,
        grid=(_GRID,),
        in_specs=[_rows2(F), _full((F, HID))],
        out_specs=_rows2(HID),
        out_shape=jax.ShapeDtypeStruct((N, HID), jnp.float32),
    )(x, W1)


def _k1b_body(u_ref, dp_ref, hs_ref, dis_ref):
    deg = dp_ref[0, :, 0:1] + dp_ref[1, :, 0:1] + 1.0
    dis = lax.rsqrt(deg)
    hs_ref[...] = dis * u_ref[...]
    dis_ref[...] = dis


def _k1b(u1, degp):
    return pl.pallas_call(
        _k1b_body,
        grid=(_GRID,),
        in_specs=[_rows2(HID),
                  pl.BlockSpec((NUM_CORES, _RB, HID), lambda i: (0, i, 0))],
        out_specs=[_rows2(HID), _rows2(1)],
        out_shape=[jax.ShapeDtypeStruct((N, HID), jnp.float32),
                   jax.ShapeDtypeStruct((N, 1), jnp.float32)],
    )(u1, degp)


def _k2_body(hs_ref, ap_ref, dis_ref, b_ref, w_ref, h1_ref, hs2_ref):
    dis = dis_ref[...]
    aggd = ap_ref[0] + ap_ref[1] + hs_ref[...]
    h1 = _lrelu(dis * aggd + b_ref[...])
    h1_ref[...] = h1
    h2p = jnp.dot(h1, w_ref[...], preferred_element_type=jnp.float32)
    hs2_ref[...] = dis * h2p


def _k2(hs1, agg1, dis, b1, W2):
    return pl.pallas_call(
        _k2_body,
        grid=(_GRID,),
        in_specs=[_rows2(HID),
                  pl.BlockSpec((NUM_CORES, _RB, HID), lambda i: (0, i, 0)),
                  _rows2(1), _full((1, HID)), _full((HID, HID))],
        out_specs=[_rows2(HID), _rows2(HID)],
        out_shape=[jax.ShapeDtypeStruct((N, HID), jnp.float32),
                   jax.ShapeDtypeStruct((N, HID), jnp.float32)],
    )(hs1, agg1, dis, b1, W2)


def _k3_body(hs_ref, ap_ref, dis_ref, b_ref, h1_ref, u2_ref):
    dis = dis_ref[...]
    h_ = dis * (ap_ref[0] + ap_ref[1] + hs_ref[...]) + b_ref[...]
    h2 = (_lrelu(h_) + h1_ref[...]) * 0.5
    u2_ref[...] = dis * h2


def _k3(hs2, agg2, dis, b2, h1):
    return pl.pallas_call(
        _k3_body,
        grid=(_GRID,),
        in_specs=[_rows2(HID),
                  pl.BlockSpec((NUM_CORES, _RB, HID), lambda i: (0, i, 0)),
                  _rows2(1), _full((1, HID)), _rows2(HID)],
        out_specs=_rows2(HID),
        out_shape=jax.ShapeDtypeStruct((N, HID), jnp.float32),
    )(hs2, agg2, dis, b2, h1)


def _k4_body(u2_ref, ap_ref, dis_ref, w_ref, b_ref, h3_ref):
    dis = dis_ref[...]
    t = ap_ref[0] + ap_ref[1] + u2_ref[...]
    h3p = jnp.dot(t, w_ref[...], preferred_element_type=jnp.float32)
    h3_ref[...] = _lrelu(dis * h3p + b_ref[...])


def _k4(u2, agg3, dis, W3, b3):
    return pl.pallas_call(
        _k4_body,
        grid=(_GRID,),
        in_specs=[_rows2(HID),
                  pl.BlockSpec((NUM_CORES, _RB, HID), lambda i: (0, i, 0)),
                  _rows2(1), _full((HID, CT)), _full((1, CT))],
        out_specs=_rows2(CT),
        out_shape=jax.ShapeDtypeStruct((N, CT), jnp.float32),
    )(u2, agg3, dis, W3, b3)


_KC = 3200
_KGRID = (NN * CT) // _KC


def _k5_body(seq_ref, w_ref, bih_ref, bhh_ref, out_ref):
    @pl.when(pl.program_id(0) == 0)
    def _():
        out_ref[...] = jnp.broadcast_to(bih_ref[...] + bhh_ref[...], out_ref.shape)

    out_ref[...] += lax.dot_general(
        seq_ref[...], w_ref[...], (((1,), (1,)), ((), ())),
        preferred_element_type=jnp.float32)


def _k5(seq, Wih0, bih0, bhh0):
    return pl.pallas_call(
        _k5_body,
        grid=(_KGRID,),
        in_specs=[pl.BlockSpec((T, _KC), lambda k: (0, k)),
                  pl.BlockSpec((4 * LH, _KC), lambda k: (0, k)),
                  _full((1, 4 * LH)), _full((1, 4 * LH))],
        out_specs=pl.BlockSpec((T, 4 * LH), lambda k: (0, 0)),
        out_shape=jax.ShapeDtypeStruct((T, 4 * LH), jnp.float32),
    )(seq, Wih0, bih0, bhh0)


def _rdot(a, w_ref):
    return lax.dot_general(a, w_ref[...], (((1,), (1,)), ((), ())),
                           preferred_element_type=jnp.float32)


def _lstm_steps(gx, Whh_ref):
    h = jnp.zeros((1, LH), jnp.float32)
    c = jnp.zeros((1, LH), jnp.float32)
    hs = []
    for t in range(T):
        g = gx[t] + _rdot(h, Whh_ref)
        i = jax.nn.sigmoid(g[:, 0 * LH:1 * LH])
        f = jax.nn.sigmoid(g[:, 1 * LH:2 * LH])
        gg = jnp.tanh(g[:, 2 * LH:3 * LH])
        o = jax.nn.sigmoid(g[:, 3 * LH:4 * LH])
        c = f * c + i * gg
        h = o * jnp.tanh(c)
        hs.append(h)
    return hs


def _k6_body(gx0_ref, whh0_ref, wih1_ref, bih1_ref, bhh1_ref, whh1_ref,
             wr_ref, br_ref, we_ref, be_ref, out_ref):
    gx0 = [gx0_ref[t:t + 1, :] for t in range(T)]
    hs0 = _lstm_steps(gx0, whh0_ref)
    b1 = bih1_ref[...] + bhh1_ref[...]
    gx1 = [_rdot(hs0[t], wih1_ref) + b1 for t in range(T)]
    hs1 = _lstm_steps(gx1, whh1_ref)
    v = _lrelu(hs1[-1])
    v = _lrelu(_rdot(v, wr_ref) + br_ref[...])
    out_ref[...] = _rdot(v, we_ref) + be_ref[...]


def _k6(gx0, Whh0, Wih1, bih1, bhh1, Whh1, Wr, br, We, be):
    return pl.pallas_call(
        _k6_body,
        grid=(1,),
        in_specs=[_full((T, 4 * LH)), _full((4 * LH, LH)), _full((4 * LH, LH)),
                  _full((1, 4 * LH)), _full((1, 4 * LH)), _full((4 * LH, LH)),
                  _full((RS, LH)), _full((1, RS)), _full((NT, RS)),
                  _full((1, NT))],
        out_specs=_full((1, NT)),
        out_shape=jax.ShapeDtypeStruct((1, NT), jnp.float32),
    )(gx0, Whh0, Wih1, bih1, bhh1, Whh1, Wr, br, We, be)


def kernel(x, edge_index, W1, b1, W2, b2, W3, b3, Wih0, Whh0, bih0, bhh0,
           Wih1, Whh1, bih1, bhh1, Wr, br, We, be):
    npad = E_PAD - E
    pad_lanes = jnp.arange(npad, dtype=jnp.int32) % 8
    src = jnp.concatenate([edge_index[0], pad_lanes])
    dst = jnp.concatenate([edge_index[1], N + pad_lanes]).reshape(
        NUM_TILES, NCH, CHUNK)
    z128 = jnp.zeros((ROWS_A, HID), jnp.float32)
    o128 = jnp.ones((CHUNK, HID), jnp.float32)

    u1 = _k1a(x, W1)
    degp = _sc_degree(dst, o128, z128)
    hs1, dis = _k1b(u1, degp)
    agg1 = _sc_agg128(hs1, src, dst, z128)
    h1, hs2 = _k2(hs1, agg1, dis, b1.reshape(1, HID), W2)
    agg2 = _sc_agg128(hs2, src, dst, z128)
    u2 = _k3(hs2, agg2, dis, b2.reshape(1, HID), h1)
    agg3 = _sc_agg128(u2, src, dst, z128)
    h3 = _k4(u2, agg3, dis, W3, b3.reshape(1, CT))
    seq = h3.reshape(T, NN * CT)
    gx0 = _k5(seq, Wih0, bih0.reshape(1, -1), bhh0.reshape(1, -1))
    out = _k6(gx0, Whh0, Wih1, bih1.reshape(1, -1), bhh1.reshape(1, -1),
              Whh1, Wr, br.reshape(1, -1), We, be.reshape(1, -1))
    return out.reshape(NT)

# --- scband reference (transcript-rebuilt; emitter-appended) ---
"""Pipeline reference for scband-gcnlstm-39075612459407 (READ-ONLY COPY).

The authoritative reference and input builder live on the scoring server;
editing this copy changes nothing except your own understanding.
"""

import jax, jax.numpy as jnp
import numpy as np

N = 10000
E = 320000
F = 128
HID = 128
CT = 16
NN = 2000
T = 5
LH = 256
RS = 256
NT = 4

def _uniform(k, shape, fan_in):
    b = 1.0 / np.sqrt(fan_in)
    return jax.random.uniform(k, shape, jnp.float32, -b, b)

def setup_inputs(seed: int = 0):
    key = jax.random.key(seed)
    ks = jax.random.split(key, 30)
    inp = {}
    inp['x'] = jax.random.normal(ks[0], (N, F), jnp.float32)
    inp['edge_index'] = jax.random.randint(ks[1], (2, E), 0, N, jnp.int32)
    inp['W1'] = _uniform(ks[2], (F, HID), F)
    inp['b1'] = _uniform(ks[3], (HID,), F)
    inp['W2'] = _uniform(ks[4], (HID, HID), HID)
    inp['b2'] = _uniform(ks[5], (HID,), HID)
    inp['W3'] = _uniform(ks[6], (HID, CT), HID)
    inp['b3'] = _uniform(ks[7], (CT,), HID)
    IN0 = NN * CT
    inp['Wih0'] = _uniform(ks[8], (4 * LH, IN0), LH)
    inp['Whh0'] = _uniform(ks[9], (4 * LH, LH), LH)
    inp['bih0'] = _uniform(ks[10], (4 * LH,), LH)
    inp['bhh0'] = _uniform(ks[11], (4 * LH,), LH)
    inp['Wih1'] = _uniform(ks[12], (4 * LH, LH), LH)
    inp['Whh1'] = _uniform(ks[13], (4 * LH, LH), LH)
    inp['bih1'] = _uniform(ks[14], (4 * LH,), LH)
    inp['bhh1'] = _uniform(ks[15], (4 * LH,), LH)
    inp['Wr'] = _uniform(ks[16], (RS, LH), LH)
    inp['br'] = _uniform(ks[17], (RS,), LH)
    inp['We'] = _uniform(ks[18], (NT, RS), RS)
    inp['be'] = _uniform(ks[19], (NT,), RS)
    return inp

def _gcn(x, src, dst, norm, W, b):
    h = x @ W
    msg = h[src] * norm[:, None]
    out = jnp.zeros_like(h).at[dst].add(msg)
    return out + b

def _lstm_layer(xs, Wih, Whh, bih, bhh):
    Hh = Whh.shape[1]
    def step(carry, xt):
        h, c = carry
        g = xt @ Wih.T + bih + h @ Whh.T + bhh
        i, f, gg, o = jnp.split(g, 4)
        i = jax.nn.sigmoid(i)
        f = jax.nn.sigmoid(f)
        gg = jnp.tanh(gg)
        o = jax.nn.sigmoid(o)
        c2 = f * c + i * gg
        h2 = o * jnp.tanh(c2)
        return (h2, c2), h2
    init = (jnp.zeros((Hh,), xs.dtype), jnp.zeros((Hh,), xs.dtype))
    (hT, cT), hs = jax.lax.scan(step, init, xs)
    return hs, hT

def _forward(x, edge_index, W1, b1, W2, b2, W3, b3, Wih0, Whh0, bih0, bhh0, Wih1, Whh1, bih1, bhh1, Wr, br, We, be):
    n = x.shape[0]
    loop = jnp.arange(n, dtype=edge_index.dtype)
    src = jnp.concatenate([edge_index[0], loop])
    dst = jnp.concatenate([edge_index[1], loop])
    deg = jnp.zeros((n,), x.dtype).at[dst].add(1.0)
    dis = jnp.where(deg > 0, jax.lax.rsqrt(jnp.maximum(deg, 1e-12)), 0.0)
    norm = dis[src] * dis[dst]
    lrelu = lambda v: jax.nn.leaky_relu(v, 0.01)
    # dropout is identity at inference; batchnorm disabled (use_batchnorm=0)
    h1 = lrelu(_gcn(x, src, dst, norm, W1, b1))
    h_ = _gcn(h1, src, dst, norm, W2, b2)
    h2 = (lrelu(h_) + h1) / 2.0  # skip connection (use_skipcon=1)
    h3 = lrelu(_gcn(h2, src, dst, norm, W3, b3))
    seq = h3.reshape(T, NN * CT)
    hs0, _ = _lstm_layer(seq, Wih0, Whh0, bih0, bhh0)
    _, hT1 = _lstm_layer(hs0, Wih1, Whh1, bih1, bhh1)
    v = lrelu(hT1.reshape(-1))
    v = lrelu(v @ Wr.T + br)
    out = v @ We.T + be
    return out

def reference(x, edge_index, W1, b1, W2, b2, W3, b3, Wih0, Whh0, bih0, bhh0, Wih1, Whh1, bih1, bhh1, Wr, br, We, be):
    return _forward(x, edge_index, W1, b1, W2, b2, W3, b3, Wih0, Whh0, bih0, bhh0, Wih1, Whh1, bih1, bhh1, Wr, br, We, be)

if __name__ == "__main__":
    import jax
    _d = setup_inputs()
    print(jax.jit(kernel)(*tuple(_d.values())))

</pallas_src>

<mosaic_0001>
#map = affine_map<(d0, d1) -> (0, 0)>
#map1 = affine_map<(d0, d1) -> (0)>
#map2 = affine_map<(d0, d1) -> (0, 0, 0)>
module attributes {stable_mosaic.version = 14 : i64} {
  func.func @agg(%arg0: i32, %arg1: i32, %arg2: memref<10000x128xf32, #tpu.memory_space<hbm>>, %arg3: memref<322560xi32, #tpu.memory_space<hbm>>, %arg4: memref<32x105x96xi32, #tpu.memory_space<hbm>>, %arg5: memref<624x128xf32, #tpu.memory_space<hbm>>, %arg6: memref<2x10000x128xf32, #tpu.memory_space<hbm>>, %arg7: memref<10080xi32, #tpu.memory_space<vmem>>, %arg8: memref<105x96xi32, #tpu.memory_space<vmem>>, %arg9: memref<2x96x128xf32, #tpu.memory_space<vmem>>, %arg10: memref<10008x128xf32, #tpu.memory_space<vmem_shared>>, %arg11: memref<!tpu.dma_semaphore, #tpu.memory_space<semaphore_mem>>, %arg12: memref<!tpu.dma_semaphore, #tpu.memory_space<semaphore_mem>>) attributes {dimension_semantics = [#tpu.dimension_semantics<core_parallel>, #tpu.dimension_semantics<subcore_parallel>], iteration_bounds = array<i64: 2, 16>, scalar_prefetch = 0 : i64, scratch_operands = 6 : i64, tpu.core_type = #tpu.core_type<sc_vector_subcore>, window_params = [{transform_indices = #map}, {transform_indices = #map1}, {transform_indices = #map2}, {transform_indices = #map}, {transform_indices = #map2}]} {
    %mul3A = arith.constant 16 : i32
    %mul3A_0 = arith.muli %arg0, %mul3A : i32
    %add3A = arith.addi %mul3A_0, %arg1 : i32
    %mul3A_1 = arith.constant 624 : i32
    %mul3A_2 = arith.muli %arg1, %mul3A_1 : i32
    "tpu.region"() ({
      %run_scoped3A_53 = tpu.sem_alloc : memref<!tpu.dma_semaphore, #tpu.memory_space<semaphore_mem>>
      %dma_start3A_54 = arith.constant 0 : i32
      %dma_start3A_55 = tpu.memref_slice %arg10[%mul3A_2, %dma_start3A_54] : memref<10008x128xf32, #tpu.memory_space<vmem_shared>> -> memref<624x128xf32, #tpu.memory_space<vmem_shared>>
      tpu.enqueue_dma source(%arg5 : memref<624x128xf32, #tpu.memory_space<hbm>>) target(%dma_start3A_55 : memref<624x128xf32, #tpu.memory_space<vmem_shared>>) target_semaphore(%run_scoped3A_53 : memref<!tpu.dma_semaphore, #tpu.memory_space<semaphore_mem>>)
      %dma_wait3A_56 = arith.constant 0 : i32
      %dma_wait3A_57 = tpu.memref_slice %arg10[%mul3A_2, %dma_wait3A_56] : memref<10008x128xf32, #tpu.memory_space<vmem_shared>> -> memref<624x128xf32, #tpu.memory_space<vmem_shared>>
      tpu.wait_dma2 semaphore(%run_scoped3A_53 : memref<!tpu.dma_semaphore, #tpu.memory_space<semaphore_mem>>) src(%arg5 : memref<624x128xf32, #tpu.memory_space<hbm>>) dst(%dma_wait3A_57 : memref<624x128xf32, #tpu.memory_space<vmem_shared>>)
      tpu.yield
    }) : () -> ()
    %eq3A = arith.constant 15 : i32
    %eq3A_3 = arith.cmpi eq, %arg1, %eq3A : i32
    %convert_element_type3A = arith.extui %eq3A_3 : i1 to i32
    %cond3A = arith.constant 0 : i32
    %cond3A_4 = arith.cmpi ne, %convert_element_type3A, %cond3A : i32
    scf.if %cond3A_4 {
      "tpu.region"() ({
        %run_scoped3A_53 = tpu.sem_alloc : memref<!tpu.dma_semaphore, #tpu.memory_space<semaphore_mem>>
        %dma_start3A_54 = arith.constant 9984 : i32
        %dma_start3A_55 = arith.constant 0 : i32
        %dma_start3A_56 = tpu.memref_slice %arg10[%dma_start3A_54, %dma_start3A_55] : memref<10008x128xf32, #tpu.memory_space<vmem_shared>> -> memref<16x128xf32, #tpu.memory_space<vmem_shared>>
        %dma_start3A_57 = arith.constant 0 : i32
        %dma_start3A_58 = arith.constant 0 : i32
        %dma_start3A_59 = tpu.memref_slice %arg5[%dma_start3A_57, %dma_start3A_58] : memref<624x128xf32, #tpu.memory_space<hbm>> -> memref<16x128xf32, #tpu.memory_space<hbm>>
        tpu.enqueue_dma source(%dma_start3A_59 : memref<16x128xf32, #tpu.memory_space<hbm>>) target(%dma_start3A_56 : memref<16x128xf32, #tpu.memory_space<vmem_shared>>) target_semaphore(%run_scoped3A_53 : memref<!tpu.dma_semaphore, #tpu.memory_space<semaphore_mem>>)
        %dma_wait3A_60 = arith.constant 9984 : i32
        %dma_wait3A_61 = arith.constant 0 : i32
        %dma_wait3A_62 = tpu.memref_slice %arg10[%dma_wait3A_60, %dma_wait3A_61] : memref<10008x128xf32, #tpu.memory_space<vmem_shared>> -> memref<16x128xf32, #tpu.memory_space<vmem_shared>>
        %dma_wait3A_63 = arith.constant 0 : i32
        %dma_wait3A_64 = arith.constant 0 : i32
        %dma_wait3A_65 = tpu.memref_slice %arg5[%dma_wait3A_63, %dma_wait3A_64] : memref<624x128xf32, #tpu.memory_space<hbm>> -> memref<16x128xf32, #tpu.memory_space<hbm>>
        tpu.wait_dma2 semaphore(%run_scoped3A_53 : memref<!tpu.dma_semaphore, #tpu.memory_space<semaphore_mem>>) src(%dma_wait3A_65 : memref<16x128xf32, #tpu.memory_space<hbm>>) dst(%dma_wait3A_62 : memref<16x128xf32, #tpu.memory_space<vmem_shared>>)
        tpu.yield
      }) : () -> ()
    } else {
    }
    %barrier3A = arith.constant 0 : index
    tpu.barrier barrier_id(%barrier3A)
    %mul3A_5 = arith.constant 10080 : i32
    %mul3A_6 = arith.muli %add3A, %mul3A_5 : i32
    "tpu.region"() ({
      %run_scoped3A_53 = tpu.sem_alloc : memref<!tpu.dma_semaphore, #tpu.memory_space<semaphore_mem>>
      %dma_start3A_54 = tpu.memref_slice %arg3[%mul3A_6] : memref<322560xi32, #tpu.memory_space<hbm>> -> memref<10080xi32, #tpu.memory_space<hbm>>
      %dma_start3A_55 = tpu.memref_slice %arg3[%mul3A_6] : memref<322560xi32, #tpu.memory_space<hbm>> -> memref<10080xi32, #tpu.memory_space<hbm>>
      tpu.enqueue_dma source(%dma_start3A_55 : memref<10080xi32, #tpu.memory_space<hbm>>) target(%arg7 : memref<10080xi32, #tpu.memory_space<vmem>>) target_semaphore(%run_scoped3A_53 : memref<!tpu.dma_semaphore, #tpu.memory_space<semaphore_mem>>)
      %dma_wait3A_56 = tpu.memref_slice %arg3[%mul3A_6] : memref<322560xi32, #tpu.memory_space<hbm>> -> memref<10080xi32, #tpu.memory_space<hbm>>
      %dma_wait3A_57 = tpu.memref_slice %arg3[%mul3A_6] : memref<322560xi32, #tpu.memory_space<hbm>> -> memref<10080xi32, #tpu.memory_space<hbm>>
      tpu.wait_dma2 semaphore(%run_scoped3A_53 : memref<!tpu.dma_semaphore, #tpu.memory_space<semaphore_mem>>) src(%dma_wait3A_57 : memref<10080xi32, #tpu.memory_space<hbm>>) dst(%arg7 : memref<10080xi32, #tpu.memory_space<vmem>>)
      tpu.yield
    }) : () -> ()
    "tpu.region"() ({
      %run_scoped3A_53 = tpu.sem_alloc : memref<!tpu.dma_semaphore, #tpu.memory_space<semaphore_mem>>
      %dma_start3A_54 = arith.constant 0 : i32
      %dma_start3A_55 = arith.constant 0 : i32
      %dma_start3A_56 = tpu.memref_slice %arg4[%add3A, %dma_start3A_54, %dma_start3A_55] : memref<32x105x96xi32, #tpu.memory_space<hbm>> -> memref<1x105x96xi32, #tpu.memory_space<hbm>>
      %dma_start3A_57 = tpu.memref_squeeze %dma_start3A_56 : memref<1x105x96xi32, #tpu.memory_space<hbm>> -> memref<105x96xi32, #tpu.memory_space<hbm>>
      %dma_start3A_58 = arith.constant 0 : i32
      %dma_start3A_59 = arith.constant 0 : i32
      %dma_start3A_60 = tpu.memref_slice %arg4[%add3A, %dma_start3A_58, %dma_start3A_59] : memref<32x105x96xi32, #tpu.memory_space<hbm>> -> memref<1x105x96xi32, #tpu.memory_space<hbm>>
      %dma_start3A_61 = tpu.memref_squeeze %dma_start3A_60 : memref<1x105x96xi32, #tpu.memory_space<hbm>> -> memref<105x96xi32, #tpu.memory_space<hbm>>
      tpu.enqueue_dma source(%dma_start3A_61 : memref<105x96xi32, #tpu.memory_space<hbm>>) target(%arg8 : memref<105x96xi32, #tpu.memory_space<vmem>>) target_semaphore(%run_scoped3A_53 : memref<!tpu.dma_semaphore, #tpu.memory_space<semaphore_mem>>)
      %dma_wait3A_62 = arith.constant 0 : i32
      %dma_wait3A_63 = arith.constant 0 : i32
      %dma_wait3A_64 = tpu.memref_slice %arg4[%add3A, %dma_wait3A_62, %dma_wait3A_63] : memref<32x105x96xi32, #tpu.memory_space<hbm>> -> memref<1x105x96xi32, #tpu.memory_space<hbm>>
      %dma_wait3A_65 = tpu.memref_squeeze %dma_wait3A_64 : memref<1x105x96xi32, #tpu.memory_space<hbm>> -> memref<105x96xi32, #tpu.memory_space<hbm>>
      %dma_wait3A_66 = arith.constant 0 : i32
      %dma_wait3A_67 = arith.constant 0 : i32
      %dma_wait3A_68 = tpu.memref_slice %arg4[%add3A, %dma_wait3A_66, %dma_wait3A_67] : memref<32x105x96xi32, #tpu.memory_space<hbm>> -> memref<1x105x96xi32, #tpu.memory_space<hbm>>
      %dma_wait3A_69 = tpu.memref_squeeze %dma_wait3A_68 : memref<1x105x96xi32, #tpu.memory_space<hbm>> -> memref<105x96xi32, #tpu.memory_space<hbm>>
      tpu.wait_dma2 semaphore(%run_scoped3A_53 : memref<!tpu.dma_semaphore, #tpu.memory_space<semaphore_mem>>) src(%dma_wait3A_69 : memref<105x96xi32, #tpu.memory_space<hbm>>) dst(%arg8 : memref<105x96xi32, #tpu.memory_space<vmem>>)
      tpu.yield
    }) : () -> ()
    %dma_start3A = arith.constant 0 : i32
    %dma_start3A_7 = arith.constant 0 : i32
    %dma_start3A_8 = arith.constant 0 : i32
    %dma_start3A_9 = tpu.memref_slice %arg9[%dma_start3A, %dma_start3A_7, %dma_start3A_8] : memref<2x96x128xf32, #tpu.memory_space<vmem>> -> memref<1x96x128xf32, #tpu.memory_space<vmem>>
    %dma_start3A_10 = tpu.memref_squeeze %dma_start3A_9 : memref<1x96x128xf32, #tpu.memory_space<vmem>> -> memref<96x128xf32, #tpu.memory_space<vmem>>
    %dma_start3A_11 = arith.constant 0 : i32
    %dma_start3A_12 = tpu.memref_slice %arg7[%dma_start3A_11] : memref<10080xi32, #tpu.memory_space<vmem>> -> memref<96xi32, #tpu.memory_space<vmem>>
    %dma_start3A_13 = arith.constant 0 : i32
    %dma_start3A_14 = arith.constant 0 : i32
    %dma_start3A_15 = tpu.memref_slice %arg2[%dma_start3A_13, %dma_start3A_14] : memref<10000x128xf32, #tpu.memory_space<hbm>> -> memref<10000x128xf32, #tpu.memory_space<hbm>>
    tpu.enqueue_indirect_dma source(%dma_start3A_15 : memref<10000x128xf32, #tpu.memory_space<hbm>>) target(%dma_start3A_10 : memref<96x128xf32, #tpu.memory_space<vmem>>) offsets(%dma_start3A_12 : memref<96xi32, #tpu.memory_space<vmem>>) semaphore(%arg11 : memref<!tpu.dma_semaphore, #tpu.memory_space<semaphore_mem>>)
    %dma_start3A_16 = arith.constant 1 : i32
    %dma_start3A_17 = arith.constant 0 : i32
    %dma_start3A_18 = arith.constant 0 : i32
    %dma_start3A_19 = tpu.memref_slice %arg9[%dma_start3A_16, %dma_start3A_17, %dma_start3A_18] : memref<2x96x128xf32, #tpu.memory_space<vmem>> -> memref<1x96x128xf32, #tpu.memory_space<vmem>>
    %dma_start3A_20 = tpu.memref_squeeze %dma_start3A_19 : memref<1x96x128xf32, #tpu.memory_space<vmem>> -> memref<96x128xf32, #tpu.memory_space<vmem>>
    %dma_start3A_21 = arith.constant 96 : i32
    %dma_start3A_22 = tpu.memref_slice %arg7[%dma_start3A_21] : memref<10080xi32, #tpu.memory_space<vmem>> -> memref<96xi32, #tpu.memory_space<vmem>>
    %dma_start3A_23 = arith.constant 0 : i32
    %dma_start3A_24 = arith.constant 0 : i32
    %dma_start3A_25 = tpu.memref_slice %arg2[%dma_start3A_23, %dma_start3A_24] : memref<10000x128xf32, #tpu.memory_space<hbm>> -> memref<10000x128xf32, #tpu.memory_space<hbm>>
    tpu.enqueue_indirect_dma source(%dma_start3A_25 : memref<10000x128xf32, #tpu.memory_space<hbm>>) target(%dma_start3A_20 : memref<96x128xf32, #tpu.memory_space<vmem>>) offsets(%dma_start3A_22 : memref<96xi32, #tpu.memory_space<vmem>>) semaphore(%arg12 : memref<!tpu.dma_semaphore, #tpu.memory_space<semaphore_mem>>)
    %scan3A = arith.constant 0 : i32
    %scan3A_26 = arith.constant 0 : i32
    %scan3A_27 = arith.constant 1 : i32
    %scan3A_28 = arith.constant 0 : i32
    %scan3A_29 = arith.constant 52 : i32
    %scan3A_30 = arith.addi %scan3A_28, %scan3A_29 : i32
    %scan3A_31 = arith.constant 1 : i32
    scf.for %scan3A_53 = %scan3A_28 to %scan3A_30 step %scan3A_31  : i32 {
      %mul3A_54 = arith.constant 2 : i32
      %mul3A_55 = arith.muli %scan3A_53, %mul3A_54 : i32
      %dma_wait3A_56 = arith.constant 0 : i32
      %dma_wait3A_57 = arith.constant 0 : i32
      %dma_wait3A_58 = tpu.memref_slice %arg9[%scan3A_26, %dma_wait3A_56, %dma_wait3A_57] : memref<2x96x128xf32, #tpu.memory_space<vmem>> -> memref<1x96x128xf32, #tpu.memory_space<vmem>>
      %dma_wait3A_59 = tpu.memref_squeeze %dma_wait3A_58 : memref<1x96x128xf32, #tpu.memory_space<vmem>> -> memref<96x128xf32, #tpu.memory_space<vmem>>
      %dma_wait3A_60 = arith.constant 0 : i32
      %dma_wait3A_61 = tpu.memref_slice %arg7[%dma_wait3A_60] : memref<10080xi32, #tpu.memory_space<vmem>> -> memref<96xi32, #tpu.memory_space<vmem>>
      %dma_wait3A_62 = arith.constant 0 : i32
      %dma_wait3A_63 = arith.constant 0 : i32
      %dma_wait3A_64 = tpu.memref_slice %arg2[%dma_wait3A_62, %dma_wait3A_63] : memref<10000x128xf32, #tpu.memory_space<hbm>> -> memref<10000x128xf32, #tpu.memory_space<hbm>>
      tpu.wait_indirect_dma semaphore(%arg11 : memref<!tpu.dma_semaphore, #tpu.memory_space<semaphore_mem>>) src(%dma_wait3A_64 : memref<10000x128xf32, #tpu.memory_space<hbm>>) dst(%dma_wait3A_59 : memref<96x128xf32, #tpu.memory_space<vmem>>)
      %add3A_65 = arith.constant 0 : i32
      %add3A_66 = arith.addi %mul3A_55, %add3A_65 : i32
      %run_scoped3A_67 = arith.constant 0 : i32
      "tpu.region"() ({
        %run_scoped3A_97 = tpu.sem_alloc : memref<!tpu.dma_semaphore, #tpu.memory_space<semaphore_mem>>
        %dma_start3A_98 = arith.constant 0 : i32
        %dma_start3A_99 = arith.constant 0 : i32
        %dma_start3A_100 = tpu.memref_slice %arg9[%run_scoped3A_67, %dma_start3A_98, %dma_start3A_99] : memref<2x96x128xf32, #tpu.memory_space<vmem>> -> memref<1x96x128xf32, #tpu.memory_space<vmem>>
        %dma_start3A_101 = tpu.memref_squeeze %dma_start3A_100 : memref<1x96x128xf32, #tpu.memory_space<vmem>> -> memref<96x128xf32, #tpu.memory_space<vmem>>
        %dma_start3A_102 = arith.constant 0 : i32
        %dma_start3A_103 = tpu.memref_slice %arg8[%add3A_66, %dma_start3A_102] : memref<105x96xi32, #tpu.memory_space<vmem>> -> memref<1x96xi32, #tpu.memory_space<vmem>>
        %dma_start3A_104 = tpu.memref_squeeze %dma_start3A_103 : memref<1x96xi32, #tpu.memory_space<vmem>> -> memref<96xi32, #tpu.memory_space<vmem>>
        %dma_start3A_105 = arith.constant 0 : i32
        %dma_start3A_106 = arith.constant 0 : i32
        %dma_start3A_107 = tpu.memref_slice %arg10[%dma_start3A_105, %dma_start3A_106] : memref<10008x128xf32, #tpu.memory_space<vmem_shared>> -> memref<10008x128xf32, #tpu.memory_space<vmem_shared>>
        tpu.enqueue_indirect_dma source(%dma_start3A_101 : memref<96x128xf32, #tpu.memory_space<vmem>>) target(%dma_start3A_107 : memref<10008x128xf32, #tpu.memory_space<vmem_shared>>) offsets(%dma_start3A_104 : memref<96xi32, #tpu.memory_space<vmem>>) semaphore(%run_scoped3A_97 : memref<!tpu.dma_semaphore, #tpu.memory_space<semaphore_mem>>) {add = true}
        %dma_wait3A_108 = arith.constant 0 : i32
        %dma_wait3A_109 = arith.constant 0 : i32
        %dma_wait3A_110 = tpu.memref_slice %arg9[%run_scoped3A_67, %dma_wait3A_108, %dma_wait3A_109] : memref<2x96x128xf32, #tpu.memory_space<vmem>> -> memref<1x96x128xf32, #tpu.memory_space<vmem>>
        %dma_wait3A_111 = tpu.memref_squeeze %dma_wait3A_110 : memref<1x96x128xf32, #tpu.memory_space<vmem>> -> memref<96x128xf32, #tpu.memory_space<vmem>>
        %dma_wait3A_112 = arith.constant 0 : i32
        %dma_wait3A_113 = tpu.memref_slice %arg8[%add3A_66, %dma_wait3A_112] : memref<105x96xi32, #tpu.memory_space<vmem>> -> memref<1x96xi32, #tpu.memory_space<vmem>>
        %dma_wait3A_114 = tpu.memref_squeeze %dma_wait3A_113 : memref<1x96xi32, #tpu.memory_space<vmem>> -> memref<96xi32, #tpu.memory_space<vmem>>
        %dma_wait3A_115 = arith.constant 0 : i32
        %dma_wait3A_116 = arith.constant 0 : i32
        %dma_wait3A_117 = tpu.memref_slice %arg10[%dma_wait3A_115, %dma_wait3A_116] : memref<10008x128xf32, #tpu.memory_space<vmem_shared>> -> memref<10008x128xf32, #tpu.memory_space<vmem_shared>>
        tpu.wait_indirect_dma semaphore(%run_scoped3A_97 : memref<!tpu.dma_semaphore, #tpu.memory_space<semaphore_mem>>) src(%dma_wait3A_111 : memref<96x128xf32, #tpu.memory_space<vmem>>) dst(%dma_wait3A_117 : memref<10008x128xf32, #tpu.memory_space<vmem_shared>>)
        tpu.yield
      }) : () -> ()
      %add3A_68 = arith.constant 0 : i32
      %add3A_69 = arith.addi %mul3A_55, %add3A_68 : i32
      %add3A_70 = arith.constant 2 : i32
      %add3A_71 = arith.addi %add3A_69, %add3A_70 : i32
      %lt3A = arith.constant 105 : i32
      %lt3A_72 = arith.cmpi slt, %add3A_71, %lt3A : i32
      %convert_element_type3A_73 = arith.extui %lt3A_72 : i1 to i32
      %cond3A_74 = arith.constant 0 : i32
      %cond3A_75 = arith.cmpi ne, %convert_element_type3A_73, %cond3A_74 : i32
      scf.if %cond3A_75 {
        %add3A_97 = arith.constant 0 : i32
        %add3A_98 = arith.addi %mul3A_55, %add3A_97 : i32
        %add3A_99 = arith.constant 2 : i32
        %add3A_100 = arith.addi %add3A_98, %add3A_99 : i32
        %mul3A_101 = arith.constant 96 : i32
        %mul3A_102 = arith.muli %add3A_100, %mul3A_101 : i32
        %dma_start3A_103 = arith.constant 0 : i32
        %dma_start3A_104 = arith.constant 0 : i32
        %dma_start3A_105 = arith.constant 0 : i32
        %dma_start3A_106 = tpu.memref_slice %arg9[%dma_start3A_103, %dma_start3A_104, %dma_start3A_105] : memref<2x96x128xf32, #tpu.memory_space<vmem>> -> memref<1x96x128xf32, #tpu.memory_space<vmem>>
        %dma_start3A_107 = tpu.memref_squeeze %dma_start3A_106 : memref<1x96x128xf32, #tpu.memory_space<vmem>> -> memref<96x128xf32, #tpu.memory_space<vmem>>
        %dma_start3A_108 = tpu.memref_slice %arg7[%mul3A_102] : memref<10080xi32, #tpu.memory_space<vmem>> -> memref<96xi32, #tpu.memory_space<vmem>>
        %dma_start3A_109 = arith.constant 0 : i32
        %dma_start3A_110 = arith.constant 0 : i32
        %dma_start3A_111 = tpu.memref_slice %arg2[%dma_start3A_109, %dma_start3A_110] : memref<10000x128xf32, #tpu.memory_space<hbm>> -> memref<10000x128xf32, #tpu.memory_space<hbm>>
        tpu.enqueue_indirect_dma source(%dma_start3A_111 : memref<10000x128xf32, #tpu.memory_space<hbm>>) target(%dma_start3A_107 : memref<96x128xf32, #tpu.memory_space<vmem>>) offsets(%dma_start3A_108 : memref<96xi32, #tpu.memory_space<vmem>>) semaphore(%arg11 : memref<!tpu.dma_semaphore, #tpu.memory_space<semaphore_mem>>)
      } else {
      }
      %dma_wait3A_76 = arith.constant 0 : i32
      %dma_wait3A_77 = arith.constant 0 : i32
      %dma_wait3A_78 = tpu.memref_slice %arg9[%scan3A_27, %dma_wait3A_76, %dma_wait3A_77] : memref<2x96x128xf32, #tpu.memory_space<vmem>> -> memref<1x96x128xf32, #tpu.memory_space<vmem>>
      %dma_wait3A_79 = tpu.memref_squeeze %dma_wait3A_78 : memref<1x96x128xf32, #tpu.memory_space<vmem>> -> memref<96x128xf32, #tpu.memory_space<vmem>>
      %dma_wait3A_80 = arith.constant 96 : i32
      %dma_wait3A_81 = tpu.memref_slice %arg7[%dma_wait3A_80] : memref<10080xi32, #tpu.memory_space<vmem>> -> memref<96xi32, #tpu.memory_space<vmem>>
      %dma_wait3A_82 = arith.constant 0 : i32
      %dma_wait3A_83 = arith.constant 0 : i32
      %dma_wait3A_84 = tpu.memref_slice %arg2[%dma_wait3A_82, %dma_wait3A_83] : memref<10000x128xf32, #tpu.memory_space<hbm>> -> memref<10000x128xf32, #tpu.memory_space<hbm>>
      tpu.wait_indirect_dma semaphore(%arg12 : memref<!tpu.dma_semaphore, #tpu.memory_space<semaphore_mem>>) src(%dma_wait3A_84 : memref<10000x128xf32, #tpu.memory_space<hbm>>) dst(%dma_wait3A_79 : memref<96x128xf32, #tpu.memory_space<vmem>>)
      %add3A_85 = arith.constant 1 : i32
      %add3A_86 = arith.addi %mul3A_55, %add3A_85 : i32
      %run_scoped3A_87 = arith.constant 1 : i32
      "tpu.region"() ({
        %run_scoped3A_97 = tpu.sem_alloc : memref<!tpu.dma_semaphore, #tpu.memory_space<semaphore_mem>>
        %dma_start3A_98 = arith.constant 0 : i32
        %dma_start3A_99 = arith.constant 0 : i32
        %dma_start3A_100 = tpu.memref_slice %arg9[%run_scoped3A_87, %dma_start3A_98, %dma_start3A_99] : memref<2x96x128xf32, #tpu.memory_space<vmem>> -> memref<1x96x128xf32, #tpu.memory_space<vmem>>
        %dma_start3A_101 = tpu.memref_squeeze %dma_start3A_100 : memref<1x96x128xf32, #tpu.memory_space<vmem>> -> memref<96x128xf32, #tpu.memory_space<vmem>>
        %dma_start3A_102 = arith.constant 0 : i32
        %dma_start3A_103 = tpu.memref_slice %arg8[%add3A_86, %dma_start3A_102] : memref<105x96xi32, #tpu.memory_space<vmem>> -> memref<1x96xi32, #tpu.memory_space<vmem>>
        %dma_start3A_104 = tpu.memref_squeeze %dma_start3A_103 : memref<1x96xi32, #tpu.memory_space<vmem>> -> memref<96xi32, #tpu.memory_space<vmem>>
        %dma_start3A_105 = arith.constant 0 : i32
        %dma_start3A_106 = arith.constant 0 : i32
        %dma_start3A_107 = tpu.memref_slice %arg10[%dma_start3A_105, %dma_start3A_106] : memref<10008x128xf32, #tpu.memory_space<vmem_shared>> -> memref<10008x128xf32, #tpu.memory_space<vmem_shared>>
        tpu.enqueue_indirect_dma source(%dma_start3A_101 : memref<96x128xf32, #tpu.memory_space<vmem>>) target(%dma_start3A_107 : memref<10008x128xf32, #tpu.memory_space<vmem_shared>>) offsets(%dma_start3A_104 : memref<96xi32, #tpu.memory_space<vmem>>) semaphore(%run_scoped3A_97 : memref<!tpu.dma_semaphore, #tpu.memory_space<semaphore_mem>>) {add = true}
        %dma_wait3A_108 = arith.constant 0 : i32
        %dma_wait3A_109 = arith.constant 0 : i32
        %dma_wait3A_110 = tpu.memref_slice %arg9[%run_scoped3A_87, %dma_wait3A_108, %dma_wait3A_109] : memref<2x96x128xf32, #tpu.memory_space<vmem>> -> memref<1x96x128xf32, #tpu.memory_space<vmem>>
        %dma_wait3A_111 = tpu.memref_squeeze %dma_wait3A_110 : memref<1x96x128xf32, #tpu.memory_space<vmem>> -> memref<96x128xf32, #tpu.memory_space<vmem>>
        %dma_wait3A_112 = arith.constant 0 : i32
        %dma_wait3A_113 = tpu.memref_slice %arg8[%add3A_86, %dma_wait3A_112] : memref<105x96xi32, #tpu.memory_space<vmem>> -> memref<1x96xi32, #tpu.memory_space<vmem>>
        %dma_wait3A_114 = tpu.memref_squeeze %dma_wait3A_113 : memref<1x96xi32, #tpu.memory_space<vmem>> -> memref<96xi32, #tpu.memory_space<vmem>>
        %dma_wait3A_115 = arith.constant 0 : i32
        %dma_wait3A_116 = arith.constant 0 : i32
        %dma_wait3A_117 = tpu.memref_slice %arg10[%dma_wait3A_115, %dma_wait3A_116] : memref<10008x128xf32, #tpu.memory_space<vmem_shared>> -> memref<10008x128xf32, #tpu.memory_space<vmem_shared>>
        tpu.wait_indirect_dma semaphore(%run_scoped3A_97 : memref<!tpu.dma_semaphore, #tpu.memory_space<semaphore_mem>>) src(%dma_wait3A_111 : memref<96x128xf32, #tpu.memory_space<vmem>>) dst(%dma_wait3A_117 : memref<10008x128xf32, #tpu.memory_space<vmem_shared>>)
        tpu.yield
      }) : () -> ()
      %add3A_88 = arith.constant 1 : i32
      %add3A_89 = arith.addi %mul3A_55, %add3A_88 : i32
      %add3A_90 = arith.constant 2 : i32
      %add3A_91 = arith.addi %add3A_89, %add3A_90 : i32
      %lt3A_92 = arith.constant 105 : i32
      %lt3A_93 = arith.cmpi slt, %add3A_91, %lt3A_92 : i32
      %convert_element_type3A_94 = arith.extui %lt3A_93 : i1 to i32
      %cond3A_95 = arith.constant 0 : i32
      %cond3A_96 = arith.cmpi ne, %convert_element_type3A_94, %cond3A_95 : i32
      scf.if %cond3A_96 {
        %add3A_97 = arith.constant 1 : i32
        %add3A_98 = arith.addi %mul3A_55, %add3A_97 : i32
        %add3A_99 = arith.constant 2 : i32
        %add3A_100 = arith.addi %add3A_98, %add3A_99 : i32
        %mul3A_101 = arith.constant 96 : i32
        %mul3A_102 = arith.muli %add3A_100, %mul3A_101 : i32
        %dma_start3A_103 = arith.constant 1 : i32
        %dma_start3A_104 = arith.constant 0 : i32
        %dma_start3A_105 = arith.constant 0 : i32
        %dma_start3A_106 = tpu.memref_slice %arg9[%dma_start3A_103, %dma_start3A_104, %dma_start3A_105] : memref<2x96x128xf32, #tpu.memory_space<vmem>> -> memref<1x96x128xf32, #tpu.memory_space<vmem>>
        %dma_start3A_107 = tpu.memref_squeeze %dma_start3A_106 : memref<1x96x128xf32, #tpu.memory_space<vmem>> -> memref<96x128xf32, #tpu.memory_space<vmem>>
        %dma_start3A_108 = tpu.memref_slice %arg7[%mul3A_102] : memref<10080xi32, #tpu.memory_space<vmem>> -> memref<96xi32, #tpu.memory_space<vmem>>
        %dma_start3A_109 = arith.constant 0 : i32
        %dma_start3A_110 = arith.constant 0 : i32
        %dma_start3A_111 = tpu.memref_slice %arg2[%dma_start3A_109, %dma_start3A_110] : memref<10000x128xf32, #tpu.memory_space<hbm>> -> memref<10000x128xf32, #tpu.memory_space<hbm>>
        tpu.enqueue_indirect_dma source(%dma_start3A_111 : memref<10000x128xf32, #tpu.memory_space<hbm>>) target(%dma_start3A_107 : memref<96x128xf32, #tpu.memory_space<vmem>>) offsets(%dma_start3A_108 : memref<96xi32, #tpu.memory_space<vmem>>) semaphore(%arg12 : memref<!tpu.dma_semaphore, #tpu.memory_space<semaphore_mem>>)
      } else {
      }
    }
    %scan3A_32 = arith.constant 52 : i32
    %dma_wait3A = arith.constant 0 : i32
    %dma_wait3A_33 = arith.constant 0 : i32
    %dma_wait3A_34 = arith.constant 0 : i32
    %dma_wait3A_35 = tpu.memref_slice %arg9[%dma_wait3A, %dma_wait3A_33, %dma_wait3A_34] : memref<2x96x128xf32, #tpu.memory_space<vmem>> -> memref<1x96x128xf32, #tpu.memory_space<vmem>>
    %dma_wait3A_36 = tpu.memref_squeeze %dma_wait3A_35 : memref<1x96x128xf32, #tpu.memory_space<vmem>> -> memref<96x128xf32, #tpu.memory_space<vmem>>
    %dma_wait3A_37 = arith.constant 0 : i32
    %dma_wait3A_38 = tpu.memref_slice %arg7[%dma_wait3A_37] : memref<10080xi32, #tpu.memory_space<vmem>> -> memref<96xi32, #tpu.memory_space<vmem>>
    %dma_wait3A_39 = arith.constant 0 : i32
    %dma_wait3A_40 = arith.constant 0 : i32
    %dma_wait3A_41 = tpu.memref_slice %arg2[%dma_wait3A_39, %dma_wait3A_40] : memref<10000x128xf32, #tpu.memory_space<hbm>> -> memref<10000x128xf32, #tpu.memory_space<hbm>>
    tpu.wait_indirect_dma semaphore(%arg11 : memref<!tpu.dma_semaphore, #tpu.memory_space<semaphore_mem>>) src(%dma_wait3A_41 : memref<10000x128xf32, #tpu.memory_space<hbm>>) dst(%dma_wait3A_36 : memref<96x128xf32, #tpu.memory_space<vmem>>)
    %run_scoped3A = arith.constant 0 : i32
    %run_scoped3A_42 = arith.constant 104 : i32
    "tpu.region"() ({
      %run_scoped3A_53 = tpu.sem_alloc : memref<!tpu.dma_semaphore, #tpu.memory_space<semaphore_mem>>
      %dma_start3A_54 = arith.constant 0 : i32
      %dma_start3A_55 = arith.constant 0 : i32
      %dma_start3A_56 = tpu.memref_slice %arg9[%run_scoped3A, %dma_start3A_54, %dma_start3A_55] : memref<2x96x128xf32, #tpu.memory_space<vmem>> -> memref<1x96x128xf32, #tpu.memory_space<vmem>>
      %dma_start3A_57 = tpu.memref_squeeze %dma_start3A_56 : memref<1x96x128xf32, #tpu.memory_space<vmem>> -> memref<96x128xf32, #tpu.memory_space<vmem>>
      %dma_start3A_58 = arith.constant 0 : i32
      %dma_start3A_59 = tpu.memref_slice %arg8[%run_scoped3A_42, %dma_start3A_58] : memref<105x96xi32, #tpu.memory_space<vmem>> -> memref<1x96xi32, #tpu.memory_space<vmem>>
      %dma_start3A_60 = tpu.memref_squeeze %dma_start3A_59 : memref<1x96xi32, #tpu.memory_space<vmem>> -> memref<96xi32, #tpu.memory_space<vmem>>
      %dma_start3A_61 = arith.constant 0 : i32
      %dma_start3A_62 = arith.constant 0 : i32
      %dma_start3A_63 = tpu.memref_slice %arg10[%dma_start3A_61, %dma_start3A_62] : memref<10008x128xf32, #tpu.memory_space<vmem_shared>> -> memref<10008x128xf32, #tpu.memory_space<vmem_shared>>
      tpu.enqueue_indirect_dma source(%dma_start3A_57 : memref<96x128xf32, #tpu.memory_space<vmem>>) target(%dma_start3A_63 : memref<10008x128xf32, #tpu.memory_space<vmem_shared>>) offsets(%dma_start3A_60 : memref<96xi32, #tpu.memory_space<vmem>>) semaphore(%run_scoped3A_53 : memref<!tpu.dma_semaphore, #tpu.memory_space<semaphore_mem>>) {add = true}
      %dma_wait3A_64 = arith.constant 0 : i32
      %dma_wait3A_65 = arith.constant 0 : i32
      %dma_wait3A_66 = tpu.memref_slice %arg9[%run_scoped3A, %dma_wait3A_64, %dma_wait3A_65] : memref<2x96x128xf32, #tpu.memory_space<vmem>> -> memref<1x96x128xf32, #tpu.memory_space<vmem>>
      %dma_wait3A_67 = tpu.memref_squeeze %dma_wait3A_66 : memref<1x96x128xf32, #tpu.memory_space<vmem>> -> memref<96x128xf32, #tpu.memory_space<vmem>>
      %dma_wait3A_68 = arith.constant 0 : i32
      %dma_wait3A_69 = tpu.memref_slice %arg8[%run_scoped3A_42, %dma_wait3A_68] : memref<105x96xi32, #tpu.memory_space<vmem>> -> memref<1x96xi32, #tpu.memory_space<vmem>>
      %dma_wait3A_70 = tpu.memref_squeeze %dma_wait3A_69 : memref<1x96xi32, #tpu.memory_space<vmem>> -> memref<96xi32, #tpu.memory_space<vmem>>
      %dma_wait3A_71 = arith.constant 0 : i32
      %dma_wait3A_72 = arith.constant 0 : i32
      %dma_wait3A_73 = tpu.memref_slice %arg10[%dma_wait3A_71, %dma_wait3A_72] : memref<10008x128xf32, #tpu.memory_space<vmem_shared>> -> memref<10008x128xf32, #tpu.memory_space<vmem_shared>>
      tpu.wait_indirect_dma semaphore(%run_scoped3A_53 : memref<!tpu.dma_semaphore, #tpu.memory_space<semaphore_mem>>) src(%dma_wait3A_67 : memref<96x128xf32, #tpu.memory_space<vmem>>) dst(%dma_wait3A_73 : memref<10008x128xf32, #tpu.memory_space<vmem_shared>>)
      tpu.yield
    }) : () -> ()
    %barrier3A_43 = arith.constant 0 : index
    tpu.barrier barrier_id(%barrier3A_43)
    %mul3A_44 = arith.constant 624 : i32
    %mul3A_45 = arith.muli %arg1, %mul3A_44 : i32
    %mul3A_46 = arith.constant 624 : i32
    %mul3A_47 = arith.muli %arg1, %mul3A_46 : i32
    "tpu.region"() ({
      %run_scoped3A_53 = tpu.sem_alloc : memref<!tpu.dma_semaphore, #tpu.memory_space<semaphore_mem>>
      %dma_start3A_54 = arith.constant 0 : i32
      %dma_start3A_55 = arith.constant 0 : i32
      %dma_start3A_56 = tpu.memref_slice %arg6[%arg0, %dma_start3A_54, %dma_start3A_55] : memref<2x10000x128xf32, #tpu.memory_space<hbm>> -> memref<1x10000x128xf32, #tpu.memory_space<hbm>>
      %dma_start3A_57 = tpu.memref_squeeze %dma_start3A_56 : memref<1x10000x128xf32, #tpu.memory_space<hbm>> -> memref<10000x128xf32, #tpu.memory_space<hbm>>
      %dma_start3A_58 = arith.constant 0 : i32
      %dma_start3A_59 = tpu.memref_slice %dma_start3A_57[%mul3A_47, %dma_start3A_58] : memref<10000x128xf32, #tpu.memory_space<hbm>> -> memref<624x128xf32, #tpu.memory_space<hbm>>
      %dma_start3A_60 = arith.constant 0 : i32
      %dma_start3A_61 = tpu.memref_slice %arg10[%mul3A_45, %dma_start3A_60] : memref<10008x128xf32, #tpu.memory_space<vmem_shared>> -> memref<624x128xf32, #tpu.memory_space<vmem_shared>>
      tpu.enqueue_dma source(%dma_start3A_61 : memref<624x128xf32, #tpu.memory_space<vmem_shared>>) target(%dma_start3A_59 : memref<624x128xf32, #tpu.memory_space<hbm>>) target_semaphore(%run_scoped3A_53 : memref<!tpu.dma_semaphore, #tpu.memory_space<semaphore_mem>>)
      %dma_wait3A_62 = arith.constant 0 : i32
      %dma_wait3A_63 = arith.constant 0 : i32
      %dma_wait3A_64 = tpu.memref_slice %arg6[%arg0, %dma_wait3A_62, %dma_wait3A_63] : memref<2x10000x128xf32, #tpu.memory_space<hbm>> -> memref<1x10000x128xf32, #tpu.memory_space<hbm>>
      %dma_wait3A_65 = tpu.memref_squeeze %dma_wait3A_64 : memref<1x10000x128xf32, #tpu.memory_space<hbm>> -> memref<10000x128xf32, #tpu.memory_space<hbm>>
      %dma_wait3A_66 = arith.constant 0 : i32
      %dma_wait3A_67 = tpu.memref_slice %dma_wait3A_65[%mul3A_47, %dma_wait3A_66] : memref<10000x128xf32, #tpu.memory_space<hbm>> -> memref<624x128xf32, #tpu.memory_space<hbm>>
      %dma_wait3A_68 = arith.constant 0 : i32
      %dma_wait3A_69 = tpu.memref_slice %arg10[%mul3A_45, %dma_wait3A_68] : memref<10008x128xf32, #tpu.memory_space<vmem_shared>> -> memref<624x128xf32, #tpu.memory_space<vmem_shared>>
      tpu.wait_dma2 semaphore(%run_scoped3A_53 : memref<!tpu.dma_semaphore, #tpu.memory_space<semaphore_mem>>) src(%dma_wait3A_69 : memref<624x128xf32, #tpu.memory_space<vmem_shared>>) dst(%dma_wait3A_67 : memref<624x128xf32, #tpu.memory_space<hbm>>)
      tpu.yield
    }) : () -> ()
    %eq3A_48 = arith.constant 15 : i32
    %eq3A_49 = arith.cmpi eq, %arg1, %eq3A_48 : i32
    %convert_element_type3A_50 = arith.extui %eq3A_49 : i1 to i32
    %cond3A_51 = arith.constant 0 : i32
    %cond3A_52 = arith.cmpi ne, %convert_element_type3A_50, %cond3A_51 : i32
    scf.if %cond3A_52 {
      "tpu.region"() ({
        %run_scoped3A_53 = tpu.sem_alloc : memref<!tpu.dma_semaphore, #tpu.memory_space<semaphore_mem>>
        %dma_start3A_54 = arith.constant 0 : i32
        %dma_start3A_55 = arith.constant 0 : i32
        %dma_start3A_56 = tpu.memref_slice %arg6[%arg0, %dma_start3A_54, %dma_start3A_55] : memref<2x10000x128xf32, #tpu.memory_space<hbm>> -> memref<1x10000x128xf32, #tpu.memory_space<hbm>>
        %dma_start3A_57 = tpu.memref_squeeze %dma_start3A_56 : memref<1x10000x128xf32, #tpu.memory_space<hbm>> -> memref<10000x128xf32, #tpu.memory_space<hbm>>
        %dma_start3A_58 = arith.constant 9984 : i32
        %dma_start3A_59 = arith.constant 0 : i32
        %dma_start3A_60 = tpu.memref_slice %dma_start3A_57[%dma_start3A_58, %dma_start3A_59] : memref<10000x128xf32, #tpu.memory_space<hbm>> -> memref<16x128xf32, #tpu.memory_space<hbm>>
        %dma_start3A_61 = arith.constant 9984 : i32
        %dma_start3A_62 = arith.constant 0 : i32
        %dma_start3A_63 = tpu.memref_slice %arg10[%dma_start3A_61, %dma_start3A_62] : memref<10008x128xf32, #tpu.memory_space<vmem_shared>> -> memref<16x128xf32, #tpu.memory_space<vmem_shared>>
        tpu.enqueue_dma source(%dma_start3A_63 : memref<16x128xf32, #tpu.memory_space<vmem_shared>>) target(%dma_start3A_60 : memref<16x128xf32, #tpu.memory_space<hbm>>) target_semaphore(%run_scoped3A_53 : memref<!tpu.dma_semaphore, #tpu.memory_space<semaphore_mem>>)
        %dma_wait3A_64 = arith.constant 0 : i32
        %dma_wait3A_65 = arith.constant 0 : i32
        %dma_wait3A_66 = tpu.memref_slice %arg6[%arg0, %dma_wait3A_64, %dma_wait3A_65] : memref<2x10000x128xf32, #tpu.memory_space<hbm>> -> memref<1x10000x128xf32, #tpu.memory_space<hbm>>
        %dma_wait3A_67 = tpu.memref_squeeze %dma_wait3A_66 : memref<1x10000x128xf32, #tpu.memory_space<hbm>> -> memref<10000x128xf32, #tpu.memory_space<hbm>>
        %dma_wait3A_68 = arith.constant 9984 : i32
        %dma_wait3A_69 = arith.constant 0 : i32
        %dma_wait3A_70 = tpu.memref_slice %dma_wait3A_67[%dma_wait3A_68, %dma_wait3A_69] : memref<10000x128xf32, #tpu.memory_space<hbm>> -> memref<16x128xf32, #tpu.memory_space<hbm>>
        %dma_wait3A_71 = arith.constant 9984 : i32
        %dma_wait3A_72 = arith.constant 0 : i32
        %dma_wait3A_73 = tpu.memref_slice %arg10[%dma_wait3A_71, %dma_wait3A_72] : memref<10008x128xf32, #tpu.memory_space<vmem_shared>> -> memref<16x128xf32, #tpu.memory_space<vmem_shared>>
        tpu.wait_dma2 semaphore(%run_scoped3A_53 : memref<!tpu.dma_semaphore, #tpu.memory_space<semaphore_mem>>) src(%dma_wait3A_73 : memref<16x128xf32, #tpu.memory_space<vmem_shared>>) dst(%dma_wait3A_70 : memref<16x128xf32, #tpu.memory_space<hbm>>)
        tpu.yield
      }) : () -> ()
    } else {
    }
    return
  }
}

#map = affine_map<(d0, d1) -> (0, 0)>
#map1 = affine_map<(d0, d1) -> (0)>
#map2 = affine_map<(d0, d1) -> (0, 0, 0)>
module attributes {stable_mosaic.version = 14 : i64} {
  func.func @agg(%arg0: i32, %arg1: i32, %arg2: memref<10000x128xf32, #tpu.memory_space<hbm>>, %arg3: memref<322560xi32, #tpu.memory_space<hbm>>, %arg4: memref<32x105x96xi32, #tpu.memory_space<hbm>>, %arg5: memref<624x128xf32, #tpu.memory_space<hbm>>, %arg6: memref<2x10000x128xf32, #tpu.memory_space<hbm>>, %arg7: memref<10080xi32, #tpu.memory_space<vmem>>, %arg8: memref<105x96xi32, #tpu.memory_space<vmem>>, %arg9: memref<2x96x128xf32, #tpu.memory_space<vmem>>, %arg10: memref<10008x128xf32, #tpu.memory_space<vmem_shared>>, %arg11: memref<!tpu.dma_semaphore, #tpu.memory_space<semaphore_mem>>, %arg12: memref<!tpu.dma_semaphore, #tpu.memory_space<semaphore_mem>>) attributes {dimension_semantics = [#tpu.dimension_semantics<core_parallel>, #tpu.dimension_semantics<subcore_parallel>], iteration_bounds = array<i64: 2, 16>, scalar_prefetch = 0 : i64, scratch_operands = 6 : i64, tpu.core_type = #tpu.core_type<sc_vector_subcore>, window_params = [{transform_indices = #map}, {transform_indices = #map1}, {transform_indices = #map2}, {transform_indices = #map}, {transform_indices = #map2}]} {
    %mul3A = arith.constant 16 : i32
    %mul3A_0 = arith.muli %arg0, %mul3A : i32
    %add3A = arith.addi %mul3A_0, %arg1 : i32
    %mul3A_1 = arith.constant 624 : i32
    %mul3A_2 = arith.muli %arg1, %mul3A_1 : i32
    "tpu.region"() ({
      %run_scoped3A_53 = tpu.sem_alloc : memref<!tpu.dma_semaphore, #tpu.memory_space<semaphore_mem>>
      %dma_start3A_54 = arith.constant 0 : i32
      %dma_start3A_55 = tpu.memref_slice %arg10[%mul3A_2, %dma_start3A_54] : memref<10008x128xf32, #tpu.memory_space<vmem_shared>> -> memref<624x128xf32, #tpu.memory_space<vmem_shared>>
      tpu.enqueue_dma source(%arg5 : memref<624x128xf32, #tpu.memory_space<hbm>>) target(%dma_start3A_55 : memref<624x128xf32, #tpu.memory_space<vmem_shared>>) target_semaphore(%run_scoped3A_53 : memref<!tpu.dma_semaphore, #tpu.memory_space<semaphore_mem>>)
      %dma_wait3A_56 = arith.constant 0 : i32
      %dma_wait3A_57 = tpu.memref_slice %arg10[%mul3A_2, %dma_wait3A_56] : memref<10008x128xf32, #tpu.memory_space<vmem_shared>> -> memref<624x128xf32, #tpu.memory_space<vmem_shared>>
      tpu.wait_dma2 semaphore(%run_scoped3A_53 : memref<!tpu.dma_semaphore, #tpu.memory_space<semaphore_mem>>) src(%arg5 : memref<624x128xf32, #tpu.memory_space<hbm>>) dst(%dma_wait3A_57 : memref<624x128xf32, #tpu.memory_space<vmem_shared>>)
      tpu.yield
    }) : () -> ()
    %eq3A = arith.constant 15 : i32
    %eq3A_3 = arith.cmpi eq, %arg1, %eq3A : i32
    %convert_element_type3A = arith.extui %eq3A_3 : i1 to i32
    %cond3A = arith.constant 0 : i32
    %cond3A_4 = arith.cmpi ne, %convert_element_type3A, %cond3A : i32
    scf.if %cond3A_4 {
      "tpu.region"() ({
        %run_scoped3A_53 = tpu.sem_alloc : memref<!tpu.dma_semaphore, #tpu.memory_space<semaphore_mem>>
        %dma_start3A_54 = arith.constant 9984 : i32
        %dma_start3A_55 = arith.constant 0 : i32
        %dma_start3A_56 = tpu.memref_slice %arg10[%dma_start3A_54, %dma_start3A_55] : memref<10008x128xf32, #tpu.memory_space<vmem_shared>> -> memref<16x128xf32, #tpu.memory_space<vmem_shared>>
        %dma_start3A_57 = arith.constant 0 : i32
        %dma_start3A_58 = arith.constant 0 : i32
        %dma_start3A_59 = tpu.memref_slice %arg5[%dma_start3A_57, %dma_start3A_58] : memref<624x128xf32, #tpu.memory_space<hbm>> -> memref<16x128xf32, #tpu.memory_space<hbm>>
        tpu.enqueue_dma source(%dma_start3A_59 : memref<16x128xf32, #tpu.memory_space<hbm>>) target(%dma_start3A_56 : memref<16x128xf32, #tpu.memory_space<vmem_shared>>) target_semaphore(%run_scoped3A_53 : memref<!tpu.dma_semaphore, #tpu.memory_space<semaphore_mem>>)
        %dma_wait3A_60 = arith.constant 9984 : i32
        %dma_wait3A_61 = arith.constant 0 : i32
        %dma_wait3A_62 = tpu.memref_slice %arg10[%dma_wait3A_60, %dma_wait3A_61] : memref<10008x128xf32, #tpu.memory_space<vmem_shared>> -> memref<16x128xf32, #tpu.memory_space<vmem_shared>>
        %dma_wait3A_63 = arith.constant 0 : i32
        %dma_wait3A_64 = arith.constant 0 : i32
        %dma_wait3A_65 = tpu.memref_slice %arg5[%dma_wait3A_63, %dma_wait3A_64] : memref<624x128xf32, #tpu.memory_space<hbm>> -> memref<16x128xf32, #tpu.memory_space<hbm>>
        tpu.wait_dma2 semaphore(%run_scoped3A_53 : memref<!tpu.dma_semaphore, #tpu.memory_space<semaphore_mem>>) src(%dma_wait3A_65 : memref<16x128xf32, #tpu.memory_space<hbm>>) dst(%dma_wait3A_62 : memref<16x128xf32, #tpu.memory_space<vmem_shared>>)
        tpu.yield
      }) : () -> ()
    } else {
    }
    %barrier3A = arith.constant 0 : index
    tpu.barrier barrier_id(%barrier3A)
    %mul3A_5 = arith.constant 10080 : i32
    %mul3A_6 = arith.muli %add3A, %mul3A_5 : i32
    "tpu.region"() ({
      %run_scoped3A_53 = tpu.sem_alloc : memref<!tpu.dma_semaphore, #tpu.memory_space<semaphore_mem>>
      %dma_start3A_54 = tpu.memref_slice %arg3[%mul3A_6] : memref<322560xi32, #tpu.memory_space<hbm>> -> memref<10080xi32, #tpu.memory_space<hbm>>
      %dma_start3A_55 = tpu.memref_slice %arg3[%mul3A_6] : memref<322560xi32, #tpu.memory_space<hbm>> -> memref<10080xi32, #tpu.memory_space<hbm>>
      tpu.enqueue_dma source(%dma_start3A_55 : memref<10080xi32, #tpu.memory_space<hbm>>) target(%arg7 : memref<10080xi32, #tpu.memory_space<vmem>>) target_semaphore(%run_scoped3A_53 : memref<!tpu.dma_semaphore, #tpu.memory_space<semaphore_mem>>)
      %dma_wait3A_56 = tpu.memref_slice %arg3[%mul3A_6] : memref<322560xi32, #tpu.memory_space<hbm>> -> memref<10080xi32, #tpu.memory_space<hbm>>
      %dma_wait3A_57 = tpu.memref_slice %arg3[%mul3A_6] : memref<322560xi32, #tpu.memory_space<hbm>> -> memref<10080xi32, #tpu.memory_space<hbm>>
      tpu.wait_dma2 semaphore(%run_scoped3A_53 : memref<!tpu.dma_semaphore, #tpu.memory_space<semaphore_mem>>) src(%dma_wait3A_57 : memref<10080xi32, #tpu.memory_space<hbm>>) dst(%arg7 : memref<10080xi32, #tpu.memory_space<vmem>>)
      tpu.yield
    }) : () -> ()
    "tpu.region"() ({
      %run_scoped3A_53 = tpu.sem_alloc : memref<!tpu.dma_semaphore, #tpu.memory_space<semaphore_mem>>
      %dma_start3A_54 = arith.constant 0 : i32
      %dma_start3A_55 = arith.constant 0 : i32
      %dma_start3A_56 = tpu.memref_slice %arg4[%add3A, %dma_start3A_54, %dma_start3A_55] : memref<32x105x96xi32, #tpu.memory_space<hbm>> -> memref<1x105x96xi32, #tpu.memory_space<hbm>>
      %dma_start3A_57 = tpu.memref_squeeze %dma_start3A_56 : memref<1x105x96xi32, #tpu.memory_space<hbm>> -> memref<105x96xi32, #tpu.memory_space<hbm>>
      %dma_start3A_58 = arith.constant 0 : i32
      %dma_start3A_59 = arith.constant 0 : i32
      %dma_start3A_60 = tpu.memref_slice %arg4[%add3A, %dma_start3A_58, %dma_start3A_59] : memref<32x105x96xi32, #tpu.memory_space<hbm>> -> memref<1x105x96xi32, #tpu.memory_space<hbm>>
      %dma_start3A_61 = tpu.memref_squeeze %dma_start3A_60 : memref<1x105x96xi32, #tpu.memory_space<hbm>> -> memref<105x96xi32, #tpu.memory_space<hbm>>
      tpu.enqueue_dma source(%dma_start3A_61 : memref<105x96xi32, #tpu.memory_space<hbm>>) target(%arg8 : memref<105x96xi32, #tpu.memory_space<vmem>>) target_semaphore(%run_scoped3A_53 : memref<!tpu.dma_semaphore, #tpu.memory_space<semaphore_mem>>)
      %dma_wait3A_62 = arith.constant 0 : i32
      %dma_wait3A_63 = arith.constant 0 : i32
      %dma_wait3A_64 = tpu.memref_slice %arg4[%add3A, %dma_wait3A_62, %dma_wait3A_63] : memref<32x105x96xi32, #tpu.memory_space<hbm>> -> memref<1x105x96xi32, #tpu.memory_space<hbm>>
      %dma_wait3A_65 = tpu.memref_squeeze %dma_wait3A_64 : memref<1x105x96xi32, #tpu.memory_space<hbm>> -> memref<105x96xi32, #tpu.memory_space<hbm>>
      %dma_wait3A_66 = arith.constant 0 : i32
      %dma_wait3A_67 = arith.constant 0 : i32
      %dma_wait3A_68 = tpu.memref_slice %arg4[%add3A, %dma_wait3A_66, %dma_wait3A_67] : memref<32x105x96xi32, #tpu.memory_space<hbm>> -> memref<1x105x96xi32, #tpu.memory_space<hbm>>
      %dma_wait3A_69 = tpu.memref_squeeze %dma_wait3A_68 : memref<1x105x96xi32, #tpu.memory_space<hbm>> -> memref<105x96xi32, #tpu.memory_space<hbm>>
      tpu.wait_dma2 semaphore(%run_scoped3A_53 : memref<!tpu.dma_semaphore, #tpu.memory_space<semaphore_mem>>) src(%dma_wait3A_69 : memref<105x96xi32, #tpu.memory_space<hbm>>) dst(%arg8 : memref<105x96xi32, #tpu.memory_space<vmem>>)
      tpu.yield
    }) : () -> ()
    %dma_start3A = arith.constant 0 : i32
    %dma_start3A_7 = arith.constant 0 : i32
    %dma_start3A_8 = arith.constant 0 : i32
    %dma_start3A_9 = tpu.memref_slice %arg9[%dma_start3A, %dma_start3A_7, %dma_start3A_8] : memref<2x96x128xf32, #tpu.memory_space<vmem>> -> memref<1x96x128xf32, #tpu.memory_space<vmem>>
    %dma_start3A_10 = tpu.memref_squeeze %dma_start3A_9 : memref<1x96x128xf32, #tpu.memory_space<vmem>> -> memref<96x128xf32, #tpu.memory_space<vmem>>
    %dma_start3A_11 = arith.constant 0 : i32
    %dma_start3A_12 = tpu.memref_slice %arg7[%dma_start3A_11] : memref<10080xi32, #tpu.memory_space<vmem>> -> memref<96xi32, #tpu.memory_space<vmem>>
    %dma_start3A_13 = arith.constant 0 : i32
    %dma_start3A_14 = arith.constant 0 : i32
    %dma_start3A_15 = tpu.memref_slice %arg2[%dma_start3A_13, %dma_start3A_14] : memref<10000x128xf32, #tpu.memory_space<hbm>> -> memref<10000x128xf32, #tpu.memory_space<hbm>>
    tpu.enqueue_indirect_dma source(%dma_start3A_15 : memref<10000x128xf32, #tpu.memory_space<hbm>>) target(%dma_start3A_10 : memref<96x128xf32, #tpu.memory_space<vmem>>) offsets(%dma_start3A_12 : memref<96xi32, #tpu.memory_space<vmem>>) semaphore(%arg11 : memref<!tpu.dma_semaphore, #tpu.memory_space<semaphore_mem>>)
    %dma_start3A_16 = arith.constant 1 : i32
    %dma_start3A_17 = arith.constant 0 : i32
    %dma_start3A_18 = arith.constant 0 : i32
    %dma_start3A_19 = tpu.memref_slice %arg9[%dma_start3A_16, %dma_start3A_17, %dma_start3A_18] : memref<2x96x128xf32, #tpu.memory_space<vmem>> -> memref<1x96x128xf32, #tpu.memory_space<vmem>>
    %dma_start3A_20 = tpu.memref_squeeze %dma_start3A_19 : memref<1x96x128xf32, #tpu.memory_space<vmem>> -> memref<96x128xf32, #tpu.memory_space<vmem>>
    %dma_start3A_21 = arith.constant 96 : i32
    %dma_start3A_22 = tpu.memref_slice %arg7[%dma_start3A_21] : memref<10080xi32, #tpu.memory_space<vmem>> -> memref<96xi32, #tpu.memory_space<vmem>>
    %dma_start3A_23 = arith.constant 0 : i32
    %dma_start3A_24 = arith.constant 0 : i32
    %dma_start3A_25 = tpu.memref_slice %arg2[%dma_start3A_23, %dma_start3A_24] : memref<10000x128xf32, #tpu.memory_space<hbm>> -> memref<10000x128xf32, #tpu.memory_space<hbm>>
    tpu.enqueue_indirect_dma source(%dma_start3A_25 : memref<10000x128xf32, #tpu.memory_space<hbm>>) target(%dma_start3A_20 : memref<96x128xf32, #tpu.memory_space<vmem>>) offsets(%dma_start3A_22 : memref<96xi32, #tpu.memory_space<vmem>>) semaphore(%arg12 : memref<!tpu.dma_semaphore, #tpu.memory_space<semaphore_mem>>)
    %scan3A = arith.constant 0 : i32
    %scan3A_26 = arith.constant 0 : i32
    %scan3A_27 = arith.constant 1 : i32
    %scan3A_28 = arith.constant 0 : i32
    %scan3A_29 = arith.constant 52 : i32
    %scan3A_30 = arith.addi %scan3A_28, %scan3A_29 : i32
    %scan3A_31 = arith.constant 1 : i32
    scf.for %scan3A_53 = %scan3A_28 to %scan3A_30 step %scan3A_31  : i32 {
      %mul3A_54 = arith.constant 2 : i32
      %mul3A_55 = arith.muli %scan3A_53, %mul3A_54 : i32
      %dma_wait3A_56 = arith.constant 0 : i32
      %dma_wait3A_57 = arith.constant 0 : i32
      %dma_wait3A_58 = tpu.memref_slice %arg9[%scan3A_26, %dma_wait3A_56, %dma_wait3A_57] : memref<2x96x128xf32, #tpu.memory_space<vmem>> -> memref<1x96x128xf32, #tpu.memory_space<vmem>>
      %dma_wait3A_59 = tpu.memref_squeeze %dma_wait3A_58 : memref<1x96x128xf32, #tpu.memory_space<vmem>> -> memref<96x128xf32, #tpu.memory_space<vmem>>
      %dma_wait3A_60 = arith.constant 0 : i32
      %dma_wait3A_61 = tpu.memref_slice %arg7[%dma_wait3A_60] : memref<10080xi32, #tpu.memory_space<vmem>> -> memref<96xi32, #tpu.memory_space<vmem>>
      %dma_wait3A_62 = arith.constant 0 : i32
      %dma_wait3A_63 = arith.constant 0 : i32
      %dma_wait3A_64 = tpu.memref_slice %arg2[%dma_wait3A_62, %dma_wait3A_63] : memref<10000x128xf32, #tpu.memory_space<hbm>> -> memref<10000x128xf32, #tpu.memory_space<hbm>>
      tpu.wait_indirect_dma semaphore(%arg11 : memref<!tpu.dma_semaphore, #tpu.memory_space<semaphore_mem>>) src(%dma_wait3A_64 : memref<10000x128xf32, #tpu.memory_space<hbm>>) dst(%dma_wait3A_59 : memref<96x128xf32, #tpu.memory_space<vmem>>)
      %add3A_65 = arith.constant 0 : i32
      %add3A_66 = arith.addi %mul3A_55, %add3A_65 : i32
      %run_scoped3A_67 = arith.constant 0 : i32
      "tpu.region"() ({
        %run_scoped3A_97 = tpu.sem_alloc : memref<!tpu.dma_semaphore, #tpu.memory_space<semaphore_mem>>
        %dma_start3A_98 = arith.constant 0 : i32
        %dma_start3A_99 = arith.constant 0 : i32
        %dma_start3A_100 = tpu.memref_slice %arg9[%run_scoped3A_67, %dma_start3A_98, %dma_start3A_99] : memref<2x96x128xf32, #tpu.memory_space<vmem>> -> memref<1x96x128xf32, #tpu.memory_space<vmem>>
        %dma_start3A_101 = tpu.memref_squeeze %dma_start3A_100 : memref<1x96x128xf32, #tpu.memory_space<vmem>> -> memref<96x128xf32, #tpu.memory_space<vmem>>
        %dma_start3A_102 = arith.constant 0 : i32
        %dma_start3A_103 = tpu.memref_slice %arg8[%add3A_66, %dma_start3A_102] : memref<105x96xi32, #tpu.memory_space<vmem>> -> memref<1x96xi32, #tpu.memory_space<vmem>>
        %dma_start3A_104 = tpu.memref_squeeze %dma_start3A_103 : memref<1x96xi32, #tpu.memory_space<vmem>> -> memref<96xi32, #tpu.memory_space<vmem>>
        %dma_start3A_105 = arith.constant 0 : i32
        %dma_start3A_106 = arith.constant 0 : i32
        %dma_start3A_107 = tpu.memref_slice %arg10[%dma_start3A_105, %dma_start3A_106] : memref<10008x128xf32, #tpu.memory_space<vmem_shared>> -> memref<10008x128xf32, #tpu.memory_space<vmem_shared>>
        tpu.enqueue_indirect_dma source(%dma_start3A_101 : memref<96x128xf32, #tpu.memory_space<vmem>>) target(%dma_start3A_107 : memref<10008x128xf32, #tpu.memory_space<vmem_shared>>) offsets(%dma_start3A_104 : memref<96xi32, #tpu.memory_space<vmem>>) semaphore(%run_scoped3A_97 : memref<!tpu.dma_semaphore, #tpu.memory_space<semaphore_mem>>) {add = true}
        %dma_wait3A_108 = arith.constant 0 : i32
        %dma_wait3A_109 = arith.constant 0 : i32
        %dma_wait3A_110 = tpu.memref_slice %arg9[%run_scoped3A_67, %dma_wait3A_108, %dma_wait3A_109] : memref<2x96x128xf32, #tpu.memory_space<vmem>> -> memref<1x96x128xf32, #tpu.memory_space<vmem>>
        %dma_wait3A_111 = tpu.memref_squeeze %dma_wait3A_110 : memref<1x96x128xf32, #tpu.memory_space<vmem>> -> memref<96x128xf32, #tpu.memory_space<vmem>>
        %dma_wait3A_112 = arith.constant 0 : i32
        %dma_wait3A_113 = tpu.memref_slice %arg8[%add3A_66, %dma_wait3A_112] : memref<105x96xi32, #tpu.memory_space<vmem>> -> memref<1x96xi32, #tpu.memory_space<vmem>>
        %dma_wait3A_114 = tpu.memref_squeeze %dma_wait3A_113 : memref<1x96xi32, #tpu.memory_space<vmem>> -> memref<96xi32, #tpu.memory_space<vmem>>
        %dma_wait3A_115 = arith.constant 0 : i32
        %dma_wait3A_116 = arith.constant 0 : i32
        %dma_wait3A_117 = tpu.memref_slice %arg10[%dma_wait3A_115, %dma_wait3A_116] : memref<10008x128xf32, #tpu.memory_space<vmem_shared>> -> memref<10008x128xf32, #tpu.memory_space<vmem_shared>>
        tpu.wait_indirect_dma semaphore(%run_scoped3A_97 : memref<!tpu.dma_semaphore, #tpu.memory_space<semaphore_mem>>) src(%dma_wait3A_111 : memref<96x128xf32, #tpu.memory_space<vmem>>) dst(%dma_wait3A_117 : memref<10008x128xf32, #tpu.memory_space<vmem_shared>>)
        tpu.yield
      }) : () -> ()
      %add3A_68 = arith.constant 0 : i32
      %add3A_69 = arith.addi %mul3A_55, %add3A_68 : i32
      %add3A_70 = arith.constant 2 : i32
      %add3A_71 = arith.addi %add3A_69, %add3A_70 : i32
      %lt3A = arith.constant 105 : i32
      %lt3A_72 = arith.cmpi slt, %add3A_71, %lt3A : i32
      %convert_element_type3A_73 = arith.extui %lt3A_72 : i1 to i32
      %cond3A_74 = arith.constant 0 : i32
      %cond3A_75 = arith.cmpi ne, %convert_element_type3A_73, %cond3A_74 : i32
      scf.if %cond3A_75 {
        %add3A_97 = arith.constant 0 : i32
        %add3A_98 = arith.addi %mul3A_55, %add3A_97 : i32
        %add3A_99 = arith.constant 2 : i32
        %add3A_100 = arith.addi %add3A_98, %add3A_99 : i32
        %mul3A_101 = arith.constant 96 : i32
        %mul3A_102 = arith.muli %add3A_100, %mul3A_101 : i32
        %dma_start3A_103 = arith.constant 0 : i32
        %dma_start3A_104 = arith.constant 0 : i32
        %dma_start3A_105 = arith.constant 0 : i32
        %dma_start3A_106 = tpu.memref_slice %arg9[%dma_start3A_103, %dma_start3A_104, %dma_start3A_105] : memref<2x96x128xf32, #tpu.memory_space<vmem>> -> memref<1x96x128xf32, #tpu.memory_space<vmem>>
        %dma_start3A_107 = tpu.memref_squeeze %dma_start3A_106 : memref<1x96x128xf32, #tpu.memory_space<vmem>> -> memref<96x128xf32, #tpu.memory_space<vmem>>
        %dma_start3A_108 = tpu.memref_slice %arg7[%mul3A_102] : memref<10080xi32, #tpu.memory_space<vmem>> -> memref<96xi32, #tpu.memory_space<vmem>>
        %dma_start3A_109 = arith.constant 0 : i32
        %dma_start3A_110 = arith.constant 0 : i32
        %dma_start3A_111 = tpu.memref_slice %arg2[%dma_start3A_109, %dma_start3A_110] : memref<10000x128xf32, #tpu.memory_space<hbm>> -> memref<10000x128xf32, #tpu.memory_space<hbm>>
        tpu.enqueue_indirect_dma source(%dma_start3A_111 : memref<10000x128xf32, #tpu.memory_space<hbm>>) target(%dma_start3A_107 : memref<96x128xf32, #tpu.memory_space<vmem>>) offsets(%dma_start3A_108 : memref<96xi32, #tpu.memory_space<vmem>>) semaphore(%arg11 : memref<!tpu.dma_semaphore, #tpu.memory_space<semaphore_mem>>)
      } else {
      }
      %dma_wait3A_76 = arith.constant 0 : i32
      %dma_wait3A_77 = arith.constant 0 : i32
      %dma_wait3A_78 = tpu.memref_slice %arg9[%scan3A_27, %dma_wait3A_76, %dma_wait3A_77] : memref<2x96x128xf32, #tpu.memory_space<vmem>> -> memref<1x96x128xf32, #tpu.memory_space<vmem>>
      %dma_wait3A_79 = tpu.memref_squeeze %dma_wait3A_78 : memref<1x96x128xf32, #tpu.memory_space<vmem>> -> memref<96x128xf32, #tpu.memory_space<vmem>>
      %dma_wait3A_80 = arith.constant 96 : i32
      %dma_wait3A_81 = tpu.memref_slice %arg7[%dma_wait3A_80] : memref<10080xi32, #tpu.memory_space<vmem>> -> memref<96xi32, #tpu.memory_space<vmem>>
      %dma_wait3A_82 = arith.constant 0 : i32
      %dma_wait3A_83 = arith.constant 0 : i32
      %dma_wait3A_84 = tpu.memref_slice %arg2[%dma_wait3A_82, %dma_wait3A_83] : memref<10000x128xf32, #tpu.memory_space<hbm>> -> memref<10000x128xf32, #tpu.memory_space<hbm>>
      tpu.wait_indirect_dma semaphore(%arg12 : memref<!tpu.dma_semaphore, #tpu.memory_space<semaphore_mem>>) src(%dma_wait3A_84 : memref<10000x128xf32, #tpu.memory_space<hbm>>) dst(%dma_wait3A_79 : memref<96x128xf32, #tpu.memory_space<vmem>>)
      %add3A_85 = arith.constant 1 : i32
      %add3A_86 = arith.addi %mul3A_55, %add3A_85 : i32
      %run_scoped3A_87 = arith.constant 1 : i32
      "tpu.region"() ({
        %run_scoped3A_97 = tpu.sem_alloc : memref<!tpu.dma_semaphore, #tpu.memory_space<semaphore_mem>>
        %dma_start3A_98 = arith.constant 0 : i32
        %dma_start3A_99 = arith.constant 0 : i32
        %dma_start3A_100 = tpu.memref_slice %arg9[%run_scoped3A_87, %dma_start3A_98, %dma_start3A_99] : memref<2x96x128xf32, #tpu.memory_space<vmem>> -> memref<1x96x128xf32, #tpu.memory_space<vmem>>
        %dma_start3A_101 = tpu.memref_squeeze %dma_start3A_100 : memref<1x96x128xf32, #tpu.memory_space<vmem>> -> memref<96x128xf32, #tpu.memory_space<vmem>>
        %dma_start3A_102 = arith.constant 0 : i32
        %dma_start3A_103 = tpu.memref_slice %arg8[%add3A_86, %dma_start3A_102] : memref<105x96xi32, #tpu.memory_space<vmem>> -> memref<1x96xi32, #tpu.memory_space<vmem>>
        %dma_start3A_104 = tpu.memref_squeeze %dma_start3A_103 : memref<1x96xi32, #tpu.memory_space<vmem>> -> memref<96xi32, #tpu.memory_space<vmem>>
        %dma_start3A_105 = arith.constant 0 : i32
        %dma_start3A_106 = arith.constant 0 : i32
        %dma_start3A_107 = tpu.memref_slice %arg10[%dma_start3A_105, %dma_start3A_106] : memref<10008x128xf32, #tpu.memory_space<vmem_shared>> -> memref<10008x128xf32, #tpu.memory_space<vmem_shared>>
        tpu.enqueue_indirect_dma source(%dma_start3A_101 : memref<96x128xf32, #tpu.memory_space<vmem>>) target(%dma_start3A_107 : memref<10008x128xf32, #tpu.memory_space<vmem_shared>>) offsets(%dma_start3A_104 : memref<96xi32, #tpu.memory_space<vmem>>) semaphore(%run_scoped3A_97 : memref<!tpu.dma_semaphore, #tpu.memory_space<semaphore_mem>>) {add = true}
        %dma_wait3A_108 = arith.constant 0 : i32
        %dma_wait3A_109 = arith.constant 0 : i32
        %dma_wait3A_110 = tpu.memref_slice %arg9[%run_scoped3A_87, %dma_wait3A_108, %dma_wait3A_109] : memref<2x96x128xf32, #tpu.memory_space<vmem>> -> memref<1x96x128xf32, #tpu.memory_space<vmem>>
        %dma_wait3A_111 = tpu.memref_squeeze %dma_wait3A_110 : memref<1x96x128xf32, #tpu.memory_space<vmem>> -> memref<96x128xf32, #tpu.memory_space<vmem>>
        %dma_wait3A_112 = arith.constant 0 : i32
        %dma_wait3A_113 = tpu.memref_slice %arg8[%add3A_86, %dma_wait3A_112] : memref<105x96xi32, #tpu.memory_space<vmem>> -> memref<1x96xi32, #tpu.memory_space<vmem>>
        %dma_wait3A_114 = tpu.memref_squeeze %dma_wait3A_113 : memref<1x96xi32, #tpu.memory_space<vmem>> -> memref<96xi32, #tpu.memory_space<vmem>>
        %dma_wait3A_115 = arith.constant 0 : i32
        %dma_wait3A_116 = arith.constant 0 : i32
        %dma_wait3A_117 = tpu.memref_slice %arg10[%dma_wait3A_115, %dma_wait3A_116] : memref<10008x128xf32, #tpu.memory_space<vmem_shared>> -> memref<10008x128xf32, #tpu.memory_space<vmem_shared>>
        tpu.wait_indirect_dma semaphore(%run_scoped3A_97 : memref<!tpu.dma_semaphore, #tpu.memory_space<semaphore_mem>>) src(%dma_wait3A_111 : memref<96x128xf32, #tpu.memory_space<vmem>>) dst(%dma_wait3A_117 : memref<10008x128xf32, #tpu.memory_space<vmem_shared>>)
        tpu.yield
      }) : () -> ()
      %add3A_88 = arith.constant 1 : i32
      %add3A_89 = arith.addi %mul3A_55, %add3A_88 : i32
      %add3A_90 = arith.constant 2 : i32
      %add3A_91 = arith.addi %add3A_89, %add3A_90 : i32
      %lt3A_92 = arith.constant 105 : i32
      %lt3A_93 = arith.cmpi slt, %add3A_91, %lt3A_92 : i32
      %convert_element_type3A_94 = arith.extui %lt3A_93 : i1 to i32
      %cond3A_95 = arith.constant 0 : i32
      %cond3A_96 = arith.cmpi ne, %convert_element_type3A_94, %cond3A_95 : i32
      scf.if %cond3A_96 {
        %add3A_97 = arith.constant 1 : i32
        %add3A_98 = arith.addi %mul3A_55, %add3A_97 : i32
        %add3A_99 = arith.constant 2 : i32
        %add3A_100 = arith.addi %add3A_98, %add3A_99 : i32
        %mul3A_101 = arith.constant 96 : i32
        %mul3A_102 = arith.muli %add3A_100, %mul3A_101 : i32
        %dma_start3A_103 = arith.constant 1 : i32
        %dma_start3A_104 = arith.constant 0 : i32
        %dma_start3A_105 = arith.constant 0 : i32
        %dma_start3A_106 = tpu.memref_slice %arg9[%dma_start3A_103, %dma_start3A_104, %dma_start3A_105] : memref<2x96x128xf32, #tpu.memory_space<vmem>> -> memref<1x96x128xf32, #tpu.memory_space<vmem>>
        %dma_start3A_107 = tpu.memref_squeeze %dma_start3A_106 : memref<1x96x128xf32, #tpu.memory_space<vmem>> -> memref<96x128xf32, #tpu.memory_space<vmem>>
        %dma_start3A_108 = tpu.memref_slice %arg7[%mul3A_102] : memref<10080xi32, #tpu.memory_space<vmem>> -> memref<96xi32, #tpu.memory_space<vmem>>
        %dma_start3A_109 = arith.constant 0 : i32
        %dma_start3A_110 = arith.constant 0 : i32
        %dma_start3A_111 = tpu.memref_slice %arg2[%dma_start3A_109, %dma_start3A_110] : memref<10000x128xf32, #tpu.memory_space<hbm>> -> memref<10000x128xf32, #tpu.memory_space<hbm>>
        tpu.enqueue_indirect_dma source(%dma_start3A_111 : memref<10000x128xf32, #tpu.memory_space<hbm>>) target(%dma_start3A_107 : memref<96x128xf32, #tpu.memory_space<vmem>>) offsets(%dma_start3A_108 : memref<96xi32, #tpu.memory_space<vmem>>) semaphore(%arg12 : memref<!tpu.dma_semaphore, #tpu.memory_space<semaphore_mem>>)
      } else {
      }
    }
    %scan3A_32 = arith.constant 52 : i32
    %dma_wait3A = arith.constant 0 : i32
    %dma_wait3A_33 = arith.constant 0 : i32
    %dma_wait3A_34 = arith.constant 0 : i32
    %dma_wait3A_35 = tpu.memref_slice %arg9[%dma_wait3A, %dma_wait3A_33, %dma_wait3A_34] : memref<2x96x128xf32, #tpu.memory_space<vmem>> -> memref<1x96x128xf32, #tpu.memory_space<vmem>>
    %dma_wait3A_36 = tpu.memref_squeeze %dma_wait3A_35 : memref<1x96x128xf32, #tpu.memory_space<vmem>> -> memref<96x128xf32, #tpu.memory_space<vmem>>
    %dma_wait3A_37 = arith.constant 0 : i32
    %dma_wait3A_38 = tpu.memref_slice %arg7[%dma_wait3A_37] : memref<10080xi32, #tpu.memory_space<vmem>> -> memref<96xi32, #tpu.memory_space<vmem>>
    %dma_wait3A_39 = arith.constant 0 : i32
    %dma_wait3A_40 = arith.constant 0 : i32
    %dma_wait3A_41 = tpu.memref_slice %arg2[%dma_wait3A_39, %dma_wait3A_40] : memref<10000x128xf32, #tpu.memory_space<hbm>> -> memref<10000x128xf32, #tpu.memory_space<hbm>>
    tpu.wait_indirect_dma semaphore(%arg11 : memref<!tpu.dma_semaphore, #tpu.memory_space<semaphore_mem>>) src(%dma_wait3A_41 : memref<10000x128xf32, #tpu.memory_space<hbm>>) dst(%dma_wait3A_36 : memref<96x128xf32, #tpu.memory_space<vmem>>)
    %run_scoped3A = arith.constant 0 : i32
    %run_scoped3A_42 = arith.constant 104 : i32
    "tpu.region"() ({
      %run_scoped3A_53 = tpu.sem_alloc : memref<!tpu.dma_semaphore, #tpu.memory_space<semaphore_mem>>
      %dma_start3A_54 = arith.constant 0 : i32
      %dma_start3A_55 = arith.constant 0 : i32
      %dma_start3A_56 = tpu.memref_slice %arg9[%run_scoped3A, %dma_start3A_54, %dma_start3A_55] : memref<2x96x128xf32, #tpu.memory_space<vmem>> -> memref<1x96x128xf32, #tpu.memory_space<vmem>>
      %dma_start3A_57 = tpu.memref_squeeze %dma_start3A_56 : memref<1x96x128xf32, #tpu.memory_space<vmem>> -> memref<96x128xf32, #tpu.memory_space<vmem>>
      %dma_start3A_58 = arith.constant 0 : i32
      %dma_start3A_59 = tpu.memref_slice %arg8[%run_scoped3A_42, %dma_start3A_58] : memref<105x96xi32, #tpu.memory_space<vmem>> -> memref<1x96xi32, #tpu.memory_space<vmem>>
      %dma_start3A_60 = tpu.memref_squeeze %dma_start3A_59 : memref<1x96xi32, #tpu.memory_space<vmem>> -> memref<96xi32, #tpu.memory_space<vmem>>
      %dma_start3A_61 = arith.constant 0 : i32
      %dma_start3A_62 = arith.constant 0 : i32
      %dma_start3A_63 = tpu.memref_slice %arg10[%dma_start3A_61, %dma_start3A_62] : memref<10008x128xf32, #tpu.memory_space<vmem_shared>> -> memref<10008x128xf32, #tpu.memory_space<vmem_shared>>
      tpu.enqueue_indirect_dma source(%dma_start3A_57 : memref<96x128xf32, #tpu.memory_space<vmem>>) target(%dma_start3A_63 : memref<10008x128xf32, #tpu.memory_space<vmem_shared>>) offsets(%dma_start3A_60 : memref<96xi32, #tpu.memory_space<vmem>>) semaphore(%run_scoped3A_53 : memref<!tpu.dma_semaphore, #tpu.memory_space<semaphore_mem>>) {add = true}
      %dma_wait3A_64 = arith.constant 0 : i32
      %dma_wait3A_65 = arith.constant 0 : i32
      %dma_wait3A_66 = tpu.memref_slice %arg9[%run_scoped3A, %dma_wait3A_64, %dma_wait3A_65] : memref<2x96x128xf32, #tpu.memory_space<vmem>> -> memref<1x96x128xf32, #tpu.memory_space<vmem>>
      %dma_wait3A_67 = tpu.memref_squeeze %dma_wait3A_66 : memref<1x96x128xf32, #tpu.memory_space<vmem>> -> memref<96x128xf32, #tpu.memory_space<vmem>>
      %dma_wait3A_68 = arith.constant 0 : i32
      %dma_wait3A_69 = tpu.memref_slice %arg8[%run_scoped3A_42, %dma_wait3A_68] : memref<105x96xi32, #tpu.memory_space<vmem>> -> memref<1x96xi32, #tpu.memory_space<vmem>>
      %dma_wait3A_70 = tpu.memref_squeeze %dma_wait3A_69 : memref<1x96xi32, #tpu.memory_space<vmem>> -> memref<96xi32, #tpu.memory_space<vmem>>
      %dma_wait3A_71 = arith.constant 0 : i32
      %dma_wait3A_72 = arith.constant 0 : i32
      %dma_wait3A_73 = tpu.memref_slice %arg10[%dma_wait3A_71, %dma_wait3A_72] : memref<10008x128xf32, #tpu.memory_space<vmem_shared>> -> memref<10008x128xf32, #tpu.memory_space<vmem_shared>>
      tpu.wait_indirect_dma semaphore(%run_scoped3A_53 : memref<!tpu.dma_semaphore, #tpu.memory_space<semaphore_mem>>) src(%dma_wait3A_67 : memref<96x128xf32, #tpu.memory_space<vmem>>) dst(%dma_wait3A_73 : memref<10008x128xf32, #tpu.memory_space<vmem_shared>>)
      tpu.yield
    }) : () -> ()
    %barrier3A_43 = arith.constant 0 : index
    tpu.barrier barrier_id(%barrier3A_43)
    %mul3A_44 = arith.constant 624 : i32
    %mul3A_45 = arith.muli %arg1, %mul3A_44 : i32
    %mul3A_46 = arith.constant 624 : i32
    %mul3A_47 = arith.muli %arg1, %mul3A_46 : i32
    "tpu.region"() ({
      %run_scoped3A_53 = tpu.sem_alloc : memref<!tpu.dma_semaphore, #tpu.memory_space<semaphore_mem>>
      %dma_start3A_54 = arith.constant 0 : i32
      %dma_start3A_55 = arith.constant 0 : i32
      %dma_start3A_56 = tpu.memref_slice %arg6[%arg0, %dma_start3A_54, %dma_start3A_55] : memref<2x10000x128xf32, #tpu.memory_space<hbm>> -> memref<1x10000x128xf32, #tpu.memory_space<hbm>>
      %dma_start3A_57 = tpu.memref_squeeze %dma_start3A_56 : memref<1x10000x128xf32, #tpu.memory_space<hbm>> -> memref<10000x128xf32, #tpu.memory_space<hbm>>
      %dma_start3A_58 = arith.constant 0 : i32
      %dma_start3A_59 = tpu.memref_slice %dma_start3A_57[%mul3A_47, %dma_start3A_58] : memref<10000x128xf32, #tpu.memory_space<hbm>> -> memref<624x128xf32, #tpu.memory_space<hbm>>
      %dma_start3A_60 = arith.constant 0 : i32
      %dma_start3A_61 = tpu.memref_slice %arg10[%mul3A_45, %dma_start3A_60] : memref<10008x128xf32, #tpu.memory_space<vmem_shared>> -> memref<624x128xf32, #tpu.memory_space<vmem_shared>>
      tpu.enqueue_dma source(%dma_start3A_61 : memref<624x128xf32, #tpu.memory_space<vmem_shared>>) target(%dma_start3A_59 : memref<624x128xf32, #tpu.memory_space<hbm>>) target_semaphore(%run_scoped3A_53 : memref<!tpu.dma_semaphore, #tpu.memory_space<semaphore_mem>>)
      %dma_wait3A_62 = arith.constant 0 : i32
      %dma_wait3A_63 = arith.constant 0 : i32
      %dma_wait3A_64 = tpu.memref_slice %arg6[%arg0, %dma_wait3A_62, %dma_wait3A_63] : memref<2x10000x128xf32, #tpu.memory_space<hbm>> -> memref<1x10000x128xf32, #tpu.memory_space<hbm>>
      %dma_wait3A_65 = tpu.memref_squeeze %dma_wait3A_64 : memref<1x10000x128xf32, #tpu.memory_space<hbm>> -> memref<10000x128xf32, #tpu.memory_space<hbm>>
      %dma_wait3A_66 = arith.constant 0 : i32
      %dma_wait3A_67 = tpu.memref_slice %dma_wait3A_65[%mul3A_47, %dma_wait3A_66] : memref<10000x128xf32, #tpu.memory_space<hbm>> -> memref<624x128xf32, #tpu.memory_space<hbm>>
      %dma_wait3A_68 = arith.constant 0 : i32
      %dma_wait3A_69 = tpu.memref_slice %arg10[%mul3A_45, %dma_wait3A_68] : memref<10008x128xf32, #tpu.memory_space<vmem_shared>> -> memref<624x128xf32, #tpu.memory_space<vmem_shared>>
      tpu.wait_dma2 semaphore(%run_scoped3A_53 : memref<!tpu.dma_semaphore, #tpu.memory_space<semaphore_mem>>) src(%dma_wait3A_69 : memref<624x128xf32, #tpu.memory_space<vmem_shared>>) dst(%dma_wait3A_67 : memref<624x128xf32, #tpu.memory_space<hbm>>)
      tpu.yield
    }) : () -> ()
    %eq3A_48 = arith.constant 15 : i32
    %eq3A_49 = arith.cmpi eq, %arg1, %eq3A_48 : i32
    %convert_element_type3A_50 = arith.extui %eq3A_49 : i1 to i32
    %cond3A_51 = arith.constant 0 : i32
    %cond3A_52 = arith.cmpi ne, %convert_element_type3A_50, %cond3A_51 : i32
    scf.if %cond3A_52 {
      "tpu.region"() ({
        %run_scoped3A_53 = tpu.sem_alloc : memref<!tpu.dma_semaphore, #tpu.memory_space<semaphore_mem>>
        %dma_start3A_54 = arith.constant 0 : i32
        %dma_start3A_55 = arith.constant 0 : i32
        %dma_start3A_56 = tpu.memref_slice %arg6[%arg0, %dma_start3A_54, %dma_start3A_55] : memref<2x10000x128xf32, #tpu.memory_space<hbm>> -> memref<1x10000x128xf32, #tpu.memory_space<hbm>>
        %dma_start3A_57 = tpu.memref_squeeze %dma_start3A_56 : memref<1x10000x128xf32, #tpu.memory_space<hbm>> -> memref<10000x128xf32, #tpu.memory_space<hbm>>
        %dma_start3A_58 = arith.constant 9984 : i32
        %dma_start3A_59 = arith.constant 0 : i32
        %dma_start3A_60 = tpu.memref_slice %dma_start3A_57[%dma_start3A_58, %dma_start3A_59] : memref<10000x128xf32, #tpu.memory_space<hbm>> -> memref<16x128xf32, #tpu.memory_space<hbm>>
        %dma_start3A_61 = arith.constant 9984 : i32
        %dma_start3A_62 = arith.constant 0 : i32
        %dma_start3A_63 = tpu.memref_slice %arg10[%dma_start3A_61, %dma_start3A_62] : memref<10008x128xf32, #tpu.memory_space<vmem_shared>> -> memref<16x128xf32, #tpu.memory_space<vmem_shared>>
        tpu.enqueue_dma source(%dma_start3A_63 : memref<16x128xf32, #tpu.memory_space<vmem_shared>>) target(%dma_start3A_60 : memref<16x128xf32, #tpu.memory_space<hbm>>) target_semaphore(%run_scoped3A_53 : memref<!tpu.dma_semaphore, #tpu.memory_space<semaphore_mem>>)
        %dma_wait3A_64 = arith.constant 0 : i32
        %dma_wait3A_65 = arith.constant 0 : i32
        %dma_wait3A_66 = tpu.memref_slice %arg6[%arg0, %dma_wait3A_64, %dma_wait3A_65] : memref<2x10000x128xf32, #tpu.memory_space<hbm>> -> memref<1x10000x128xf32, #tpu.memory_space<hbm>>
        %dma_wait3A_67 = tpu.memref_squeeze %dma_wait3A_66 : memref<1x10000x128xf32, #tpu.memory_space<hbm>> -> memref<10000x128xf32, #tpu.memory_space<hbm>>
        %dma_wait3A_68 = arith.constant 9984 : i32
        %dma_wait3A_69 = arith.constant 0 : i32
        %dma_wait3A_70 = tpu.memref_slice %dma_wait3A_67[%dma_wait3A_68, %dma_wait3A_69] : memref<10000x128xf32, #tpu.memory_space<hbm>> -> memref<16x128xf32, #tpu.memory_space<hbm>>
        %dma_wait3A_71 = arith.constant 9984 : i32
        %dma_wait3A_72 = arith.constant 0 : i32
        %dma_wait3A_73 = tpu.memref_slice %arg10[%dma_wait3A_71, %dma_wait3A_72] : memref<10008x128xf32, #tpu.memory_space<vmem_shared>> -> memref<16x128xf32, #tpu.memory_space<vmem_shared>>
        tpu.wait_dma2 semaphore(%run_scoped3A_53 : memref<!tpu.dma_semaphore, #tpu.memory_space<semaphore_mem>>) src(%dma_wait3A_73 : memref<16x128xf32, #tpu.memory_space<vmem_shared>>) dst(%dma_wait3A_70 : memref<16x128xf32, #tpu.memory_space<hbm>>)
        tpu.yield
      }) : () -> ()
    } else {
    }
    return
  }
}

#map = affine_map<(d0, d1) -> (0, 0, 0)>
#map1 = affine_map<(d0, d1) -> (0, 0)>
module attributes {stable_mosaic.version = 14 : i64} {
  func.func @degk(%arg0: i32, %arg1: i32, %arg2: memref<32x105x96xi32, #tpu.memory_space<hbm>>, %arg3: memref<96x128xf32, #tpu.memory_space<hbm>>, %arg4: memref<624x128xf32, #tpu.memory_space<hbm>>, %arg5: memref<2x10000x128xf32, #tpu.memory_space<hbm>>, %arg6: memref<105x96xi32, #tpu.memory_space<vmem>>, %arg7: memref<96x128xf32, #tpu.memory_space<vmem>>, %arg8: memref<10008x128xf32, #tpu.memory_space<vmem_shared>>) attributes {dimension_semantics = [#tpu.dimension_semantics<core_parallel>, #tpu.dimension_semantics<subcore_parallel>], iteration_bounds = array<i64: 2, 16>, scalar_prefetch = 0 : i64, scratch_operands = 3 : i64, tpu.core_type = #tpu.core_type<sc_vector_subcore>, window_params = [{transform_indices = #map}, {transform_indices = #map1}, {transform_indices = #map1}, {transform_indices = #map}]} {
    %mul3A = arith.constant 16 : i32
    %mul3A_0 = arith.muli %arg0, %mul3A : i32
    %add3A = arith.addi %mul3A_0, %arg1 : i32
    "tpu.region"() ({
      %run_scoped3A = tpu.sem_alloc : memref<!tpu.dma_semaphore, #tpu.memory_space<semaphore_mem>>
      tpu.enqueue_dma source(%arg3 : memref<96x128xf32, #tpu.memory_space<hbm>>) target(%arg7 : memref<96x128xf32, #tpu.memory_space<vmem>>) target_semaphore(%run_scoped3A : memref<!tpu.dma_semaphore, #tpu.memory_space<semaphore_mem>>)
      tpu.wait_dma2 semaphore(%run_scoped3A : memref<!tpu.dma_semaphore, #tpu.memory_space<semaphore_mem>>) src(%arg3 : memref<96x128xf32, #tpu.memory_space<hbm>>) dst(%arg7 : memref<96x128xf32, #tpu.memory_space<vmem>>)
      tpu.yield
    }) : () -> ()
    %mul3A_1 = arith.constant 624 : i32
    %mul3A_2 = arith.muli %arg1, %mul3A_1 : i32
    "tpu.region"() ({
      %run_scoped3A = tpu.sem_alloc : memref<!tpu.dma_semaphore, #tpu.memory_space<semaphore_mem>>
      %dma_start3A = arith.constant 0 : i32
      %dma_start3A_20 = tpu.memref_slice %arg8[%mul3A_2, %dma_start3A] : memref<10008x128xf32, #tpu.memory_space<vmem_shared>> -> memref<624x128xf32, #tpu.memory_space<vmem_shared>>
      tpu.enqueue_dma source(%arg4 : memref<624x128xf32, #tpu.memory_space<hbm>>) target(%dma_start3A_20 : memref<624x128xf32, #tpu.memory_space<vmem_shared>>) target_semaphore(%run_scoped3A : memref<!tpu.dma_semaphore, #tpu.memory_space<semaphore_mem>>)
      %dma_wait3A = arith.constant 0 : i32
      %dma_wait3A_21 = tpu.memref_slice %arg8[%mul3A_2, %dma_wait3A] : memref<10008x128xf32, #tpu.memory_space<vmem_shared>> -> memref<624x128xf32, #tpu.memory_space<vmem_shared>>
      tpu.wait_dma2 semaphore(%run_scoped3A : memref<!tpu.dma_semaphore, #tpu.memory_space<semaphore_mem>>) src(%arg4 : memref<624x128xf32, #tpu.memory_space<hbm>>) dst(%dma_wait3A_21 : memref<624x128xf32, #tpu.memory_space<vmem_shared>>)
      tpu.yield
    }) : () -> ()
    %eq3A = arith.constant 15 : i32
    %eq3A_3 = arith.cmpi eq, %arg1, %eq3A : i32
    %convert_element_type3A = arith.extui %eq3A_3 : i1 to i32
    %cond3A = arith.constant 0 : i32
    %cond3A_4 = arith.cmpi ne, %convert_element_type3A, %cond3A : i32
    scf.if %cond3A_4 {
      "tpu.region"() ({
        %run_scoped3A = tpu.sem_alloc : memref<!tpu.dma_semaphore, #tpu.memory_space<semaphore_mem>>
        %dma_start3A = arith.constant 9984 : i32
        %dma_start3A_20 = arith.constant 0 : i32
        %dma_start3A_21 = tpu.memref_slice %arg8[%dma_start3A, %dma_start3A_20] : memref<10008x128xf32, #tpu.memory_space<vmem_shared>> -> memref<16x128xf32, #tpu.memory_space<vmem_shared>>
        %dma_start3A_22 = arith.constant 0 : i32
        %dma_start3A_23 = arith.constant 0 : i32
        %dma_start3A_24 = tpu.memref_slice %arg4[%dma_start3A_22, %dma_start3A_23] : memref<624x128xf32, #tpu.memory_space<hbm>> -> memref<16x128xf32, #tpu.memory_space<hbm>>
        tpu.enqueue_dma source(%dma_start3A_24 : memref<16x128xf32, #tpu.memory_space<hbm>>) target(%dma_start3A_21 : memref<16x128xf32, #tpu.memory_space<vmem_shared>>) target_semaphore(%run_scoped3A : memref<!tpu.dma_semaphore, #tpu.memory_space<semaphore_mem>>)
        %dma_wait3A = arith.constant 9984 : i32
        %dma_wait3A_25 = arith.constant 0 : i32
        %dma_wait3A_26 = tpu.memref_slice %arg8[%dma_wait3A, %dma_wait3A_25] : memref<10008x128xf32, #tpu.memory_space<vmem_shared>> -> memref<16x128xf32, #tpu.memory_space<vmem_shared>>
        %dma_wait3A_27 = arith.constant 0 : i32
        %dma_wait3A_28 = arith.constant 0 : i32
        %dma_wait3A_29 = tpu.memref_slice %arg4[%dma_wait3A_27, %dma_wait3A_28] : memref<624x128xf32, #tpu.memory_space<hbm>> -> memref<16x128xf32, #tpu.memory_space<hbm>>
        tpu.wait_dma2 semaphore(%run_scoped3A : memref<!tpu.dma_semaphore, #tpu.memory_space<semaphore_mem>>) src(%dma_wait3A_29 : memref<16x128xf32, #tpu.memory_space<hbm>>) dst(%dma_wait3A_26 : memref<16x128xf32, #tpu.memory_space<vmem_shared>>)
        tpu.yield
      }) : () -> ()
    } else {
    }
    %barrier3A = arith.constant 0 : index
    tpu.barrier barrier_id(%barrier3A)
    "tpu.region"() ({
      %run_scoped3A = tpu.sem_alloc : memref<!tpu.dma_semaphore, #tpu.memory_space<semaphore_mem>>
      %dma_start3A = arith.constant 0 : i32
      %dma_start3A_20 = arith.constant 0 : i32
      %dma_start3A_21 = tpu.memref_slice %arg2[%add3A, %dma_start3A, %dma_start3A_20] : memref<32x105x96xi32, #tpu.memory_space<hbm>> -> memref<1x105x96xi32, #tpu.memory_space<hbm>>
      %dma_start3A_22 = tpu.memref_squeeze %dma_start3A_21 : memref<1x105x96xi32, #tpu.memory_space<hbm>> -> memref<105x96xi32, #tpu.memory_space<hbm>>
      %dma_start3A_23 = arith.constant 0 : i32
      %dma_start3A_24 = arith.constant 0 : i32
      %dma_start3A_25 = tpu.memref_slice %arg2[%add3A, %dma_start3A_23, %dma_start3A_24] : memref<32x105x96xi32, #tpu.memory_space<hbm>> -> memref<1x105x96xi32, #tpu.memory_space<hbm>>
      %dma_start3A_26 = tpu.memref_squeeze %dma_start3A_25 : memref<1x105x96xi32, #tpu.memory_space<hbm>> -> memref<105x96xi32, #tpu.memory_space<hbm>>
      tpu.enqueue_dma source(%dma_start3A_26 : memref<105x96xi32, #tpu.memory_space<hbm>>) target(%arg6 : memref<105x96xi32, #tpu.memory_space<vmem>>) target_semaphore(%run_scoped3A : memref<!tpu.dma_semaphore, #tpu.memory_space<semaphore_mem>>)
      %dma_wait3A = arith.constant 0 : i32
      %dma_wait3A_27 = arith.constant 0 : i32
      %dma_wait3A_28 = tpu.memref_slice %arg2[%add3A, %dma_wait3A, %dma_wait3A_27] : memref<32x105x96xi32, #tpu.memory_space<hbm>> -> memref<1x105x96xi32, #tpu.memory_space<hbm>>
      %dma_wait3A_29 = tpu.memref_squeeze %dma_wait3A_28 : memref<1x105x96xi32, #tpu.memory_space<hbm>> -> memref<105x96xi32, #tpu.memory_space<hbm>>
      %dma_wait3A_30 = arith.constant 0 : i32
      %dma_wait3A_31 = arith.constant 0 : i32
      %dma_wait3A_32 = tpu.memref_slice %arg2[%add3A, %dma_wait3A_30, %dma_wait3A_31] : memref<32x105x96xi32, #tpu.memory_space<hbm>> -> memref<1x105x96xi32, #tpu.memory_space<hbm>>
      %dma_wait3A_33 = tpu.memref_squeeze %dma_wait3A_32 : memref<1x105x96xi32, #tpu.memory_space<hbm>> -> memref<105x96xi32, #tpu.memory_space<hbm>>
      tpu.wait_dma2 semaphore(%run_scoped3A : memref<!tpu.dma_semaphore, #tpu.memory_space<semaphore_mem>>) src(%dma_wait3A_33 : memref<105x96xi32, #tpu.memory_space<hbm>>) dst(%arg6 : memref<105x96xi32, #tpu.memory_space<vmem>>)
      tpu.yield
    }) : () -> ()
    %scan3A = arith.constant 0 : i32
    %scan3A_5 = arith.constant 0 : i32
    %scan3A_6 = arith.constant 105 : i32
    %scan3A_7 = arith.addi %scan3A_5, %scan3A_6 : i32
    %scan3A_8 = arith.constant 1 : i32
    scf.for %scan3A_20 = %scan3A_5 to %scan3A_7 step %scan3A_8  : i32 {
      "tpu.region"() ({
        %run_scoped3A = tpu.sem_alloc : memref<!tpu.dma_semaphore, #tpu.memory_space<semaphore_mem>>
        %dma_start3A = arith.constant 0 : i32
        %dma_start3A_21 = tpu.memref_slice %arg6[%scan3A_20, %dma_start3A] : memref<105x96xi32, #tpu.memory_space<vmem>> -> memref<1x96xi32, #tpu.memory_space<vmem>>
        %dma_start3A_22 = tpu.memref_squeeze %dma_start3A_21 : memref<1x96xi32, #tpu.memory_space<vmem>> -> memref<96xi32, #tpu.memory_space<vmem>>
        %dma_start3A_23 = arith.constant 0 : i32
        %dma_start3A_24 = arith.constant 0 : i32
        %dma_start3A_25 = tpu.memref_slice %arg8[%dma_start3A_23, %dma_start3A_24] : memref<10008x128xf32, #tpu.memory_space<vmem_shared>> -> memref<10008x128xf32, #tpu.memory_space<vmem_shared>>
        tpu.enqueue_indirect_dma source(%arg7 : memref<96x128xf32, #tpu.memory_space<vmem>>) target(%dma_start3A_25 : memref<10008x128xf32, #tpu.memory_space<vmem_shared>>) offsets(%dma_start3A_22 : memref<96xi32, #tpu.memory_space<vmem>>) semaphore(%run_scoped3A : memref<!tpu.dma_semaphore, #tpu.memory_space<semaphore_mem>>) {add = true}
        %dma_wait3A = arith.constant 0 : i32
        %dma_wait3A_26 = tpu.memref_slice %arg6[%scan3A_20, %dma_wait3A] : memref<105x96xi32, #tpu.memory_space<vmem>> -> memref<1x96xi32, #tpu.memory_space<vmem>>
        %dma_wait3A_27 = tpu.memref_squeeze %dma_wait3A_26 : memref<1x96xi32, #tpu.memory_space<vmem>> -> memref<96xi32, #tpu.memory_space<vmem>>
        %dma_wait3A_28 = arith.constant 0 : i32
        %dma_wait3A_29 = arith.constant 0 : i32
        %dma_wait3A_30 = tpu.memref_slice %arg8[%dma_wait3A_28, %dma_wait3A_29] : memref<10008x128xf32, #tpu.memory_space<vmem_shared>> -> memref<10008x128xf32, #tpu.memory_space<vmem_shared>>
        tpu.wait_indirect_dma semaphore(%run_scoped3A : memref<!tpu.dma_semaphore, #tpu.memory_space<semaphore_mem>>) src(%arg7 : memref<96x128xf32, #tpu.memory_space<vmem>>) dst(%dma_wait3A_30 : memref<10008x128xf32, #tpu.memory_space<vmem_shared>>)
        tpu.yield
      }) : () -> ()
    }
    %scan3A_9 = arith.constant 105 : i32
    %barrier3A_10 = arith.constant 0 : index
    tpu.barrier barrier_id(%barrier3A_10)
    %mul3A_11 = arith.constant 624 : i32
    %mul3A_12 = arith.muli %arg1, %mul3A_11 : i32
    %mul3A_13 = arith.constant 624 : i32
    %mul3A_14 = arith.muli %arg1, %mul3A_13 : i32
    "tpu.region"() ({
      %run_scoped3A = tpu.sem_alloc : memref<!tpu.dma_semaphore, #tpu.memory_space<semaphore_mem>>
      %dma_start3A = arith.constant 0 : i32
      %dma_start3A_20 = arith.constant 0 : i32
      %dma_start3A_21 = tpu.memref_slice %arg5[%arg0, %dma_start3A, %dma_start3A_20] : memref<2x10000x128xf32, #tpu.memory_space<hbm>> -> memref<1x10000x128xf32, #tpu.memory_space<hbm>>
      %dma_start3A_22 = tpu.memref_squeeze %dma_start3A_21 : memref<1x10000x128xf32, #tpu.memory_space<hbm>> -> memref<10000x128xf32, #tpu.memory_space<hbm>>
      %dma_start3A_23 = arith.constant 0 : i32
      %dma_start3A_24 = tpu.memref_slice %dma_start3A_22[%mul3A_14, %dma_start3A_23] : memref<10000x128xf32, #tpu.memory_space<hbm>> -> memref<624x128xf32, #tpu.memory_space<hbm>>
      %dma_start3A_25 = arith.constant 0 : i32
      %dma_start3A_26 = tpu.memref_slice %arg8[%mul3A_12, %dma_start3A_25] : memref<10008x128xf32, #tpu.memory_space<vmem_shared>> -> memref<624x128xf32, #tpu.memory_space<vmem_shared>>
      tpu.enqueue_dma source(%dma_start3A_26 : memref<624x128xf32, #tpu.memory_space<vmem_shared>>) target(%dma_start3A_24 : memref<624x128xf32, #tpu.memory_space<hbm>>) target_semaphore(%run_scoped3A : memref<!tpu.dma_semaphore, #tpu.memory_space<semaphore_mem>>)
      %dma_wait3A = arith.constant 0 : i32
      %dma_wait3A_27 = arith.constant 0 : i32
      %dma_wait3A_28 = tpu.memref_slice %arg5[%arg0, %dma_wait3A, %dma_wait3A_27] : memref<2x10000x128xf32, #tpu.memory_space<hbm>> -> memref<1x10000x128xf32, #tpu.memory_space<hbm>>
      %dma_wait3A_29 = tpu.memref_squeeze %dma_wait3A_28 : memref<1x10000x128xf32, #tpu.memory_space<hbm>> -> memref<10000x128xf32, #tpu.memory_space<hbm>>
      %dma_wait3A_30 = arith.constant 0 : i32
      %dma_wait3A_31 = tpu.memref_slice %dma_wait3A_29[%mul3A_14, %dma_wait3A_30] : memref<10000x128xf32, #tpu.memory_space<hbm>> -> memref<624x128xf32, #tpu.memory_space<hbm>>
      %dma_wait3A_32 = arith.constant 0 : i32
      %dma_wait3A_33 = tpu.memref_slice %arg8[%mul3A_12, %dma_wait3A_32] : memref<10008x128xf32, #tpu.memory_space<vmem_shared>> -> memref<624x128xf32, #tpu.memory_space<vmem_shared>>
      tpu.wait_dma2 semaphore(%run_scoped3A : memref<!tpu.dma_semaphore, #tpu.memory_space<semaphore_mem>>) src(%dma_wait3A_33 : memref<624x128xf32, #tpu.memory_space<vmem_shared>>) dst(%dma_wait3A_31 : memref<624x128xf32, #tpu.memory_space<hbm>>)
      tpu.yield
    }) : () -> ()
    %eq3A_15 = arith.constant 15 : i32
    %eq3A_16 = arith.cmpi eq, %arg1, %eq3A_15 : i32
    %convert_element_type3A_17 = arith.extui %eq3A_16 : i1 to i32
    %cond3A_18 = arith.constant 0 : i32
    %cond3A_19 = arith.cmpi ne, %convert_element_type3A_17, %cond3A_18 : i32
    scf.if %cond3A_19 {
      "tpu.region"() ({
        %run_scoped3A = tpu.sem_alloc : memref<!tpu.dma_semaphore, #tpu.memory_space<semaphore_mem>>
        %dma_start3A = arith.constant 0 : i32
        %dma_start3A_20 = arith.constant 0 : i32
        %dma_start3A_21 = tpu.memref_slice %arg5[%arg0, %dma_start3A, %dma_start3A_20] : memref<2x10000x128xf32, #tpu.memory_space<hbm>> -> memref<1x10000x128xf32, #tpu.memory_space<hbm>>
        %dma_start3A_22 = tpu.memref_squeeze %dma_start3A_21 : memref<1x10000x128xf32, #tpu.memory_space<hbm>> -> memref<10000x128xf32, #tpu.memory_space<hbm>>
        %dma_start3A_23 = arith.constant 9984 : i32
        %dma_start3A_24 = arith.constant 0 : i32
        %dma_start3A_25 = tpu.memref_slice %dma_start3A_22[%dma_start3A_23, %dma_start3A_24] : memref<10000x128xf32, #tpu.memory_space<hbm>> -> memref<16x128xf32, #tpu.memory_space<hbm>>
        %dma_start3A_26 = arith.constant 9984 : i32
        %dma_start3A_27 = arith.constant 0 : i32
        %dma_start3A_28 = tpu.memref_slice %arg8[%dma_start3A_26, %dma_start3A_27] : memref<10008x128xf32, #tpu.memory_space<vmem_shared>> -> memref<16x128xf32, #tpu.memory_space<vmem_shared>>
        tpu.enqueue_dma source(%dma_start3A_28 : memref<16x128xf32, #tpu.memory_space<vmem_shared>>) target(%dma_start3A_25 : memref<16x128xf32, #tpu.memory_space<hbm>>) target_semaphore(%run_scoped3A : memref<!tpu.dma_semaphore, #tpu.memory_space<semaphore_mem>>)
        %dma_wait3A = arith.constant 0 : i32
        %dma_wait3A_29 = arith.constant 0 : i32
        %dma_wait3A_30 = tpu.memref_slice %arg5[%arg0, %dma_wait3A, %dma_wait3A_29] : memref<2x10000x128xf32, #tpu.memory_space<hbm>> -> memref<1x10000x128xf32, #tpu.memory_space<hbm>>
        %dma_wait3A_31 = tpu.memref_squeeze %dma_wait3A_30 : memref<1x10000x128xf32, #tpu.memory_space<hbm>> -> memref<10000x128xf32, #tpu.memory_space<hbm>>
        %dma_wait3A_32 = arith.constant 9984 : i32
        %dma_wait3A_33 = arith.constant 0 : i32
        %dma_wait3A_34 = tpu.memref_slice %dma_wait3A_31[%dma_wait3A_32, %dma_wait3A_33] : memref<10000x128xf32, #tpu.memory_space<hbm>> -> memref<16x128xf32, #tpu.memory_space<hbm>>
        %dma_wait3A_35 = arith.constant 9984 : i32
        %dma_wait3A_36 = arith.constant 0 : i32
        %dma_wait3A_37 = tpu.memref_slice %arg8[%dma_wait3A_35, %dma_wait3A_36] : memref<10008x128xf32, #tpu.memory_space<vmem_shared>> -> memref<16x128xf32, #tpu.memory_space<vmem_shared>>
        tpu.wait_dma2 semaphore(%run_scoped3A : memref<!tpu.dma_semaphore, #tpu.memory_space<semaphore_mem>>) src(%dma_wait3A_37 : memref<16x128xf32, #tpu.memory_space<vmem_shared>>) dst(%dma_wait3A_34 : memref<16x128xf32, #tpu.memory_space<hbm>>)
        tpu.yield
      }) : () -> ()
    } else {
    }
    return
  }
}

#map = affine_map<(d0, d1) -> (0, 0)>
#map1 = affine_map<(d0, d1) -> (0)>
#map2 = affine_map<(d0, d1) -> (0, 0, 0)>
module attributes {stable_mosaic.version = 14 : i64} {
  func.func @agg(%arg0: i32, %arg1: i32, %arg2: memref<10000x128xf32, #tpu.memory_space<hbm>>, %arg3: memref<322560xi32, #tpu.memory_space<hbm>>, %arg4: memref<32x105x96xi32, #tpu.memory_space<hbm>>, %arg5: memref<624x128xf32, #tpu.memory_space<hbm>>, %arg6: memref<2x10000x128xf32, #tpu.memory_space<hbm>>, %arg7: memref<10080xi32, #tpu.memory_space<vmem>>, %arg8: memref<105x96xi32, #tpu.memory_space<vmem>>, %arg9: memref<2x96x128xf32, #tpu.memory_space<vmem>>, %arg10: memref<10008x128xf32, #tpu.memory_space<vmem_shared>>, %arg11: memref<!tpu.dma_semaphore, #tpu.memory_space<semaphore_mem>>, %arg12: memref<!tpu.dma_semaphore, #tpu.memory_space<semaphore_mem>>) attributes {dimension_semantics = [#tpu.dimension_semantics<core_parallel>, #tpu.dimension_semantics<subcore_parallel>], iteration_bounds = array<i64: 2, 16>, scalar_prefetch = 0 : i64, scratch_operands = 6 : i64, tpu.core_type = #tpu.core_type<sc_vector_subcore>, window_params = [{transform_indices = #map}, {transform_indices = #map1}, {transform_indices = #map2}, {transform_indices = #map}, {transform_indices = #map2}]} {
    %mul3A = arith.constant 16 : i32
    %mul3A_0 = arith.muli %arg0, %mul3A : i32
    %add3A = arith.addi %mul3A_0, %arg1 : i32
    %mul3A_1 = arith.constant 624 : i32
    %mul3A_2 = arith.muli %arg1, %mul3A_1 : i32
    "tpu.region"() ({
      %run_scoped3A_53 = tpu.sem_alloc : memref<!tpu.dma_semaphore, #tpu.memory_space<semaphore_mem>>
      %dma_start3A_54 = arith.constant 0 : i32
      %dma_start3A_55 = tpu.memref_slice %arg10[%mul3A_2, %dma_start3A_54] : memref<10008x128xf32, #tpu.memory_space<vmem_shared>> -> memref<624x128xf32, #tpu.memory_space<vmem_shared>>
      tpu.enqueue_dma source(%arg5 : memref<624x128xf32, #tpu.memory_space<hbm>>) target(%dma_start3A_55 : memref<624x128xf32, #tpu.memory_space<vmem_shared>>) target_semaphore(%run_scoped3A_53 : memref<!tpu.dma_semaphore, #tpu.memory_space<semaphore_mem>>)
      %dma_wait3A_56 = arith.constant 0 : i32
      %dma_wait3A_57 = tpu.memref_slice %arg10[%mul3A_2, %dma_wait3A_56] : memref<10008x128xf32, #tpu.memory_space<vmem_shared>> -> memref<624x128xf32, #tpu.memory_space<vmem_shared>>
      tpu.wait_dma2 semaphore(%run_scoped3A_53 : memref<!tpu.dma_semaphore, #tpu.memory_space<semaphore_mem>>) src(%arg5 : memref<624x128xf32, #tpu.memory_space<hbm>>) dst(%dma_wait3A_57 : memref<624x128xf32, #tpu.memory_space<vmem_shared>>)
      tpu.yield
    }) : () -> ()
    %eq3A = arith.constant 15 : i32
    %eq3A_3 = arith.cmpi eq, %arg1, %eq3A : i32
    %convert_element_type3A = arith.extui %eq3A_3 : i1 to i32
    %cond3A = arith.constant 0 : i32
    %cond3A_4 = arith.cmpi ne, %convert_element_type3A, %cond3A : i32
    scf.if %cond3A_4 {
      "tpu.region"() ({
        %run_scoped3A_53 = tpu.sem_alloc : memref<!tpu.dma_semaphore, #tpu.memory_space<semaphore_mem>>
        %dma_start3A_54 = arith.constant 9984 : i32
        %dma_start3A_55 = arith.constant 0 : i32
        %dma_start3A_56 = tpu.memref_slice %arg10[%dma_start3A_54, %dma_start3A_55] : memref<10008x128xf32, #tpu.memory_space<vmem_shared>> -> memref<16x128xf32, #tpu.memory_space<vmem_shared>>
        %dma_start3A_57 = arith.constant 0 : i32
        %dma_start3A_58 = arith.constant 0 : i32
        %dma_start3A_59 = tpu.memref_slice %arg5[%dma_start3A_57, %dma_start3A_58] : memref<624x128xf32, #tpu.memory_space<hbm>> -> memref<16x128xf32, #tpu.memory_space<hbm>>
        tpu.enqueue_dma source(%dma_start3A_59 : memref<16x128xf32, #tpu.memory_space<hbm>>) target(%dma_start3A_56 : memref<16x128xf32, #tpu.memory_space<vmem_shared>>) target_semaphore(%run_scoped3A_53 : memref<!tpu.dma_semaphore, #tpu.memory_space<semaphore_mem>>)
        %dma_wait3A_60 = arith.constant 9984 : i32
        %dma_wait3A_61 = arith.constant 0 : i32
        %dma_wait3A_62 = tpu.memref_slice %arg10[%dma_wait3A_60, %dma_wait3A_61] : memref<10008x128xf32, #tpu.memory_space<vmem_shared>> -> memref<16x128xf32, #tpu.memory_space<vmem_shared>>
        %dma_wait3A_63 = arith.constant 0 : i32
        %dma_wait3A_64 = arith.constant 0 : i32
        %dma_wait3A_65 = tpu.memref_slice %arg5[%dma_wait3A_63, %dma_wait3A_64] : memref<624x128xf32, #tpu.memory_space<hbm>> -> memref<16x128xf32, #tpu.memory_space<hbm>>
        tpu.wait_dma2 semaphore(%run_scoped3A_53 : memref<!tpu.dma_semaphore, #tpu.memory_space<semaphore_mem>>) src(%dma_wait3A_65 : memref<16x128xf32, #tpu.memory_space<hbm>>) dst(%dma_wait3A_62 : memref<16x128xf32, #tpu.memory_space<vmem_shared>>)
        tpu.yield
      }) : () -> ()
    } else {
    }
    %barrier3A = arith.constant 0 : index
    tpu.barrier barrier_id(%barrier3A)
    %mul3A_5 = arith.constant 10080 : i32
    %mul3A_6 = arith.muli %add3A, %mul3A_5 : i32
    "tpu.region"() ({
      %run_scoped3A_53 = tpu.sem_alloc : memref<!tpu.dma_semaphore, #tpu.memory_space<semaphore_mem>>
      %dma_start3A_54 = tpu.memref_slice %arg3[%mul3A_6] : memref<322560xi32, #tpu.memory_space<hbm>> -> memref<10080xi32, #tpu.memory_space<hbm>>
      %dma_start3A_55 = tpu.memref_slice %arg3[%mul3A_6] : memref<322560xi32, #tpu.memory_space<hbm>> -> memref<10080xi32, #tpu.memory_space<hbm>>
      tpu.enqueue_dma source(%dma_start3A_55 : memref<10080xi32, #tpu.memory_space<hbm>>) target(%arg7 : memref<10080xi32, #tpu.memory_space<vmem>>) target_semaphore(%run_scoped3A_53 : memref<!tpu.dma_semaphore, #tpu.memory_space<semaphore_mem>>)
      %dma_wait3A_56 = tpu.memref_slice %arg3[%mul3A_6] : memref<322560xi32, #tpu.memory_space<hbm>> -> memref<10080xi32, #tpu.memory_space<hbm>>
      %dma_wait3A_57 = tpu.memref_slice %arg3[%mul3A_6] : memref<322560xi32, #tpu.memory_space<hbm>> -> memref<10080xi32, #tpu.memory_space<hbm>>
      tpu.wait_dma2 semaphore(%run_scoped3A_53 : memref<!tpu.dma_semaphore, #tpu.memory_space<semaphore_mem>>) src(%dma_wait3A_57 : memref<10080xi32, #tpu.memory_space<hbm>>) dst(%arg7 : memref<10080xi32, #tpu.memory_space<vmem>>)
      tpu.yield
    }) : () -> ()
    "tpu.region"() ({
      %run_scoped3A_53 = tpu.sem_alloc : memref<!tpu.dma_semaphore, #tpu.memory_space<semaphore_mem>>
      %dma_start3A_54 = arith.constant 0 : i32
      %dma_start3A_55 = arith.constant 0 : i32
      %dma_start3A_56 = tpu.memref_slice %arg4[%add3A, %dma_start3A_54, %dma_start3A_55] : memref<32x105x96xi32, #tpu.memory_space<hbm>> -> memref<1x105x96xi32, #tpu.memory_space<hbm>>
      %dma_start3A_57 = tpu.memref_squeeze %dma_start3A_56 : memref<1x105x96xi32, #tpu.memory_space<hbm>> -> memref<105x96xi32, #tpu.memory_space<hbm>>
      %dma_start3A_58 = arith.constant 0 : i32
      %dma_start3A_59 = arith.constant 0 : i32
      %dma_start3A_60 = tpu.memref_slice %arg4[%add3A, %dma_start3A_58, %dma_start3A_59] : memref<32x105x96xi32, #tpu.memory_space<hbm>> -> memref<1x105x96xi32, #tpu.memory_space<hbm>>
      %dma_start3A_61 = tpu.memref_squeeze %dma_start3A_60 : memref<1x105x96xi32, #tpu.memory_space<hbm>> -> memref<105x96xi32, #tpu.memory_space<hbm>>
      tpu.enqueue_dma source(%dma_start3A_61 : memref<105x96xi32, #tpu.memory_space<hbm>>) target(%arg8 : memref<105x96xi32, #tpu.memory_space<vmem>>) target_semaphore(%run_scoped3A_53 : memref<!tpu.dma_semaphore, #tpu.memory_space<semaphore_mem>>)
      %dma_wait3A_62 = arith.constant 0 : i32
      %dma_wait3A_63 = arith.constant 0 : i32
      %dma_wait3A_64 = tpu.memref_slice %arg4[%add3A, %dma_wait3A_62, %dma_wait3A_63] : memref<32x105x96xi32, #tpu.memory_space<hbm>> -> memref<1x105x96xi32, #tpu.memory_space<hbm>>
      %dma_wait3A_65 = tpu.memref_squeeze %dma_wait3A_64 : memref<1x105x96xi32, #tpu.memory_space<hbm>> -> memref<105x96xi32, #tpu.memory_space<hbm>>
      %dma_wait3A_66 = arith.constant 0 : i32
      %dma_wait3A_67 = arith.constant 0 : i32
      %dma_wait3A_68 = tpu.memref_slice %arg4[%add3A, %dma_wait3A_66, %dma_wait3A_67] : memref<32x105x96xi32, #tpu.memory_space<hbm>> -> memref<1x105x96xi32, #tpu.memory_space<hbm>>
      %dma_wait3A_69 = tpu.memref_squeeze %dma_wait3A_68 : memref<1x105x96xi32, #tpu.memory_space<hbm>> -> memref<105x96xi32, #tpu.memory_space<hbm>>
      tpu.wait_dma2 semaphore(%run_scoped3A_53 : memref<!tpu.dma_semaphore, #tpu.memory_space<semaphore_mem>>) src(%dma_wait3A_69 : memref<105x96xi32, #tpu.memory_space<hbm>>) dst(%arg8 : memref<105x96xi32, #tpu.memory_space<vmem>>)
      tpu.yield
    }) : () -> ()
    %dma_start3A = arith.constant 0 : i32
    %dma_start3A_7 = arith.constant 0 : i32
    %dma_start3A_8 = arith.constant 0 : i32
    %dma_start3A_9 = tpu.memref_slice %arg9[%dma_start3A, %dma_start3A_7, %dma_start3A_8] : memref<2x96x128xf32, #tpu.memory_space<vmem>> -> memref<1x96x128xf32, #tpu.memory_space<vmem>>
    %dma_start3A_10 = tpu.memref_squeeze %dma_start3A_9 : memref<1x96x128xf32, #tpu.memory_space<vmem>> -> memref<96x128xf32, #tpu.memory_space<vmem>>
    %dma_start3A_11 = arith.constant 0 : i32
    %dma_start3A_12 = tpu.memref_slice %arg7[%dma_start3A_11] : memref<10080xi32, #tpu.memory_space<vmem>> -> memref<96xi32, #tpu.memory_space<vmem>>
    %dma_start3A_13 = arith.constant 0 : i32
    %dma_start3A_14 = arith.constant 0 : i32
    %dma_start3A_15 = tpu.memref_slice %arg2[%dma_start3A_13, %dma_start3A_14] : memref<10000x128xf32, #tpu.memory_space<hbm>> -> memref<10000x128xf32, #tpu.memory_space<hbm>>
    tpu.enqueue_indirect_dma source(%dma_start3A_15 : memref<10000x128xf32, #tpu.memory_space<hbm>>) target(%dma_start3A_10 : memref<96x128xf32, #tpu.memory_space<vmem>>) offsets(%dma_start3A_12 : memref<96xi32, #tpu.memory_space<vmem>>) semaphore(%arg11 : memref<!tpu.dma_semaphore, #tpu.memory_space<semaphore_mem>>)
    %dma_start3A_16 = arith.constant 1 : i32
    %dma_start3A_17 = arith.constant 0 : i32
    %dma_start3A_18 = arith.constant 0 : i32
    %dma_start3A_19 = tpu.memref_slice %arg9[%dma_start3A_16, %dma_start3A_17, %dma_start3A_18] : memref<2x96x128xf32, #tpu.memory_space<vmem>> -> memref<1x96x128xf32, #tpu.memory_space<vmem>>
    %dma_start3A_20 = tpu.memref_squeeze %dma_start3A_19 : memref<1x96x128xf32, #tpu.memory_space<vmem>> -> memref<96x128xf32, #tpu.memory_space<vmem>>
    %dma_start3A_21 = arith.constant 96 : i32
    %dma_start3A_22 = tpu.memref_slice %arg7[%dma_start3A_21] : memref<10080xi32, #tpu.memory_space<vmem>> -> memref<96xi32, #tpu.memory_space<vmem>>
    %dma_start3A_23 = arith.constant 0 : i32
    %dma_start3A_24 = arith.constant 0 : i32
    %dma_start3A_25 = tpu.memref_slice %arg2[%dma_start3A_23, %dma_start3A_24] : memref<10000x128xf32, #tpu.memory_space<hbm>> -> memref<10000x128xf32, #tpu.memory_space<hbm>>
    tpu.enqueue_indirect_dma source(%dma_start3A_25 : memref<10000x128xf32, #tpu.memory_space<hbm>>) target(%dma_start3A_20 : memref<96x128xf32, #tpu.memory_space<vmem>>) offsets(%dma_start3A_22 : memref<96xi32, #tpu.memory_space<vmem>>) semaphore(%arg12 : memref<!tpu.dma_semaphore, #tpu.memory_space<semaphore_mem>>)
    %scan3A = arith.constant 0 : i32
    %scan3A_26 = arith.constant 0 : i32
    %scan3A_27 = arith.constant 1 : i32
    %scan3A_28 = arith.constant 0 : i32
    %scan3A_29 = arith.constant 52 : i32
    %scan3A_30 = arith.addi %scan3A_28, %scan3A_29 : i32
    %scan3A_31 = arith.constant 1 : i32
    scf.for %scan3A_53 = %scan3A_28 to %scan3A_30 step %scan3A_31  : i32 {
      %mul3A_54 = arith.constant 2 : i32
      %mul3A_55 = arith.muli %scan3A_53, %mul3A_54 : i32
      %dma_wait3A_56 = arith.constant 0 : i32
      %dma_wait3A_57 = arith.constant 0 : i32
      %dma_wait3A_58 = tpu.memref_slice %arg9[%scan3A_26, %dma_wait3A_56, %dma_wait3A_57] : memref<2x96x128xf32, #tpu.memory_space<vmem>> -> memref<1x96x128xf32, #tpu.memory_space<vmem>>
      %dma_wait3A_59 = tpu.memref_squeeze %dma_wait3A_58 : memref<1x96x128xf32, #tpu.memory_space<vmem>> -> memref<96x128xf32, #tpu.memory_space<vmem>>
      %dma_wait3A_60 = arith.constant 0 : i32
      %dma_wait3A_61 = tpu.memref_slice %arg7[%dma_wait3A_60] : memref<10080xi32, #tpu.memory_space<vmem>> -> memref<96xi32, #tpu.memory_space<vmem>>
      %dma_wait3A_62 = arith.constant 0 : i32
      %dma_wait3A_63 = arith.constant 0 : i32
      %dma_wait3A_64 = tpu.memref_slice %arg2[%dma_wait3A_62, %dma_wait3A_63] : memref<10000x128xf32, #tpu.memory_space<hbm>> -> memref<10000x128xf32, #tpu.memory_space<hbm>>
      tpu.wait_indirect_dma semaphore(%arg11 : memref<!tpu.dma_semaphore, #tpu.memory_space<semaphore_mem>>) src(%dma_wait3A_64 : memref<10000x128xf32, #tpu.memory_space<hbm>>) dst(%dma_wait3A_59 : memref<96x128xf32, #tpu.memory_space<vmem>>)
      %add3A_65 = arith.constant 0 : i32
      %add3A_66 = arith.addi %mul3A_55, %add3A_65 : i32
      %run_scoped3A_67 = arith.constant 0 : i32
      "tpu.region"() ({
        %run_scoped3A_97 = tpu.sem_alloc : memref<!tpu.dma_semaphore, #tpu.memory_space<semaphore_mem>>
        %dma_start3A_98 = arith.constant 0 : i32
        %dma_start3A_99 = arith.constant 0 : i32
        %dma_start3A_100 = tpu.memref_slice %arg9[%run_scoped3A_67, %dma_start3A_98, %dma_start3A_99] : memref<2x96x128xf32, #tpu.memory_space<vmem>> -> memref<1x96x128xf32, #tpu.memory_space<vmem>>
        %dma_start3A_101 = tpu.memref_squeeze %dma_start3A_100 : memref<1x96x128xf32, #tpu.memory_space<vmem>> -> memref<96x128xf32, #tpu.memory_space<vmem>>
        %dma_start3A_102 = arith.constant 0 : i32
        %dma_start3A_103 = tpu.memref_slice %arg8[%add3A_66, %dma_start3A_102] : memref<105x96xi32, #tpu.memory_space<vmem>> -> memref<1x96xi32, #tpu.memory_space<vmem>>
        %dma_start3A_104 = tpu.memref_squeeze %dma_start3A_103 : memref<1x96xi32, #tpu.memory_space<vmem>> -> memref<96xi32, #tpu.memory_space<vmem>>
        %dma_start3A_105 = arith.constant 0 : i32
        %dma_start3A_106 = arith.constant 0 : i32
        %dma_start3A_107 = tpu.memref_slice %arg10[%dma_start3A_105, %dma_start3A_106] : memref<10008x128xf32, #tpu.memory_space<vmem_shared>> -> memref<10008x128xf32, #tpu.memory_space<vmem_shared>>
        tpu.enqueue_indirect_dma source(%dma_start3A_101 : memref<96x128xf32, #tpu.memory_space<vmem>>) target(%dma_start3A_107 : memref<10008x128xf32, #tpu.memory_space<vmem_shared>>) offsets(%dma_start3A_104 : memref<96xi32, #tpu.memory_space<vmem>>) semaphore(%run_scoped3A_97 : memref<!tpu.dma_semaphore, #tpu.memory_space<semaphore_mem>>) {add = true}
        %dma_wait3A_108 = arith.constant 0 : i32
        %dma_wait3A_109 = arith.constant 0 : i32
        %dma_wait3A_110 = tpu.memref_slice %arg9[%run_scoped3A_67, %dma_wait3A_108, %dma_wait3A_109] : memref<2x96x128xf32, #tpu.memory_space<vmem>> -> memref<1x96x128xf32, #tpu.memory_space<vmem>>
        %dma_wait3A_111 = tpu.memref_squeeze %dma_wait3A_110 : memref<1x96x128xf32, #tpu.memory_space<vmem>> -> memref<96x128xf32, #tpu.memory_space<vmem>>
        %dma_wait3A_112 = arith.constant 0 : i32
        %dma_wait3A_113 = tpu.memref_slice %arg8[%add3A_66, %dma_wait3A_112] : memref<105x96xi32, #tpu.memory_space<vmem>> -> memref<1x96xi32, #tpu.memory_space<vmem>>
        %dma_wait3A_114 = tpu.memref_squeeze %dma_wait3A_113 : memref<1x96xi32, #tpu.memory_space<vmem>> -> memref<96xi32, #tpu.memory_space<vmem>>
        %dma_wait3A_115 = arith.constant 0 : i32
        %dma_wait3A_116 = arith.constant 0 : i32
        %dma_wait3A_117 = tpu.memref_slice %arg10[%dma_wait3A_115, %dma_wait3A_116] : memref<10008x128xf32, #tpu.memory_space<vmem_shared>> -> memref<10008x128xf32, #tpu.memory_space<vmem_shared>>
        tpu.wait_indirect_dma semaphore(%run_scoped3A_97 : memref<!tpu.dma_semaphore, #tpu.memory_space<semaphore_mem>>) src(%dma_wait3A_111 : memref<96x128xf32, #tpu.memory_space<vmem>>) dst(%dma_wait3A_117 : memref<10008x128xf32, #tpu.memory_space<vmem_shared>>)
        tpu.yield
      }) : () -> ()
      %add3A_68 = arith.constant 0 : i32
      %add3A_69 = arith.addi %mul3A_55, %add3A_68 : i32
      %add3A_70 = arith.constant 2 : i32
      %add3A_71 = arith.addi %add3A_69, %add3A_70 : i32
      %lt3A = arith.constant 105 : i32
      %lt3A_72 = arith.cmpi slt, %add3A_71, %lt3A : i32
      %convert_element_type3A_73 = arith.extui %lt3A_72 : i1 to i32
      %cond3A_74 = arith.constant 0 : i32
      %cond3A_75 = arith.cmpi ne, %convert_element_type3A_73, %cond3A_74 : i32
      scf.if %cond3A_75 {
        %add3A_97 = arith.constant 0 : i32
        %add3A_98 = arith.addi %mul3A_55, %add3A_97 : i32
        %add3A_99 = arith.constant 2 : i32
        %add3A_100 = arith.addi %add3A_98, %add3A_99 : i32
        %mul3A_101 = arith.constant 96 : i32
        %mul3A_102 = arith.muli %add3A_100, %mul3A_101 : i32
        %dma_start3A_103 = arith.constant 0 : i32
        %dma_start3A_104 = arith.constant 0 : i32
        %dma_start3A_105 = arith.constant 0 : i32
        %dma_start3A_106 = tpu.memref_slice %arg9[%dma_start3A_103, %dma_start3A_104, %dma_start3A_105] : memref<2x96x128xf32, #tpu.memory_space<vmem>> -> memref<1x96x128xf32, #tpu.memory_space<vmem>>
        %dma_start3A_107 = tpu.memref_squeeze %dma_start3A_106 : memref<1x96x128xf32, #tpu.memory_space<vmem>> -> memref<96x128xf32, #tpu.memory_space<vmem>>
        %dma_start3A_108 = tpu.memref_slice %arg7[%mul3A_102] : memref<10080xi32, #tpu.memory_space<vmem>> -> memref<96xi32, #tpu.memory_space<vmem>>
        %dma_start3A_109 = arith.constant 0 : i32
        %dma_start3A_110 = arith.constant 0 : i32
        %dma_start3A_111 = tpu.memref_slice %arg2[%dma_start3A_109, %dma_start3A_110] : memref<10000x128xf32, #tpu.memory_space<hbm>> -> memref<10000x128xf32, #tpu.memory_space<hbm>>
        tpu.enqueue_indirect_dma source(%dma_start3A_111 : memref<10000x128xf32, #tpu.memory_space<hbm>>) target(%dma_start3A_107 : memref<96x128xf32, #tpu.memory_space<vmem>>) offsets(%dma_start3A_108 : memref<96xi32, #tpu.memory_space<vmem>>) semaphore(%arg11 : memref<!tpu.dma_semaphore, #tpu.memory_space<semaphore_mem>>)
      } else {
      }
      %dma_wait3A_76 = arith.constant 0 : i32
      %dma_wait3A_77 = arith.constant 0 : i32
      %dma_wait3A_78 = tpu.memref_slice %arg9[%scan3A_27, %dma_wait3A_76, %dma_wait3A_77] : memref<2x96x128xf32, #tpu.memory_space<vmem>> -> memref<1x96x128xf32, #tpu.memory_space<vmem>>
      %dma_wait3A_79 = tpu.memref_squeeze %dma_wait3A_78 : memref<1x96x128xf32, #tpu.memory_space<vmem>> -> memref<96x128xf32, #tpu.memory_space<vmem>>
      %dma_wait3A_80 = arith.constant 96 : i32
      %dma_wait3A_81 = tpu.memref_slice %arg7[%dma_wait3A_80] : memref<10080xi32, #tpu.memory_space<vmem>> -> memref<96xi32, #tpu.memory_space<vmem>>
      %dma_wait3A_82 = arith.constant 0 : i32
      %dma_wait3A_83 = arith.constant 0 : i32
      %dma_wait3A_84 = tpu.memref_slice %arg2[%dma_wait3A_82, %dma_wait3A_83] : memref<10000x128xf32, #tpu.memory_space<hbm>> -> memref<10000x128xf32, #tpu.memory_space<hbm>>
      tpu.wait_indirect_dma semaphore(%arg12 : memref<!tpu.dma_semaphore, #tpu.memory_space<semaphore_mem>>) src(%dma_wait3A_84 : memref<10000x128xf32, #tpu.memory_space<hbm>>) dst(%dma_wait3A_79 : memref<96x128xf32, #tpu.memory_space<vmem>>)
      %add3A_85 = arith.constant 1 : i32
      %add3A_86 = arith.addi %mul3A_55, %add3A_85 : i32
      %run_scoped3A_87 = arith.constant 1 : i32
      "tpu.region"() ({
        %run_scoped3A_97 = tpu.sem_alloc : memref<!tpu.dma_semaphore, #tpu.memory_space<semaphore_mem>>
        %dma_start3A_98 = arith.constant 0 : i32
        %dma_start3A_99 = arith.constant 0 : i32
        %dma_start3A_100 = tpu.memref_slice %arg9[%run_scoped3A_87, %dma_start3A_98, %dma_start3A_99] : memref<2x96x128xf32, #tpu.memory_space<vmem>> -> memref<1x96x128xf32, #tpu.memory_space<vmem>>
        %dma_start3A_101 = tpu.memref_squeeze %dma_start3A_100 : memref<1x96x128xf32, #tpu.memory_space<vmem>> -> memref<96x128xf32, #tpu.memory_space<vmem>>
        %dma_start3A_102 = arith.constant 0 : i32
        %dma_start3A_103 = tpu.memref_slice %arg8[%add3A_86, %dma_start3A_102] : memref<105x96xi32, #tpu.memory_space<vmem>> -> memref<1x96xi32, #tpu.memory_space<vmem>>
        %dma_start3A_104 = tpu.memref_squeeze %dma_start3A_103 : memref<1x96xi32, #tpu.memory_space<vmem>> -> memref<96xi32, #tpu.memory_space<vmem>>
        %dma_start3A_105 = arith.constant 0 : i32
        %dma_start3A_106 = arith.constant 0 : i32
        %dma_start3A_107 = tpu.memref_slice %arg10[%dma_start3A_105, %dma_start3A_106] : memref<10008x128xf32, #tpu.memory_space<vmem_shared>> -> memref<10008x128xf32, #tpu.memory_space<vmem_shared>>
        tpu.enqueue_indirect_dma source(%dma_start3A_101 : memref<96x128xf32, #tpu.memory_space<vmem>>) target(%dma_start3A_107 : memref<10008x128xf32, #tpu.memory_space<vmem_shared>>) offsets(%dma_start3A_104 : memref<96xi32, #tpu.memory_space<vmem>>) semaphore(%run_scoped3A_97 : memref<!tpu.dma_semaphore, #tpu.memory_space<semaphore_mem>>) {add = true}
        %dma_wait3A_108 = arith.constant 0 : i32
        %dma_wait3A_109 = arith.constant 0 : i32
        %dma_wait3A_110 = tpu.memref_slice %arg9[%run_scoped3A_87, %dma_wait3A_108, %dma_wait3A_109] : memref<2x96x128xf32, #tpu.memory_space<vmem>> -> memref<1x96x128xf32, #tpu.memory_space<vmem>>
        %dma_wait3A_111 = tpu.memref_squeeze %dma_wait3A_110 : memref<1x96x128xf32, #tpu.memory_space<vmem>> -> memref<96x128xf32, #tpu.memory_space<vmem>>
        %dma_wait3A_112 = arith.constant 0 : i32
        %dma_wait3A_113 = tpu.memref_slice %arg8[%add3A_86, %dma_wait3A_112] : memref<105x96xi32, #tpu.memory_space<vmem>> -> memref<1x96xi32, #tpu.memory_space<vmem>>
        %dma_wait3A_114 = tpu.memref_squeeze %dma_wait3A_113 : memref<1x96xi32, #tpu.memory_space<vmem>> -> memref<96xi32, #tpu.memory_space<vmem>>
        %dma_wait3A_115 = arith.constant 0 : i32
        %dma_wait3A_116 = arith.constant 0 : i32
        %dma_wait3A_117 = tpu.memref_slice %arg10[%dma_wait3A_115, %dma_wait3A_116] : memref<10008x128xf32, #tpu.memory_space<vmem_shared>> -> memref<10008x128xf32, #tpu.memory_space<vmem_shared>>
        tpu.wait_indirect_dma semaphore(%run_scoped3A_97 : memref<!tpu.dma_semaphore, #tpu.memory_space<semaphore_mem>>) src(%dma_wait3A_111 : memref<96x128xf32, #tpu.memory_space<vmem>>) dst(%dma_wait3A_117 : memref<10008x128xf32, #tpu.memory_space<vmem_shared>>)
        tpu.yield
      }) : () -> ()
      %add3A_88 = arith.constant 1 : i32
      %add3A_89 = arith.addi %mul3A_55, %add3A_88 : i32
      %add3A_90 = arith.constant 2 : i32
      %add3A_91 = arith.addi %add3A_89, %add3A_90 : i32
      %lt3A_92 = arith.constant 105 : i32
      %lt3A_93 = arith.cmpi slt, %add3A_91, %lt3A_92 : i32
      %convert_element_type3A_94 = arith.extui %lt3A_93 : i1 to i32
      %cond3A_95 = arith.constant 0 : i32
      %cond3A_96 = arith.cmpi ne, %convert_element_type3A_94, %cond3A_95 : i32
      scf.if %cond3A_96 {
        %add3A_97 = arith.constant 1 : i32
        %add3A_98 = arith.addi %mul3A_55, %add3A_97 : i32
        %add3A_99 = arith.constant 2 : i32
        %add3A_100 = arith.addi %add3A_98, %add3A_99 : i32
        %mul3A_101 = arith.constant 96 : i32
        %mul3A_102 = arith.muli %add3A_100, %mul3A_101 : i32
        %dma_start3A_103 = arith.constant 1 : i32
        %dma_start3A_104 = arith.constant 0 : i32
        %dma_start3A_105 = arith.constant 0 : i32
        %dma_start3A_106 = tpu.memref_slice %arg9[%dma_start3A_103, %dma_start3A_104, %dma_start3A_105] : memref<2x96x128xf32, #tpu.memory_space<vmem>> -> memref<1x96x128xf32, #tpu.memory_space<vmem>>
        %dma_start3A_107 = tpu.memref_squeeze %dma_start3A_106 : memref<1x96x128xf32, #tpu.memory_space<vmem>> -> memref<96x128xf32, #tpu.memory_space<vmem>>
        %dma_start3A_108 = tpu.memref_slice %arg7[%mul3A_102] : memref<10080xi32, #tpu.memory_space<vmem>> -> memref<96xi32, #tpu.memory_space<vmem>>
        %dma_start3A_109 = arith.constant 0 : i32
        %dma_start3A_110 = arith.constant 0 : i32
        %dma_start3A_111 = tpu.memref_slice %arg2[%dma_start3A_109, %dma_start3A_110] : memref<10000x128xf32, #tpu.memory_space<hbm>> -> memref<10000x128xf32, #tpu.memory_space<hbm>>
        tpu.enqueue_indirect_dma source(%dma_start3A_111 : memref<10000x128xf32, #tpu.memory_space<hbm>>) target(%dma_start3A_107 : memref<96x128xf32, #tpu.memory_space<vmem>>) offsets(%dma_start3A_108 : memref<96xi32, #tpu.memory_space<vmem>>) semaphore(%arg12 : memref<!tpu.dma_semaphore, #tpu.memory_space<semaphore_mem>>)
      } else {
      }
    }
    %scan3A_32 = arith.constant 52 : i32
    %dma_wait3A = arith.constant 0 : i32
    %dma_wait3A_33 = arith.constant 0 : i32
    %dma_wait3A_34 = arith.constant 0 : i32
    %dma_wait3A_35 = tpu.memref_slice %arg9[%dma_wait3A, %dma_wait3A_33, %dma_wait3A_34] : memref<2x96x128xf32, #tpu.memory_space<vmem>> -> memref<1x96x128xf32, #tpu.memory_space<vmem>>
    %dma_wait3A_36 = tpu.memref_squeeze %dma_wait3A_35 : memref<1x96x128xf32, #tpu.memory_space<vmem>> -> memref<96x128xf32, #tpu.memory_space<vmem>>
    %dma_wait3A_37 = arith.constant 0 : i32
    %dma_wait3A_38 = tpu.memref_slice %arg7[%dma_wait3A_37] : memref<10080xi32, #tpu.memory_space<vmem>> -> memref<96xi32, #tpu.memory_space<vmem>>
    %dma_wait3A_39 = arith.constant 0 : i32
    %dma_wait3A_40 = arith.constant 0 : i32
    %dma_wait3A_41 = tpu.memref_slice %arg2[%dma_wait3A_39, %dma_wait3A_40] : memref<10000x128xf32, #tpu.memory_space<hbm>> -> memref<10000x128xf32, #tpu.memory_space<hbm>>
    tpu.wait_indirect_dma semaphore(%arg11 : memref<!tpu.dma_semaphore, #tpu.memory_space<semaphore_mem>>) src(%dma_wait3A_41 : memref<10000x128xf32, #tpu.memory_space<hbm>>) dst(%dma_wait3A_36 : memref<96x128xf32, #tpu.memory_space<vmem>>)
    %run_scoped3A = arith.constant 0 : i32
    %run_scoped3A_42 = arith.constant 104 : i32
    "tpu.region"() ({
      %run_scoped3A_53 = tpu.sem_alloc : memref<!tpu.dma_semaphore, #tpu.memory_space<semaphore_mem>>
      %dma_start3A_54 = arith.constant 0 : i32
      %dma_start3A_55 = arith.constant 0 : i32
      %dma_start3A_56 = tpu.memref_slice %arg9[%run_scoped3A, %dma_start3A_54, %dma_start3A_55] : memref<2x96x128xf32, #tpu.memory_space<vmem>> -> memref<1x96x128xf32, #tpu.memory_space<vmem>>
      %dma_start3A_57 = tpu.memref_squeeze %dma_start3A_56 : memref<1x96x128xf32, #tpu.memory_space<vmem>> -> memref<96x128xf32, #tpu.memory_space<vmem>>
      %dma_start3A_58 = arith.constant 0 : i32
      %dma_start3A_59 = tpu.memref_slice %arg8[%run_scoped3A_42, %dma_start3A_58] : memref<105x96xi32, #tpu.memory_space<vmem>> -> memref<1x96xi32, #tpu.memory_space<vmem>>
      %dma_start3A_60 = tpu.memref_squeeze %dma_start3A_59 : memref<1x96xi32, #tpu.memory_space<vmem>> -> memref<96xi32, #tpu.memory_space<vmem>>
      %dma_start3A_61 = arith.constant 0 : i32
      %dma_start3A_62 = arith.constant 0 : i32
      %dma_start3A_63 = tpu.memref_slice %arg10[%dma_start3A_61, %dma_start3A_62] : memref<10008x128xf32, #tpu.memory_space<vmem_shared>> -> memref<10008x128xf32, #tpu.memory_space<vmem_shared>>
      tpu.enqueue_indirect_dma source(%dma_start3A_57 : memref<96x128xf32, #tpu.memory_space<vmem>>) target(%dma_start3A_63 : memref<10008x128xf32, #tpu.memory_space<vmem_shared>>) offsets(%dma_start3A_60 : memref<96xi32, #tpu.memory_space<vmem>>) semaphore(%run_scoped3A_53 : memref<!tpu.dma_semaphore, #tpu.memory_space<semaphore_mem>>) {add = true}
      %dma_wait3A_64 = arith.constant 0 : i32
      %dma_wait3A_65 = arith.constant 0 : i32
      %dma_wait3A_66 = tpu.memref_slice %arg9[%run_scoped3A, %dma_wait3A_64, %dma_wait3A_65] : memref<2x96x128xf32, #tpu.memory_space<vmem>> -> memref<1x96x128xf32, #tpu.memory_space<vmem>>
      %dma_wait3A_67 = tpu.memref_squeeze %dma_wait3A_66 : memref<1x96x128xf32, #tpu.memory_space<vmem>> -> memref<96x128xf32, #tpu.memory_space<vmem>>
      %dma_wait3A_68 = arith.constant 0 : i32
      %dma_wait3A_69 = tpu.memref_slice %arg8[%run_scoped3A_42, %dma_wait3A_68] : memref<105x96xi32, #tpu.memory_space<vmem>> -> memref<1x96xi32, #tpu.memory_space<vmem>>
      %dma_wait3A_70 = tpu.memref_squeeze %dma_wait3A_69 : memref<1x96xi32, #tpu.memory_space<vmem>> -> memref<96xi32, #tpu.memory_space<vmem>>
      %dma_wait3A_71 = arith.constant 0 : i32
      %dma_wait3A_72 = arith.constant 0 : i32
      %dma_wait3A_73 = tpu.memref_slice %arg10[%dma_wait3A_71, %dma_wait3A_72] : memref<10008x128xf32, #tpu.memory_space<vmem_shared>> -> memref<10008x128xf32, #tpu.memory_space<vmem_shared>>
      tpu.wait_indirect_dma semaphore(%run_scoped3A_53 : memref<!tpu.dma_semaphore, #tpu.memory_space<semaphore_mem>>) src(%dma_wait3A_67 : memref<96x128xf32, #tpu.memory_space<vmem>>) dst(%dma_wait3A_73 : memref<10008x128xf32, #tpu.memory_space<vmem_shared>>)
      tpu.yield
    }) : () -> ()
    %barrier3A_43 = arith.constant 0 : index
    tpu.barrier barrier_id(%barrier3A_43)
    %mul3A_44 = arith.constant 624 : i32
    %mul3A_45 = arith.muli %arg1, %mul3A_44 : i32
    %mul3A_46 = arith.constant 624 : i32
    %mul3A_47 = arith.muli %arg1, %mul3A_46 : i32
    "tpu.region"() ({
      %run_scoped3A_53 = tpu.sem_alloc : memref<!tpu.dma_semaphore, #tpu.memory_space<semaphore_mem>>
      %dma_start3A_54 = arith.constant 0 : i32
      %dma_start3A_55 = arith.constant 0 : i32
      %dma_start3A_56 = tpu.memref_slice %arg6[%arg0, %dma_start3A_54, %dma_start3A_55] : memref<2x10000x128xf32, #tpu.memory_space<hbm>> -> memref<1x10000x128xf32, #tpu.memory_space<hbm>>
      %dma_start3A_57 = tpu.memref_squeeze %dma_start3A_56 : memref<1x10000x128xf32, #tpu.memory_space<hbm>> -> memref<10000x128xf32, #tpu.memory_space<hbm>>
      %dma_start3A_58 = arith.constant 0 : i32
      %dma_start3A_59 = tpu.memref_slice %dma_start3A_57[%mul3A_47, %dma_start3A_58] : memref<10000x128xf32, #tpu.memory_space<hbm>> -> memref<624x128xf32, #tpu.memory_space<hbm>>
      %dma_start3A_60 = arith.constant 0 : i32
      %dma_start3A_61 = tpu.memref_slice %arg10[%mul3A_45, %dma_start3A_60] : memref<10008x128xf32, #tpu.memory_space<vmem_shared>> -> memref<624x128xf32, #tpu.memory_space<vmem_shared>>
      tpu.enqueue_dma source(%dma_start3A_61 : memref<624x128xf32, #tpu.memory_space<vmem_shared>>) target(%dma_start3A_59 : memref<624x128xf32, #tpu.memory_space<hbm>>) target_semaphore(%run_scoped3A_53 : memref<!tpu.dma_semaphore, #tpu.memory_space<semaphore_mem>>)
      %dma_wait3A_62 = arith.constant 0 : i32
      %dma_wait3A_63 = arith.constant 0 : i32
      %dma_wait3A_64 = tpu.memref_slice %arg6[%arg0, %dma_wait3A_62, %dma_wait3A_63] : memref<2x10000x128xf32, #tpu.memory_space<hbm>> -> memref<1x10000x128xf32, #tpu.memory_space<hbm>>
      %dma_wait3A_65 = tpu.memref_squeeze %dma_wait3A_64 : memref<1x10000x128xf32, #tpu.memory_space<hbm>> -> memref<10000x128xf32, #tpu.memory_space<hbm>>
      %dma_wait3A_66 = arith.constant 0 : i32
      %dma_wait3A_67 = tpu.memref_slice %dma_wait3A_65[%mul3A_47, %dma_wait3A_66] : memref<10000x128xf32, #tpu.memory_space<hbm>> -> memref<624x128xf32, #tpu.memory_space<hbm>>
      %dma_wait3A_68 = arith.constant 0 : i32
      %dma_wait3A_69 = tpu.memref_slice %arg10[%mul3A_45, %dma_wait3A_68] : memref<10008x128xf32, #tpu.memory_space<vmem_shared>> -> memref<624x128xf32, #tpu.memory_space<vmem_shared>>
      tpu.wait_dma2 semaphore(%run_scoped3A_53 : memref<!tpu.dma_semaphore, #tpu.memory_space<semaphore_mem>>) src(%dma_wait3A_69 : memref<624x128xf32, #tpu.memory_space<vmem_shared>>) dst(%dma_wait3A_67 : memref<624x128xf32, #tpu.memory_space<hbm>>)
      tpu.yield
    }) : () -> ()
    %eq3A_48 = arith.constant 15 : i32
    %eq3A_49 = arith.cmpi eq, %arg1, %eq3A_48 : i32
    %convert_element_type3A_50 = arith.extui %eq3A_49 : i1 to i32
    %cond3A_51 = arith.constant 0 : i32
    %cond3A_52 = arith.cmpi ne, %convert_element_type3A_50, %cond3A_51 : i32
    scf.if %cond3A_52 {
      "tpu.region"() ({
        %run_scoped3A_53 = tpu.sem_alloc : memref<!tpu.dma_semaphore, #tpu.memory_space<semaphore_mem>>
        %dma_start3A_54 = arith.constant 0 : i32
        %dma_start3A_55 = arith.constant 0 : i32
        %dma_start3A_56 = tpu.memref_slice %arg6[%arg0, %dma_start3A_54, %dma_start3A_55] : memref<2x10000x128xf32, #tpu.memory_space<hbm>> -> memref<1x10000x128xf32, #tpu.memory_space<hbm>>
        %dma_start3A_57 = tpu.memref_squeeze %dma_start3A_56 : memref<1x10000x128xf32, #tpu.memory_space<hbm>> -> memref<10000x128xf32, #tpu.memory_space<hbm>>
        %dma_start3A_58 = arith.constant 9984 : i32
        %dma_start3A_59 = arith.constant 0 : i32
        %dma_start3A_60 = tpu.memref_slice %dma_start3A_57[%dma_start3A_58, %dma_start3A_59] : memref<10000x128xf32, #tpu.memory_space<hbm>> -> memref<16x128xf32, #tpu.memory_space<hbm>>
        %dma_start3A_61 = arith.constant 9984 : i32
        %dma_start3A_62 = arith.constant 0 : i32
        %dma_start3A_63 = tpu.memref_slice %arg10[%dma_start3A_61, %dma_start3A_62] : memref<10008x128xf32, #tpu.memory_space<vmem_shared>> -> memref<16x128xf32, #tpu.memory_space<vmem_shared>>
        tpu.enqueue_dma source(%dma_start3A_63 : memref<16x128xf32, #tpu.memory_space<vmem_shared>>) target(%dma_start3A_60 : memref<16x128xf32, #tpu.memory_space<hbm>>) target_semaphore(%run_scoped3A_53 : memref<!tpu.dma_semaphore, #tpu.memory_space<semaphore_mem>>)
        %dma_wait3A_64 = arith.constant 0 : i32
        %dma_wait3A_65 = arith.constant 0 : i32
        %dma_wait3A_66 = tpu.memref_slice %arg6[%arg0, %dma_wait3A_64, %dma_wait3A_65] : memref<2x10000x128xf32, #tpu.memory_space<hbm>> -> memref<1x10000x128xf32, #tpu.memory_space<hbm>>
        %dma_wait3A_67 = tpu.memref_squeeze %dma_wait3A_66 : memref<1x10000x128xf32, #tpu.memory_space<hbm>> -> memref<10000x128xf32, #tpu.memory_space<hbm>>
        %dma_wait3A_68 = arith.constant 9984 : i32
        %dma_wait3A_69 = arith.constant 0 : i32
        %dma_wait3A_70 = tpu.memref_slice %dma_wait3A_67[%dma_wait3A_68, %dma_wait3A_69] : memref<10000x128xf32, #tpu.memory_space<hbm>> -> memref<16x128xf32, #tpu.memory_space<hbm>>
        %dma_wait3A_71 = arith.constant 9984 : i32
        %dma_wait3A_72 = arith.constant 0 : i32
        %dma_wait3A_73 = tpu.memref_slice %arg10[%dma_wait3A_71, %dma_wait3A_72] : memref<10008x128xf32, #tpu.memory_space<vmem_shared>> -> memref<16x128xf32, #tpu.memory_space<vmem_shared>>
        tpu.wait_dma2 semaphore(%run_scoped3A_53 : memref<!tpu.dma_semaphore, #tpu.memory_space<semaphore_mem>>) src(%dma_wait3A_73 : memref<16x128xf32, #tpu.memory_space<vmem_shared>>) dst(%dma_wait3A_70 : memref<16x128xf32, #tpu.memory_space<hbm>>)
        tpu.yield
      }) : () -> ()
    } else {
    }
    return
  }
}

module attributes {stable_mosaic.version = 14 : i64} {
  func.func @_k1a_body(%arg0: i32, %arg1: memref<2000x128xf32, #tpu.memory_space<vmem>>, %arg2: memref<128x128xf32, #tpu.memory_space<vmem>>, %arg3: memref<2000x128xf32, #tpu.memory_space<vmem>>) attributes {dimension_semantics = [#tpu.dimension_semantics<arbitrary>], iteration_bounds = array<i64: 5>, scalar_prefetch = 0 : i64, scratch_operands = 0 : i64, tpu.core_type = #tpu.core_type<tc>, window_params = [{transform_indices = @transform_0, window_bounds = array<i64: 2000, 128>}, {pipeline_mode = #tpu.pipeline_mode<synchronous>, transform_indices = @transform_1, window_bounds = array<i64: 128, 128>}, {transform_indices = @transform_2, window_bounds = array<i64: 2000, 128>}]} {
    %get3A = arith.constant 0 : index
    %get3A_0 = arith.constant 0 : index
    %get3A_1 = vector.load %arg1[%get3A, %get3A_0] : memref<2000x128xf32, #tpu.memory_space<vmem>>, vector<2000x128xf32>
    %get3A_2 = arith.constant 0 : index
    %get3A_3 = arith.constant 0 : index
    %get3A_4 = vector.load %arg2[%get3A_2, %get3A_3] : memref<128x128xf32, #tpu.memory_space<vmem>>, vector<128x128xf32>
    %dot_general3A = arith.constant dense<0.000000e+00> : vector<2000x128xf32>
    %dot_general3A_5 = tpu.matmul %get3A_1, %get3A_4, %dot_general3A {dimension_numbers = #tpu.dot_dimension_numbers<[1], [0], [0], [1], [0, 0, 1, 1], [], []>, transpose_lhs_hint = false} : vector<2000x128xf32>, vector<128x128xf32>, vector<2000x128xf32> -> vector<2000x128xf32>
    %swap3A = arith.constant 0 : index
    %swap3A_6 = arith.constant 0 : index
    %swap3A_7 = vector.load %arg3[%swap3A, %swap3A_6] : memref<2000x128xf32, #tpu.memory_space<vmem>>, vector<2000x128xf32>
    tpu.vector_store %arg3[%swap3A, %swap3A_6], %dot_general3A_5 {strides = array<i32>} : memref<2000x128xf32, #tpu.memory_space<vmem>>, vector<2000x128xf32>,
    return
  }
  func.func @transform_0(%arg0: i32) -> (i32, i32) {
    %c0_i32 = arith.constant 0 : i32
    %c0_i32_0 = arith.constant 0 : i32
    return %arg0, %c0_i32 : i32, i32
  }
  func.func @transform_1(%arg0: i32) -> (i32, i32) {
    %c0_i32 = arith.constant 0 : i32
    %c0_i32_0 = arith.constant 0 : i32
    %c0_i32_1 = arith.constant 0 : i32
    return %c0_i32, %c0_i32_0 : i32, i32
  }
  func.func @transform_2(%arg0: i32) -> (i32, i32) {
    %c0_i32 = arith.constant 0 : i32
    %c0_i32_0 = arith.constant 0 : i32
    return %arg0, %c0_i32 : i32, i32
  }
}

module attributes {stable_mosaic.version = 14 : i64} {
  func.func @_k1b_body(%arg0: i32, %arg1: memref<2000x128xf32, #tpu.memory_space<vmem>>, %arg2: memref<2x2000x128xf32, #tpu.memory_space<vmem>>, %arg3: memref<2000x128xf32, #tpu.memory_space<vmem>>, %arg4: memref<2000x1xf32, #tpu.memory_space<vmem>>) attributes {dimension_semantics = [#tpu.dimension_semantics<arbitrary>], iteration_bounds = array<i64: 5>, scalar_prefetch = 0 : i64, scratch_operands = 0 : i64, tpu.core_type = #tpu.core_type<tc>, window_params = [{transform_indices = @transform_0, window_bounds = array<i64: 2000, 128>}, {transform_indices = @transform_1, window_bounds = array<i64: 2, 2000, 128>}, {transform_indices = @transform_2, window_bounds = array<i64: 2000, 128>}, {transform_indices = @transform_3, window_bounds = array<i64: 2000, 1>}]} {
    %get3A = arith.constant 0 : index
    %get3A_0 = arith.constant 0 : index
    %get3A_1 = arith.constant 0 : index
    %get3A_2 = vector.load %arg2[%get3A, %get3A_0, %get3A_1] : memref<2x2000x128xf32, #tpu.memory_space<vmem>>, vector<1x2000x1xf32>
    %get3A_3 = vector.shape_cast %get3A_2 : vector<1x2000x1xf32> to vector<2000x1xf32>
    %get3A_4 = arith.constant 1 : index
    %get3A_5 = arith.constant 0 : index
    %get3A_6 = arith.constant 0 : index
    %get3A_7 = vector.load %arg2[%get3A_4, %get3A_5, %get3A_6] : memref<2x2000x128xf32, #tpu.memory_space<vmem>>, vector<1x2000x1xf32>
    %get3A_8 = vector.shape_cast %get3A_7 : vector<1x2000x1xf32> to vector<2000x1xf32>
    %add3A = arith.addf %get3A_3, %get3A_8 : vector<2000x1xf32>
    %add3A_9 = arith.constant 1.000000e+00 : f32
    %add3A_10 = vector.broadcast %add3A_9 : f32 to vector<2000x1xf32>
    %add3A_11 = arith.addf %add3A, %add3A_10 : vector<2000x1xf32>
    %rsqrt3A = math.rsqrt %add3A_11 : vector<2000x1xf32>
    %get3A_12 = arith.constant 0 : index
    %get3A_13 = arith.constant 0 : index
    %get3A_14 = vector.load %arg1[%get3A_12, %get3A_13] : memref<2000x128xf32, #tpu.memory_space<vmem>>, vector<2000x128xf32>
    %mul3A = vector.broadcast %rsqrt3A : vector<2000x1xf32> to vector<2000x128xf32>
    %mul3A_15 = arith.mulf %mul3A, %get3A_14 : vector<2000x128xf32>
    %swap3A = arith.constant 0 : index
    %swap3A_16 = arith.constant 0 : index
    %swap3A_17 = vector.load %arg3[%swap3A, %swap3A_16] : memref<2000x128xf32, #tpu.memory_space<vmem>>, vector<2000x128xf32>
    tpu.vector_store %arg3[%swap3A, %swap3A_16], %mul3A_15 {strides = array<i32>} : memref<2000x128xf32, #tpu.memory_space<vmem>>, vector<2000x128xf32>,
    %swap3A_18 = arith.constant 0 : index
    %swap3A_19 = arith.constant 0 : index
    %swap3A_20 = vector.load %arg4[%swap3A_18, %swap3A_19] : memref<2000x1xf32, #tpu.memory_space<vmem>>, vector<2000x1xf32>
    tpu.vector_store %arg4[%swap3A_18, %swap3A_19], %rsqrt3A {strides = array<i32>} : memref<2000x1xf32, #tpu.memory_space<vmem>>, vector<2000x1xf32>,
    return
  }
  func.func @transform_0(%arg0: i32) -> (i32, i32) {
    %c0_i32 = arith.constant 0 : i32
    %c0_i32_0 = arith.constant 0 : i32
    return %arg0, %c0_i32 : i32, i32
  }
  func.func @transform_1(%arg0: i32) -> (i32, i32, i32) {
    %c0_i32 = arith.constant 0 : i32
    %c0_i32_0 = arith.constant 0 : i32
    %c0_i32_1 = arith.constant 0 : i32
    return %c0_i32, %arg0, %c0_i32_0 : i32, i32, i32
  }
  func.func @transform_2(%arg0: i32) -> (i32, i32) {
    %c0_i32 = arith.constant 0 : i32
    %c0_i32_0 = arith.constant 0 : i32
    return %arg0, %c0_i32 : i32, i32
  }
  func.func @transform_3(%arg0: i32) -> (i32, i32) {
    %c0_i32 = arith.constant 0 : i32
    %c0_i32_0 = arith.constant 0 : i32
    return %arg0, %c0_i32 : i32, i32
  }
}

module attributes {stable_mosaic.version = 14 : i64} {
  func.func @_k2_body(%arg0: i32, %arg1: memref<2000x128xf32, #tpu.memory_space<vmem>>, %arg2: memref<2x2000x128xf32, #tpu.memory_space<vmem>>, %arg3: memref<2000x1xf32, #tpu.memory_space<vmem>>, %arg4: memref<1x128xf32, #tpu.memory_space<vmem>>, %arg5: memref<128x128xf32, #tpu.memory_space<vmem>>, %arg6: memref<2000x128xf32, #tpu.memory_space<vmem>>, %arg7: memref<2000x128xf32, #tpu.memory_space<vmem>>) attributes {dimension_semantics = [#tpu.dimension_semantics<arbitrary>], iteration_bounds = array<i64: 5>, scalar_prefetch = 0 : i64, scratch_operands = 0 : i64, tpu.core_type = #tpu.core_type<tc>, window_params = [{transform_indices = @transform_0, window_bounds = array<i64: 2000, 128>}, {transform_indices = @transform_1, window_bounds = array<i64: 2, 2000, 128>}, {transform_indices = @transform_2, window_bounds = array<i64: 2000, 1>}, {pipeline_mode = #tpu.pipeline_mode<synchronous>, transform_indices = @transform_3, window_bounds = array<i64: 1, 128>}, {pipeline_mode = #tpu.pipeline_mode<synchronous>, transform_indices = @transform_4, window_bounds = array<i64: 128, 128>}, {transform_indices = @transform_5, window_bounds = array<i64: 2000, 128>}, {transform_indices = @transform_6, window_bounds = array<i64: 2000, 128>}]} {
    %get3A = arith.constant 0 : index
    %get3A_0 = arith.constant 0 : index
    %get3A_1 = vector.load %arg3[%get3A, %get3A_0] : memref<2000x1xf32, #tpu.memory_space<vmem>>, vector<2000x1xf32>
    %get3A_2 = arith.constant 0 : index
    %get3A_3 = arith.constant 0 : index
    %get3A_4 = arith.constant 0 : index
    %get3A_5 = vector.load %arg2[%get3A_2, %get3A_3, %get3A_4] : memref<2x2000x128xf32, #tpu.memory_space<vmem>>, vector<1x2000x128xf32>
    %get3A_6 = vector.shape_cast %get3A_5 : vector<1x2000x128xf32> to vector<2000x128xf32>
    %get3A_7 = arith.constant 1 : index
    %get3A_8 = arith.constant 0 : index
    %get3A_9 = arith.constant 0 : index
    %get3A_10 = vector.load %arg2[%get3A_7, %get3A_8, %get3A_9] : memref<2x2000x128xf32, #tpu.memory_space<vmem>>, vector<1x2000x128xf32>
    %get3A_11 = vector.shape_cast %get3A_10 : vector<1x2000x128xf32> to vector<2000x128xf32>
    %add3A = arith.addf %get3A_6, %get3A_11 : vector<2000x128xf32>
    %get3A_12 = arith.constant 0 : index
    %get3A_13 = arith.constant 0 : index
    %get3A_14 = vector.load %arg1[%get3A_12, %get3A_13] : memref<2000x128xf32, #tpu.memory_space<vmem>>, vector<2000x128xf32>
    %add3A_15 = arith.addf %add3A, %get3A_14 : vector<2000x128xf32>
    %mul3A = vector.broadcast %get3A_1 : vector<2000x1xf32> to vector<2000x128xf32>
    %mul3A_16 = arith.mulf %mul3A, %add3A_15 : vector<2000x128xf32>
    %get3A_17 = arith.constant 0 : index
    %get3A_18 = arith.constant 0 : index
    %get3A_19 = vector.load %arg4[%get3A_17, %get3A_18] : memref<1x128xf32, #tpu.memory_space<vmem>>, vector<1x128xf32>
    %add3A_20 = vector.broadcast %get3A_19 : vector<1x128xf32> to vector<2000x128xf32>
    %add3A_21 = arith.addf %mul3A_16, %add3A_20 : vector<2000x128xf32>
    %ge3A = arith.constant 0.000000e+00 : f32
    %ge3A_22 = vector.broadcast %ge3A : f32 to vector<2000x128xf32>
    %ge3A_23 = arith.cmpf oge, %add3A_21, %ge3A_22 : vector<2000x128xf32>
    %mul3A_24 = arith.constant 0.00999999977 : f32
    %mul3A_25 = vector.broadcast %mul3A_24 : f32 to vector<2000x128xf32>
    %mul3A_26 = arith.mulf %mul3A_25, %add3A_21 : vector<2000x128xf32>
    %select_n3A = arith.select %ge3A_23, %add3A_21, %mul3A_26 : vector<2000x128xi1>, vector<2000x128xf32>
    %swap3A = arith.constant 0 : index
    %swap3A_27 = arith.constant 0 : index
    %swap3A_28 = vector.load %arg6[%swap3A, %swap3A_27] : memref<2000x128xf32, #tpu.memory_space<vmem>>, vector<2000x128xf32>
    tpu.vector_store %arg6[%swap3A, %swap3A_27], %select_n3A {strides = array<i32>} : memref<2000x128xf32, #tpu.memory_space<vmem>>, vector<2000x128xf32>,
    %get3A_29 = arith.constant 0 : index
    %get3A_30 = arith.constant 0 : index
    %get3A_31 = vector.load %arg5[%get3A_29, %get3A_30] : memref<128x128xf32, #tpu.memory_space<vmem>>, vector<128x128xf32>
    %dot_general3A = arith.constant dense<0.000000e+00> : vector<2000x128xf32>
    %dot_general3A_32 = tpu.matmul %select_n3A, %get3A_31, %dot_general3A {dimension_numbers = #tpu.dot_dimension_numbers<[1], [0], [0], [1], [0, 0, 1, 1], [], []>, transpose_lhs_hint = false} : vector<2000x128xf32>, vector<128x128xf32>, vector<2000x128xf32> -> vector<2000x128xf32>
    %mul3A_33 = vector.broadcast %get3A_1 : vector<2000x1xf32> to vector<2000x128xf32>
    %mul3A_34 = arith.mulf %mul3A_33, %dot_general3A_32 : vector<2000x128xf32>
    %swap3A_35 = arith.constant 0 : index
    %swap3A_36 = arith.constant 0 : index
    %swap3A_37 = vector.load %arg7[%swap3A_35, %swap3A_36] : memref<2000x128xf32, #tpu.memory_space<vmem>>, vector<2000x128xf32>
    tpu.vector_store %arg7[%swap3A_35, %swap3A_36], %mul3A_34 {strides = array<i32>} : memref<2000x128xf32, #tpu.memory_space<vmem>>, vector<2000x128xf32>,
    return
  }
  func.func @transform_0(%arg0: i32) -> (i32, i32) {
    %c0_i32 = arith.constant 0 : i32
    %c0_i32_0 = arith.constant 0 : i32
    return %arg0, %c0_i32 : i32, i32
  }
  func.func @transform_1(%arg0: i32) -> (i32, i32, i32) {
    %c0_i32 = arith.constant 0 : i32
    %c0_i32_0 = arith.constant 0 : i32
    %c0_i32_1 = arith.constant 0 : i32
    return %c0_i32, %arg0, %c0_i32_0 : i32, i32, i32
  }
  func.func @transform_2(%arg0: i32) -> (i32, i32) {
    %c0_i32 = arith.constant 0 : i32
    %c0_i32_0 = arith.constant 0 : i32
    return %arg0, %c0_i32 : i32, i32
  }
  func.func @transform_3(%arg0: i32) -> (i32, i32) {
    %c0_i32 = arith.constant 0 : i32
    %c0_i32_0 = arith.constant 0 : i32
    %c0_i32_1 = arith.constant 0 : i32
    return %c0_i32, %c0_i32_0 : i32, i32
  }
  func.func @transform_4(%arg0: i32) -> (i32, i32) {
    %c0_i32 = arith.constant 0 : i32
    %c0_i32_0 = arith.constant 0 : i32
    %c0_i32_1 = arith.constant 0 : i32
    return %c0_i32, %c0_i32_0 : i32, i32
  }
  func.func @transform_5(%arg0: i32) -> (i32, i32) {
    %c0_i32 = arith.constant 0 : i32
    %c0_i32_0 = arith.constant 0 : i32
    return %arg0, %c0_i32 : i32, i32
  }
  func.func @transform_6(%arg0: i32) -> (i32, i32) {
    %c0_i32 = arith.constant 0 : i32
    %c0_i32_0 = arith.constant 0 : i32
    return %arg0, %c0_i32 : i32, i32
  }
}

module attributes {stable_mosaic.version = 14 : i64} {
  func.func @_k3_body(%arg0: i32, %arg1: memref<2000x128xf32, #tpu.memory_space<vmem>>, %arg2: memref<2x2000x128xf32, #tpu.memory_space<vmem>>, %arg3: memref<2000x1xf32, #tpu.memory_space<vmem>>, %arg4: memref<1x128xf32, #tpu.memory_space<vmem>>, %arg5: memref<2000x128xf32, #tpu.memory_space<vmem>>, %arg6: memref<2000x128xf32, #tpu.memory_space<vmem>>) attributes {dimension_semantics = [#tpu.dimension_semantics<arbitrary>], iteration_bounds = array<i64: 5>, scalar_prefetch = 0 : i64, scratch_operands = 0 : i64, tpu.core_type = #tpu.core_type<tc>, window_params = [{transform_indices = @transform_0, window_bounds = array<i64: 2000, 128>}, {transform_indices = @transform_1, window_bounds = array<i64: 2, 2000, 128>}, {transform_indices = @transform_2, window_bounds = array<i64: 2000, 1>}, {pipeline_mode = #tpu.pipeline_mode<synchronous>, transform_indices = @transform_3, window_bounds = array<i64: 1, 128>}, {transform_indices = @transform_4, window_bounds = array<i64: 2000, 128>}, {transform_indices = @transform_5, window_bounds = array<i64: 2000, 128>}]} {
    %get3A = arith.constant 0 : index
    %get3A_0 = arith.constant 0 : index
    %get3A_1 = vector.load %arg3[%get3A, %get3A_0] : memref<2000x1xf32, #tpu.memory_space<vmem>>, vector<2000x1xf32>
    %get3A_2 = arith.constant 0 : index
    %get3A_3 = arith.constant 0 : index
    %get3A_4 = arith.constant 0 : index
    %get3A_5 = vector.load %arg2[%get3A_2, %get3A_3, %get3A_4] : memref<2x2000x128xf32, #tpu.memory_space<vmem>>, vector<1x2000x128xf32>
    %get3A_6 = vector.shape_cast %get3A_5 : vector<1x2000x128xf32> to vector<2000x128xf32>
    %get3A_7 = arith.constant 1 : index
    %get3A_8 = arith.constant 0 : index
    %get3A_9 = arith.constant 0 : index
    %get3A_10 = vector.load %arg2[%get3A_7, %get3A_8, %get3A_9] : memref<2x2000x128xf32, #tpu.memory_space<vmem>>, vector<1x2000x128xf32>
    %get3A_11 = vector.shape_cast %get3A_10 : vector<1x2000x128xf32> to vector<2000x128xf32>
    %add3A = arith.addf %get3A_6, %get3A_11 : vector<2000x128xf32>
    %get3A_12 = arith.constant 0 : index
    %get3A_13 = arith.constant 0 : index
    %get3A_14 = vector.load %arg1[%get3A_12, %get3A_13] : memref<2000x128xf32, #tpu.memory_space<vmem>>, vector<2000x128xf32>
    %add3A_15 = arith.addf %add3A, %get3A_14 : vector<2000x128xf32>
    %mul3A = vector.broadcast %get3A_1 : vector<2000x1xf32> to vector<2000x128xf32>
    %mul3A_16 = arith.mulf %mul3A, %add3A_15 : vector<2000x128xf32>
    %get3A_17 = arith.constant 0 : index
    %get3A_18 = arith.constant 0 : index
    %get3A_19 = vector.load %arg4[%get3A_17, %get3A_18] : memref<1x128xf32, #tpu.memory_space<vmem>>, vector<1x128xf32>
    %add3A_20 = vector.broadcast %get3A_19 : vector<1x128xf32> to vector<2000x128xf32>
    %add3A_21 = arith.addf %mul3A_16, %add3A_20 : vector<2000x128xf32>
    %ge3A = arith.constant 0.000000e+00 : f32
    %ge3A_22 = vector.broadcast %ge3A : f32 to vector<2000x128xf32>
    %ge3A_23 = arith.cmpf oge, %add3A_21, %ge3A_22 : vector<2000x128xf32>
    %mul3A_24 = arith.constant 0.00999999977 : f32
    %mul3A_25 = vector.broadcast %mul3A_24 : f32 to vector<2000x128xf32>
    %mul3A_26 = arith.mulf %mul3A_25, %add3A_21 : vector<2000x128xf32>
    %select_n3A = arith.select %ge3A_23, %add3A_21, %mul3A_26 : vector<2000x128xi1>, vector<2000x128xf32>
    %get3A_27 = arith.constant 0 : index
    %get3A_28 = arith.constant 0 : index
    %get3A_29 = vector.load %arg5[%get3A_27, %get3A_28] : memref<2000x128xf32, #tpu.memory_space<vmem>>, vector<2000x128xf32>
    %add3A_30 = arith.addf %select_n3A, %get3A_29 : vector<2000x128xf32>
    %mul3A_31 = arith.constant 5.000000e-01 : f32
    %mul3A_32 = vector.broadcast %mul3A_31 : f32 to vector<2000x128xf32>
    %mul3A_33 = arith.mulf %add3A_30, %mul3A_32 : vector<2000x128xf32>
    %mul3A_34 = vector.broadcast %get3A_1 : vector<2000x1xf32> to vector<2000x128xf32>
    %mul3A_35 = arith.mulf %mul3A_34, %mul3A_33 : vector<2000x128xf32>
    %swap3A = arith.constant 0 : index
    %swap3A_36 = arith.constant 0 : index
    %swap3A_37 = vector.load %arg6[%swap3A, %swap3A_36] : memref<2000x128xf32, #tpu.memory_space<vmem>>, vector<2000x128xf32>
    tpu.vector_store %arg6[%swap3A, %swap3A_36], %mul3A_35 {strides = array<i32>} : memref<2000x128xf32, #tpu.memory_space<vmem>>, vector<2000x128xf32>,
    return
  }
  func.func @transform_0(%arg0: i32) -> (i32, i32) {
    %c0_i32 = arith.constant 0 : i32
    %c0_i32_0 = arith.constant 0 : i32
    return %arg0, %c0_i32 : i32, i32
  }
  func.func @transform_1(%arg0: i32) -> (i32, i32, i32) {
    %c0_i32 = arith.constant 0 : i32
    %c0_i32_0 = arith.constant 0 : i32
    %c0_i32_1 = arith.constant 0 : i32
    return %c0_i32, %arg0, %c0_i32_0 : i32, i32, i32
  }
  func.func @transform_2(%arg0: i32) -> (i32, i32) {
    %c0_i32 = arith.constant 0 : i32
    %c0_i32_0 = arith.constant 0 : i32
    return %arg0, %c0_i32 : i32, i32
  }
  func.func @transform_3(%arg0: i32) -> (i32, i32) {
    %c0_i32 = arith.constant 0 : i32
    %c0_i32_0 = arith.constant 0 : i32
    %c0_i32_1 = arith.constant 0 : i32
    return %c0_i32, %c0_i32_0 : i32, i32
  }
  func.func @transform_4(%arg0: i32) -> (i32, i32) {
    %c0_i32 = arith.constant 0 : i32
    %c0_i32_0 = arith.constant 0 : i32
    return %arg0, %c0_i32 : i32, i32
  }
  func.func @transform_5(%arg0: i32) -> (i32, i32) {
    %c0_i32 = arith.constant 0 : i32
    %c0_i32_0 = arith.constant 0 : i32
    return %arg0, %c0_i32 : i32, i32
  }
}

module attributes {stable_mosaic.version = 14 : i64} {
  func.func @_k4_body(%arg0: i32, %arg1: memref<2000x128xf32, #tpu.memory_space<vmem>>, %arg2: memref<2x2000x128xf32, #tpu.memory_space<vmem>>, %arg3: memref<2000x1xf32, #tpu.memory_space<vmem>>, %arg4: memref<128x16xf32, #tpu.memory_space<vmem>>, %arg5: memref<1x16xf32, #tpu.memory_space<vmem>>, %arg6: memref<2000x16xf32, #tpu.memory_space<vmem>>) attributes {dimension_semantics = [#tpu.dimension_semantics<arbitrary>], iteration_bounds = array<i64: 5>, scalar_prefetch = 0 : i64, scratch_operands = 0 : i64, tpu.core_type = #tpu.core_type<tc>, window_params = [{transform_indices = @transform_0, window_bounds = array<i64: 2000, 128>}, {transform_indices = @transform_1, window_bounds = array<i64: 2, 2000, 128>}, {transform_indices = @transform_2, window_bounds = array<i64: 2000, 1>}, {pipeline_mode = #tpu.pipeline_mode<synchronous>, transform_indices = @transform_3, window_bounds = array<i64: 128, 16>}, {pipeline_mode = #tpu.pipeline_mode<synchronous>, transform_indices = @transform_4, window_bounds = array<i64: 1, 16>}, {transform_indices = @transform_5, window_bounds = array<i64: 2000, 16>}]} {
    %get3A = arith.constant 0 : index
    %get3A_0 = arith.constant 0 : index
    %get3A_1 = vector.load %arg3[%get3A, %get3A_0] : memref<2000x1xf32, #tpu.memory_space<vmem>>, vector<2000x1xf32>
    %get3A_2 = arith.constant 0 : index
    %get3A_3 = arith.constant 0 : index
    %get3A_4 = arith.constant 0 : index
    %get3A_5 = vector.load %arg2[%get3A_2, %get3A_3, %get3A_4] : memref<2x2000x128xf32, #tpu.memory_space<vmem>>, vector<1x2000x128xf32>
    %get3A_6 = vector.shape_cast %get3A_5 : vector<1x2000x128xf32> to vector<2000x128xf32>
    %get3A_7 = arith.constant 1 : index
    %get3A_8 = arith.constant 0 : index
    %get3A_9 = arith.constant 0 : index
    %get3A_10 = vector.load %arg2[%get3A_7, %get3A_8, %get3A_9] : memref<2x2000x128xf32, #tpu.memory_space<vmem>>, vector<1x2000x128xf32>
    %get3A_11 = vector.shape_cast %get3A_10 : vector<1x2000x128xf32> to vector<2000x128xf32>
    %add3A = arith.addf %get3A_6, %get3A_11 : vector<2000x128xf32>
    %get3A_12 = arith.constant 0 : index
    %get3A_13 = arith.constant 0 : index
    %get3A_14 = vector.load %arg1[%get3A_12, %get3A_13] : memref<2000x128xf32, #tpu.memory_space<vmem>>, vector<2000x128xf32>
    %add3A_15 = arith.addf %add3A, %get3A_14 : vector<2000x128xf32>
    %get3A_16 = arith.constant 0 : index
    %get3A_17 = arith.constant 0 : index
    %get3A_18 = vector.load %arg4[%get3A_16, %get3A_17] : memref<128x16xf32, #tpu.memory_space<vmem>>, vector<128x16xf32>
    %dot_general3A = arith.constant dense<0.000000e+00> : vector<2000x16xf32>
    %dot_general3A_19 = tpu.matmul %add3A_15, %get3A_18, %dot_general3A {dimension_numbers = #tpu.dot_dimension_numbers<[1], [0], [0], [1], [0, 0, 1, 1], [], []>, transpose_lhs_hint = false} : vector<2000x128xf32>, vector<128x16xf32>, vector<2000x16xf32> -> vector<2000x16xf32>
    %mul3A = vector.broadcast %get3A_1 : vector<2000x1xf32> to vector<2000x16xf32>
    %mul3A_20 = arith.mulf %mul3A, %dot_general3A_19 : vector<2000x16xf32>
    %get3A_21 = arith.constant 0 : index
    %get3A_22 = arith.constant 0 : index
    %get3A_23 = vector.load %arg5[%get3A_21, %get3A_22] : memref<1x16xf32, #tpu.memory_space<vmem>>, vector<1x16xf32>
    %add3A_24 = vector.broadcast %get3A_23 : vector<1x16xf32> to vector<2000x16xf32>
    %add3A_25 = arith.addf %mul3A_20, %add3A_24 : vector<2000x16xf32>
    %ge3A = arith.constant 0.000000e+00 : f32
    %ge3A_26 = vector.broadcast %ge3A : f32 to vector<2000x16xf32>
    %ge3A_27 = arith.cmpf oge, %add3A_25, %ge3A_26 : vector<2000x16xf32>
    %mul3A_28 = arith.constant 0.00999999977 : f32
    %mul3A_29 = vector.broadcast %mul3A_28 : f32 to vector<2000x16xf32>
    %mul3A_30 = arith.mulf %mul3A_29, %add3A_25 : vector<2000x16xf32>
    %select_n3A = arith.select %ge3A_27, %add3A_25, %mul3A_30 : vector<2000x16xi1>, vector<2000x16xf32>
    %swap3A = arith.constant 0 : index
    %swap3A_31 = arith.constant 0 : index
    %swap3A_32 = vector.load %arg6[%swap3A, %swap3A_31] : memref<2000x16xf32, #tpu.memory_space<vmem>>, vector<2000x16xf32>
    tpu.vector_store %arg6[%swap3A, %swap3A_31], %select_n3A {strides = array<i32>} : memref<2000x16xf32, #tpu.memory_space<vmem>>, vector<2000x16xf32>,
    return
  }
  func.func @transform_0(%arg0: i32) -> (i32, i32) {
    %c0_i32 = arith.constant 0 : i32
    %c0_i32_0 = arith.constant 0 : i32
    return %arg0, %c0_i32 : i32, i32
  }
  func.func @transform_1(%arg0: i32) -> (i32, i32, i32) {
    %c0_i32 = arith.constant 0 : i32
    %c0_i32_0 = arith.constant 0 : i32
    %c0_i32_1 = arith.constant 0 : i32
    return %c0_i32, %arg0, %c0_i32_0 : i32, i32, i32
  }
  func.func @transform_2(%arg0: i32) -> (i32, i32) {
    %c0_i32 = arith.constant 0 : i32
    %c0_i32_0 = arith.constant 0 : i32
    return %arg0, %c0_i32 : i32, i32
  }
  func.func @transform_3(%arg0: i32) -> (i32, i32) {
    %c0_i32 = arith.constant 0 : i32
    %c0_i32_0 = arith.constant 0 : i32
    %c0_i32_1 = arith.constant 0 : i32
    return %c0_i32, %c0_i32_0 : i32, i32
  }
  func.func @transform_4(%arg0: i32) -> (i32, i32) {
    %c0_i32 = arith.constant 0 : i32
    %c0_i32_0 = arith.constant 0 : i32
    %c0_i32_1 = arith.constant 0 : i32
    return %c0_i32, %c0_i32_0 : i32, i32
  }
  func.func @transform_5(%arg0: i32) -> (i32, i32) {
    %c0_i32 = arith.constant 0 : i32
    %c0_i32_0 = arith.constant 0 : i32
    return %arg0, %c0_i32 : i32, i32
  }
}

module attributes {stable_mosaic.version = 14 : i64} {
  func.func @_k5_body(%arg0: i32, %arg1: memref<5x3200xf32, #tpu.memory_space<vmem>>, %arg2: memref<1024x3200xf32, #tpu.memory_space<vmem>>, %arg3: memref<1x1024xf32, #tpu.memory_space<vmem>>, %arg4: memref<1x1024xf32, #tpu.memory_space<vmem>>, %arg5: memref<5x1024xf32, #tpu.memory_space<vmem>>) attributes {dimension_semantics = [#tpu.dimension_semantics<arbitrary>], iteration_bounds = array<i64: 10>, scalar_prefetch = 0 : i64, scratch_operands = 0 : i64, tpu.core_type = #tpu.core_type<tc>, window_params = [{transform_indices = @transform_0, window_bounds = array<i64: 5, 3200>}, {transform_indices = @transform_1, window_bounds = array<i64: 1024, 3200>}, {pipeline_mode = #tpu.pipeline_mode<synchronous>, transform_indices = @transform_2, window_bounds = array<i64: 1, 1024>}, {pipeline_mode = #tpu.pipeline_mode<synchronous>, transform_indices = @transform_3, window_bounds = array<i64: 1, 1024>}, {pipeline_mode = #tpu.pipeline_mode<synchronous>, transform_indices = @transform_4, window_bounds = array<i64: 5, 1024>}]} {
    %eq3A = arith.constant 0 : i32
    %eq3A_0 = arith.cmpi eq, %arg0, %eq3A : i32
    %convert_element_type3A = arith.extui %eq3A_0 : i1 to i32
    %cond3A = arith.constant 0 : i32
    %cond3A_1 = arith.cmpi ne, %convert_element_type3A, %cond3A : i32
    scf.if %cond3A_1 {
      %get3A_13 = arith.constant 0 : index
      %get3A_14 = arith.constant 0 : index
      %get3A_15 = vector.load %arg3[%get3A_13, %get3A_14] : memref<1x1024xf32, #tpu.memory_space<vmem>>, vector<1x1024xf32>
      %get3A_16 = arith.constant 0 : index
      %get3A_17 = arith.constant 0 : index
      %get3A_18 = vector.load %arg4[%get3A_16, %get3A_17] : memref<1x1024xf32, #tpu.memory_space<vmem>>, vector<1x1024xf32>
      %add3A_19 = arith.addf %get3A_15, %get3A_18 : vector<1x1024xf32>
      %broadcast_in_dim3A = vector.shape_cast %add3A_19 : vector<1x1024xf32> to vector<1x1024xf32>
      %broadcast_in_dim3A_20 = vector.broadcast %broadcast_in_dim3A : vector<1x1024xf32> to vector<5x1024xf32>
      %swap3A_21 = arith.constant 0 : index
      %swap3A_22 = arith.constant 0 : index
      %swap3A_23 = vector.load %arg5[%swap3A_21, %swap3A_22] : memref<5x1024xf32, #tpu.memory_space<vmem>>, vector<5x1024xf32>
      tpu.vector_store %arg5[%swap3A_21, %swap3A_22], %broadcast_in_dim3A_20 {strides = array<i32>} : memref<5x1024xf32, #tpu.memory_space<vmem>>, vector<5x1024xf32>,
    } else {
    }
    %get3A = arith.constant 0 : index
    %get3A_2 = arith.constant 0 : index
    %get3A_3 = vector.load %arg5[%get3A, %get3A_2] : memref<5x1024xf32, #tpu.memory_space<vmem>>, vector<5x1024xf32>
    %get3A_4 = arith.constant 0 : index
    %get3A_5 = arith.constant 0 : index
    %get3A_6 = vector.load %arg1[%get3A_4, %get3A_5] : memref<5x3200xf32, #tpu.memory_space<vmem>>, vector<5x3200xf32>
    %get3A_7 = arith.constant 0 : index
    %get3A_8 = arith.constant 0 : index
    %get3A_9 = vector.load %arg2[%get3A_7, %get3A_8] : memref<1024x3200xf32, #tpu.memory_space<vmem>>, vector<1024x3200xf32>
    %dot_general3A = arith.constant dense<0.000000e+00> : vector<5x1024xf32>
    %dot_general3A_10 = tpu.matmul %get3A_6, %get3A_9, %dot_general3A {dimension_numbers = #tpu.dot_dimension_numbers<[1], [1], [0], [0], [0, 0, 1, 0], [], []>, transpose_lhs_hint = false} : vector<5x3200xf32>, vector<1024x3200xf32>, vector<5x1024xf32> -> vector<5x1024xf32>
    %add3A = arith.addf %get3A_3, %dot_general3A_10 : vector<5x1024xf32>
    %swap3A = arith.constant 0 : index
    %swap3A_11 = arith.constant 0 : index
    %swap3A_12 = vector.load %arg5[%swap3A, %swap3A_11] : memref<5x1024xf32, #tpu.memory_space<vmem>>, vector<5x1024xf32>
    tpu.vector_store %arg5[%swap3A, %swap3A_11], %add3A {strides = array<i32>} : memref<5x1024xf32, #tpu.memory_space<vmem>>, vector<5x1024xf32>,
    return
  }
  func.func @transform_0(%arg0: i32) -> (i32, i32) {
    %c0_i32 = arith.constant 0 : i32
    %c0_i32_0 = arith.constant 0 : i32
    return %c0_i32, %arg0 : i32, i32
  }
  func.func @transform_1(%arg0: i32) -> (i32, i32) {
    %c0_i32 = arith.constant 0 : i32
    %c0_i32_0 = arith.constant 0 : i32
    return %c0_i32, %arg0 : i32, i32
  }
  func.func @transform_2(%arg0: i32) -> (i32, i32) {
    %c0_i32 = arith.constant 0 : i32
    %c0_i32_0 = arith.constant 0 : i32
    %c0_i32_1 = arith.constant 0 : i32
    return %c0_i32, %c0_i32_0 : i32, i32
  }
  func.func @transform_3(%arg0: i32) -> (i32, i32) {
    %c0_i32 = arith.constant 0 : i32
    %c0_i32_0 = arith.constant 0 : i32
    %c0_i32_1 = arith.constant 0 : i32
    return %c0_i32, %c0_i32_0 : i32, i32
  }
  func.func @transform_4(%arg0: i32) -> (i32, i32) {
    %c0_i32 = arith.constant 0 : i32
    %c0_i32_0 = arith.constant 0 : i32
    %c0_i32_1 = arith.constant 0 : i32
    return %c0_i32, %c0_i32_0 : i32, i32
  }
}

module attributes {stable_mosaic.version = 14 : i64} {
  func.func @_k6_body(%arg0: i32, %arg1: memref<5x1024xf32, #tpu.memory_space<vmem>>, %arg2: memref<1024x256xf32, #tpu.memory_space<vmem>>, %arg3: memref<1024x256xf32, #tpu.memory_space<vmem>>, %arg4: memref<1x1024xf32, #tpu.memory_space<vmem>>, %arg5: memref<1x1024xf32, #tpu.memory_space<vmem>>, %arg6: memref<1024x256xf32, #tpu.memory_space<vmem>>, %arg7: memref<256x256xf32, #tpu.memory_space<vmem>>, %arg8: memref<1x256xf32, #tpu.memory_space<vmem>>, %arg9: memref<4x256xf32, #tpu.memory_space<vmem>>, %arg10: memref<1x4xf32, #tpu.memory_space<vmem>>, %arg11: memref<1x4xf32, #tpu.memory_space<vmem>>) attributes {dimension_semantics = [#tpu.dimension_semantics<arbitrary>], iteration_bounds = array<i64: 1>, scalar_prefetch = 0 : i64, scratch_operands = 0 : i64, tpu.core_type = #tpu.core_type<tc>, window_params = [{pipeline_mode = #tpu.pipeline_mode<synchronous>, transform_indices = @transform_0, window_bounds = array<i64: 5, 1024>}, {pipeline_mode = #tpu.pipeline_mode<synchronous>, transform_indices = @transform_1, window_bounds = array<i64: 1024, 256>}, {pipeline_mode = #tpu.pipeline_mode<synchronous>, transform_indices = @transform_2, window_bounds = array<i64: 1024, 256>}, {pipeline_mode = #tpu.pipeline_mode<synchronous>, transform_indices = @transform_3, window_bounds = array<i64: 1, 1024>}, {pipeline_mode = #tpu.pipeline_mode<synchronous>, transform_indices = @transform_4, window_bounds = array<i64: 1, 1024>}, {pipeline_mode = #tpu.pipeline_mode<synchronous>, transform_indices = @transform_5, window_bounds = array<i64: 1024, 256>}, {pipeline_mode = #tpu.pipeline_mode<synchronous>, transform_indices = @transform_6, window_bounds = array<i64: 256, 256>}, {pipeline_mode = #tpu.pipeline_mode<synchronous>, transform_indices = @transform_7, window_bounds = array<i64: 1, 256>}, {pipeline_mode = #tpu.pipeline_mode<synchronous>, transform_indices = @transform_8, window_bounds = array<i64: 4, 256>}, {pipeline_mode = #tpu.pipeline_mode<synchronous>, transform_indices = @transform_9, window_bounds = array<i64: 1, 4>}, {pipeline_mode = #tpu.pipeline_mode<synchronous>, transform_indices = @transform_10, window_bounds = array<i64: 1, 4>}]} {
    %get3A = arith.constant 0 : index
    %get3A_0 = arith.constant 0 : index
    %get3A_1 = vector.load %arg1[%get3A, %get3A_0] : memref<5x1024xf32, #tpu.memory_space<vmem>>, vector<1x1024xf32>
    %get3A_2 = arith.constant 1 : index
    %get3A_3 = arith.constant 0 : index
    %get3A_4 = vector.load %arg1[%get3A_2, %get3A_3] : memref<5x1024xf32, #tpu.memory_space<vmem>>, vector<1x1024xf32>
    %get3A_5 = arith.constant 2 : index
    %get3A_6 = arith.constant 0 : index
    %get3A_7 = vector.load %arg1[%get3A_5, %get3A_6] : memref<5x1024xf32, #tpu.memory_space<vmem>>, vector<1x1024xf32>
    %get3A_8 = arith.constant 3 : index
    %get3A_9 = arith.constant 0 : index
    %get3A_10 = vector.load %arg1[%get3A_8, %get3A_9] : memref<5x1024xf32, #tpu.memory_space<vmem>>, vector<1x1024xf32>
    %get3A_11 = arith.constant 4 : index
    %get3A_12 = arith.constant 0 : index
    %get3A_13 = vector.load %arg1[%get3A_11, %get3A_12] : memref<5x1024xf32, #tpu.memory_space<vmem>>, vector<1x1024xf32>
    %broadcast_in_dim3A = arith.constant 0.000000e+00 : f32
    %broadcast_in_dim3A_14 = vector.broadcast %broadcast_in_dim3A : f32 to vector<1x256xf32>
    %broadcast_in_dim3A_15 = arith.constant 0.000000e+00 : f32
    %broadcast_in_dim3A_16 = vector.broadcast %broadcast_in_dim3A_15 : f32 to vector<1x256xf32>
    %get3A_17 = arith.constant 0 : index
    %get3A_18 = arith.constant 0 : index
    %get3A_19 = vector.load %arg2[%get3A_17, %get3A_18] : memref<1024x256xf32, #tpu.memory_space<vmem>>, vector<1024x256xf32>
    %dot_general3A = arith.constant dense<0.000000e+00> : vector<1x1024xf32>
    %dot_general3A_20 = tpu.matmul %broadcast_in_dim3A_14, %get3A_19, %dot_general3A {dimension_numbers = #tpu.dot_dimension_numbers<[1], [1], [0], [0], [0, 0, 1, 0], [], []>, transpose_lhs_hint = false} : vector<1x256xf32>, vector<1024x256xf32>, vector<1x1024xf32> -> vector<1x1024xf32>
    %add3A = arith.addf %get3A_1, %dot_general3A_20 : vector<1x1024xf32>
    %slice3A = vector.extract_strided_slice %add3A {offsets = [0, 0], sizes = [1, 256], strides = [1, 1]} : vector<1x1024xf32> to vector<1x256xf32>
    %logistic3A = arith.negf %slice3A : vector<1x256xf32>
    %logistic3A_21 = math.exp %logistic3A : vector<1x256xf32>
    %logistic3A_22 = arith.constant 1.000000e+00 : f32
    %logistic3A_23 = vector.broadcast %logistic3A_22 : f32 to vector<1x256xf32>
    %logistic3A_24 = arith.addf %logistic3A_23, %logistic3A_21 : vector<1x256xf32>
    %logistic3A_25 = arith.divf %logistic3A_23, %logistic3A_24 : vector<1x256xf32>
    %slice3A_26 = vector.extract_strided_slice %add3A {offsets = [0, 256], sizes = [1, 256], strides = [1, 1]} : vector<1x1024xf32> to vector<1x256xf32>
    %logistic3A_27 = arith.negf %slice3A_26 : vector<1x256xf32>
    %logistic3A_28 = math.exp %logistic3A_27 : vector<1x256xf32>
    %logistic3A_29 = arith.constant 1.000000e+00 : f32
    %logistic3A_30 = vector.broadcast %logistic3A_29 : f32 to vector<1x256xf32>
    %logistic3A_31 = arith.addf %logistic3A_30, %logistic3A_28 : vector<1x256xf32>
    %logistic3A_32 = arith.divf %logistic3A_30, %logistic3A_31 : vector<1x256xf32>
    %slice3A_33 = vector.extract_strided_slice %add3A {offsets = [0, 512], sizes = [1, 256], strides = [1, 1]} : vector<1x1024xf32> to vector<1x256xf32>
    %tanh3A = math.tanh %slice3A_33 : vector<1x256xf32>
    %slice3A_34 = vector.extract_strided_slice %add3A {offsets = [0, 768], sizes = [1, 256], strides = [1, 1]} : vector<1x1024xf32> to vector<1x256xf32>
    %logistic3A_35 = arith.negf %slice3A_34 : vector<1x256xf32>
    %logistic3A_36 = math.exp %logistic3A_35 : vector<1x256xf32>
    %logistic3A_37 = arith.constant 1.000000e+00 : f32
    %logistic3A_38 = vector.broadcast %logistic3A_37 : f32 to vector<1x256xf32>
    %logistic3A_39 = arith.addf %logistic3A_38, %logistic3A_36 : vector<1x256xf32>
    %logistic3A_40 = arith.divf %logistic3A_38, %logistic3A_39 : vector<1x256xf32>
    %mul3A = arith.mulf %logistic3A_32, %broadcast_in_dim3A_16 : vector<1x256xf32>
    %mul3A_41 = arith.mulf %logistic3A_25, %tanh3A : vector<1x256xf32>
    %add3A_42 = arith.addf %mul3A, %mul3A_41 : vector<1x256xf32>
    %tanh3A_43 = math.tanh %add3A_42 : vector<1x256xf32>
    %mul3A_44 = arith.mulf %logistic3A_40, %tanh3A_43 : vector<1x256xf32>
    %get3A_45 = arith.constant 0 : index
    %get3A_46 = arith.constant 0 : index
    %get3A_47 = vector.load %arg2[%get3A_45, %get3A_46] : memref<1024x256xf32, #tpu.memory_space<vmem>>, vector<1024x256xf32>
    %dot_general3A_48 = arith.constant dense<0.000000e+00> : vector<1x1024xf32>
    %dot_general3A_49 = tpu.matmul %mul3A_44, %get3A_47, %dot_general3A_48 {dimension_numbers = #tpu.dot_dimension_numbers<[1], [1], [0], [0], [0, 0, 1, 0], [], []>, transpose_lhs_hint = false} : vector<1x256xf32>, vector<1024x256xf32>, vector<1x1024xf32> -> vector<1x1024xf32>
    %add3A_50 = arith.addf %get3A_4, %dot_general3A_49 : vector<1x1024xf32>
    %slice3A_51 = vector.extract_strided_slice %add3A_50 {offsets = [0, 0], sizes = [1, 256], strides = [1, 1]} : vector<1x1024xf32> to vector<1x256xf32>
    %logistic3A_52 = arith.negf %slice3A_51 : vector<1x256xf32>
    %logistic3A_53 = math.exp %logistic3A_52 : vector<1x256xf32>
    %logistic3A_54 = arith.constant 1.000000e+00 : f32
    %logistic3A_55 = vector.broadcast %logistic3A_54 : f32 to vector<1x256xf32>
    %logistic3A_56 = arith.addf %logistic3A_55, %logistic3A_53 : vector<1x256xf32>
    %logistic3A_57 = arith.divf %logistic3A_55, %logistic3A_56 : vector<1x256xf32>
    %slice3A_58 = vector.extract_strided_slice %add3A_50 {offsets = [0, 256], sizes = [1, 256], strides = [1, 1]} : vector<1x1024xf32> to vector<1x256xf32>
    %logistic3A_59 = arith.negf %slice3A_58 : vector<1x256xf32>
    %logistic3A_60 = math.exp %logistic3A_59 : vector<1x256xf32>
    %logistic3A_61 = arith.constant 1.000000e+00 : f32
    %logistic3A_62 = vector.broadcast %logistic3A_61 : f32 to vector<1x256xf32>
    %logistic3A_63 = arith.addf %logistic3A_62, %logistic3A_60 : vector<1x256xf32>
    %logistic3A_64 = arith.divf %logistic3A_62, %logistic3A_63 : vector<1x256xf32>
    %slice3A_65 = vector.extract_strided_slice %add3A_50 {offsets = [0, 512], sizes = [1, 256], strides = [1, 1]} : vector<1x1024xf32> to vector<1x256xf32>
    %tanh3A_66 = math.tanh %slice3A_65 : vector<1x256xf32>
    %slice3A_67 = vector.extract_strided_slice %add3A_50 {offsets = [0, 768], sizes = [1, 256], strides = [1, 1]} : vector<1x1024xf32> to vector<1x256xf32>
    %logistic3A_68 = arith.negf %slice3A_67 : vector<1x256xf32>
    %logistic3A_69 = math.exp %logistic3A_68 : vector<1x256xf32>
    %logistic3A_70 = arith.constant 1.000000e+00 : f32
    %logistic3A_71 = vector.broadcast %logistic3A_70 : f32 to vector<1x256xf32>
    %logistic3A_72 = arith.addf %logistic3A_71, %logistic3A_69 : vector<1x256xf32>
    %logistic3A_73 = arith.divf %logistic3A_71, %logistic3A_72 : vector<1x256xf32>
    %mul3A_74 = arith.mulf %logistic3A_64, %add3A_42 : vector<1x256xf32>
    %mul3A_75 = arith.mulf %logistic3A_57, %tanh3A_66 : vector<1x256xf32>
    %add3A_76 = arith.addf %mul3A_74, %mul3A_75 : vector<1x256xf32>
    %tanh3A_77 = math.tanh %add3A_76 : vector<1x256xf32>
    %mul3A_78 = arith.mulf %logistic3A_73, %tanh3A_77 : vector<1x256xf32>
    %get3A_79 = arith.constant 0 : index
    %get3A_80 = arith.constant 0 : index
    %get3A_81 = vector.load %arg2[%get3A_79, %get3A_80] : memref<1024x256xf32, #tpu.memory_space<vmem>>, vector<1024x256xf32>
    %dot_general3A_82 = arith.constant dense<0.000000e+00> : vector<1x1024xf32>
    %dot_general3A_83 = tpu.matmul %mul3A_78, %get3A_81, %dot_general3A_82 {dimension_numbers = #tpu.dot_dimension_numbers<[1], [1], [0], [0], [0, 0, 1, 0], [], []>, transpose_lhs_hint = false} : vector<1x256xf32>, vector<1024x256xf32>, vector<1x1024xf32> -> vector<1x1024xf32>
    %add3A_84 = arith.addf %get3A_7, %dot_general3A_83 : vector<1x1024xf32>
    %slice3A_85 = vector.extract_strided_slice %add3A_84 {offsets = [0, 0], sizes = [1, 256], strides = [1, 1]} : vector<1x1024xf32> to vector<1x256xf32>
    %logistic3A_86 = arith.negf %slice3A_85 : vector<1x256xf32>
    %logistic3A_87 = math.exp %logistic3A_86 : vector<1x256xf32>
    %logistic3A_88 = arith.constant 1.000000e+00 : f32
    %logistic3A_89 = vector.broadcast %logistic3A_88 : f32 to vector<1x256xf32>
    %logistic3A_90 = arith.addf %logistic3A_89, %logistic3A_87 : vector<1x256xf32>
    %logistic3A_91 = arith.divf %logistic3A_89, %logistic3A_90 : vector<1x256xf32>
    %slice3A_92 = vector.extract_strided_slice %add3A_84 {offsets = [0, 256], sizes = [1, 256], strides = [1, 1]} : vector<1x1024xf32> to vector<1x256xf32>
    %logistic3A_93 = arith.negf %slice3A_92 : vector<1x256xf32>
    %logistic3A_94 = math.exp %logistic3A_93 : vector<1x256xf32>
    %logistic3A_95 = arith.constant 1.000000e+00 : f32
    %logistic3A_96 = vector.broadcast %logistic3A_95 : f32 to vector<1x256xf32>
    %logistic3A_97 = arith.addf %logistic3A_96, %logistic3A_94 : vector<1x256xf32>
    %logistic3A_98 = arith.divf %logistic3A_96, %logistic3A_97 : vector<1x256xf32>
    %slice3A_99 = vector.extract_strided_slice %add3A_84 {offsets = [0, 512], sizes = [1, 256], strides = [1, 1]} : vector<1x1024xf32> to vector<1x256xf32>
    %tanh3A_100 = math.tanh %slice3A_99 : vector<1x256xf32>
    %slice3A_101 = vector.extract_strided_slice %add3A_84 {offsets = [0, 768], sizes = [1, 256], strides = [1, 1]} : vector<1x1024xf32> to vector<1x256xf32>
    %logistic3A_102 = arith.negf %slice3A_101 : vector<1x256xf32>
    %logistic3A_103 = math.exp %logistic3A_102 : vector<1x256xf32>
    %logistic3A_104 = arith.constant 1.000000e+00 : f32
    %logistic3A_105 = vector.broadcast %logistic3A_104 : f32 to vector<1x256xf32>
    %logistic3A_106 = arith.addf %logistic3A_105, %logistic3A_103 : vector<1x256xf32>
    %logistic3A_107 = arith.divf %logistic3A_105, %logistic3A_106 : vector<1x256xf32>
    %mul3A_108 = arith.mulf %logistic3A_98, %add3A_76 : vector<1x256xf32>
    %mul3A_109 = arith.mulf %logistic3A_91, %tanh3A_100 : vector<1x256xf32>
    %add3A_110 = arith.addf %mul3A_108, %mul3A_109 : vector<1x256xf32>
    %tanh3A_111 = math.tanh %add3A_110 : vector<1x256xf32>
    %mul3A_112 = arith.mulf %logistic3A_107, %tanh3A_111 : vector<1x256xf32>
    %get3A_113 = arith.constant 0 : index
    %get3A_114 = arith.constant 0 : index
    %get3A_115 = vector.load %arg2[%get3A_113, %get3A_114] : memref<1024x256xf32, #tpu.memory_space<vmem>>, vector<1024x256xf32>
    %dot_general3A_116 = arith.constant dense<0.000000e+00> : vector<1x1024xf32>
    %dot_general3A_117 = tpu.matmul %mul3A_112, %get3A_115, %dot_general3A_116 {dimension_numbers = #tpu.dot_dimension_numbers<[1], [1], [0], [0], [0, 0, 1, 0], [], []>, transpose_lhs_hint = false} : vector<1x256xf32>, vector<1024x256xf32>, vector<1x1024xf32> -> vector<1x1024xf32>
    %add3A_118 = arith.addf %get3A_10, %dot_general3A_117 : vector<1x1024xf32>
    %slice3A_119 = vector.extract_strided_slice %add3A_118 {offsets = [0, 0], sizes = [1, 256], strides = [1, 1]} : vector<1x1024xf32> to vector<1x256xf32>
    %logistic3A_120 = arith.negf %slice3A_119 : vector<1x256xf32>
    %logistic3A_121 = math.exp %logistic3A_120 : vector<1x256xf32>
    %logistic3A_122 = arith.constant 1.000000e+00 : f32
    %logistic3A_123 = vector.broadcast %logistic3A_122 : f32 to vector<1x256xf32>
    %logistic3A_124 = arith.addf %logistic3A_123, %logistic3A_121 : vector<1x256xf32>
    %logistic3A_125 = arith.divf %logistic3A_123, %logistic3A_124 : vector<1x256xf32>
    %slice3A_126 = vector.extract_strided_slice %add3A_118 {offsets = [0, 256], sizes = [1, 256], strides = [1, 1]} : vector<1x1024xf32> to vector<1x256xf32>
    %logistic3A_127 = arith.negf %slice3A_126 : vector<1x256xf32>
    %logistic3A_128 = math.exp %logistic3A_127 : vector<1x256xf32>
    %logistic3A_129 = arith.constant 1.000000e+00 : f32
    %logistic3A_130 = vector.broadcast %logistic3A_129 : f32 to vector<1x256xf32>
    %logistic3A_131 = arith.addf %logistic3A_130, %logistic3A_128 : vector<1x256xf32>
    %logistic3A_132 = arith.divf %logistic3A_130, %logistic3A_131 : vector<1x256xf32>
    %slice3A_133 = vector.extract_strided_slice %add3A_118 {offsets = [0, 512], sizes = [1, 256], strides = [1, 1]} : vector<1x1024xf32> to vector<1x256xf32>
    %tanh3A_134 = math.tanh %slice3A_133 : vector<1x256xf32>
    %slice3A_135 = vector.extract_strided_slice %add3A_118 {offsets = [0, 768], sizes = [1, 256], strides = [1, 1]} : vector<1x1024xf32> to vector<1x256xf32>
    %logistic3A_136 = arith.negf %slice3A_135 : vector<1x256xf32>
    %logistic3A_137 = math.exp %logistic3A_136 : vector<1x256xf32>
    %logistic3A_138 = arith.constant 1.000000e+00 : f32
    %logistic3A_139 = vector.broadcast %logistic3A_138 : f32 to vector<1x256xf32>
    %logistic3A_140 = arith.addf %logistic3A_139, %logistic3A_137 : vector<1x256xf32>
    %logistic3A_141 = arith.divf %logistic3A_139, %logistic3A_140 : vector<1x256xf32>
    %mul3A_142 = arith.mulf %logistic3A_132, %add3A_110 : vector<1x256xf32>
    %mul3A_143 = arith.mulf %logistic3A_125, %tanh3A_134 : vector<1x256xf32>
    %add3A_144 = arith.addf %mul3A_142, %mul3A_143 : vector<1x256xf32>
    %tanh3A_145 = math.tanh %add3A_144 : vector<1x256xf32>
    %mul3A_146 = arith.mulf %logistic3A_141, %tanh3A_145 : vector<1x256xf32>
    %get3A_147 = arith.constant 0 : index
    %get3A_148 = arith.constant 0 : index
    %get3A_149 = vector.load %arg2[%get3A_147, %get3A_148] : memref<1024x256xf32, #tpu.memory_space<vmem>>, vector<1024x256xf32>
    %dot_general3A_150 = arith.constant dense<0.000000e+00> : vector<1x1024xf32>
    %dot_general3A_151 = tpu.matmul %mul3A_146, %get3A_149, %dot_general3A_150 {dimension_numbers = #tpu.dot_dimension_numbers<[1], [1], [0], [0], [0, 0, 1, 0], [], []>, transpose_lhs_hint = false} : vector<1x256xf32>, vector<1024x256xf32>, vector<1x1024xf32> -> vector<1x1024xf32>
    %add3A_152 = arith.addf %get3A_13, %dot_general3A_151 : vector<1x1024xf32>
    %slice3A_153 = vector.extract_strided_slice %add3A_152 {offsets = [0, 0], sizes = [1, 256], strides = [1, 1]} : vector<1x1024xf32> to vector<1x256xf32>
    %logistic3A_154 = arith.negf %slice3A_153 : vector<1x256xf32>
    %logistic3A_155 = math.exp %logistic3A_154 : vector<1x256xf32>
    %logistic3A_156 = arith.constant 1.000000e+00 : f32
    %logistic3A_157 = vector.broadcast %logistic3A_156 : f32 to vector<1x256xf32>
    %logistic3A_158 = arith.addf %logistic3A_157, %logistic3A_155 : vector<1x256xf32>
    %logistic3A_159 = arith.divf %logistic3A_157, %logistic3A_158 : vector<1x256xf32>
    %slice3A_160 = vector.extract_strided_slice %add3A_152 {offsets = [0, 256], sizes = [1, 256], strides = [1, 1]} : vector<1x1024xf32> to vector<1x256xf32>
    %logistic3A_161 = arith.negf %slice3A_160 : vector<1x256xf32>
    %logistic3A_162 = math.exp %logistic3A_161 : vector<1x256xf32>
    %logistic3A_163 = arith.constant 1.000000e+00 : f32
    %logistic3A_164 = vector.broadcast %logistic3A_163 : f32 to vector<1x256xf32>
    %logistic3A_165 = arith.addf %logistic3A_164, %logistic3A_162 : vector<1x256xf32>
    %logistic3A_166 = arith.divf %logistic3A_164, %logistic3A_165 : vector<1x256xf32>
    %slice3A_167 = vector.extract_strided_slice %add3A_152 {offsets = [0, 512], sizes = [1, 256], strides = [1, 1]} : vector<1x1024xf32> to vector<1x256xf32>
    %tanh3A_168 = math.tanh %slice3A_167 : vector<1x256xf32>
    %slice3A_169 = vector.extract_strided_slice %add3A_152 {offsets = [0, 768], sizes = [1, 256], strides = [1, 1]} : vector<1x1024xf32> to vector<1x256xf32>
    %logistic3A_170 = arith.negf %slice3A_169 : vector<1x256xf32>
    %logistic3A_171 = math.exp %logistic3A_170 : vector<1x256xf32>
    %logistic3A_172 = arith.constant 1.000000e+00 : f32
    %logistic3A_173 = vector.broadcast %logistic3A_172 : f32 to vector<1x256xf32>
    %logistic3A_174 = arith.addf %logistic3A_173, %logistic3A_171 : vector<1x256xf32>
    %logistic3A_175 = arith.divf %logistic3A_173, %logistic3A_174 : vector<1x256xf32>
    %mul3A_176 = arith.mulf %logistic3A_166, %add3A_144 : vector<1x256xf32>
    %mul3A_177 = arith.mulf %logistic3A_159, %tanh3A_168 : vector<1x256xf32>
    %add3A_178 = arith.addf %mul3A_176, %mul3A_177 : vector<1x256xf32>
    %tanh3A_179 = math.tanh %add3A_178 : vector<1x256xf32>
    %mul3A_180 = arith.mulf %logistic3A_175, %tanh3A_179 : vector<1x256xf32>
    %get3A_181 = arith.constant 0 : index
    %get3A_182 = arith.constant 0 : index
    %get3A_183 = vector.load %arg4[%get3A_181, %get3A_182] : memref<1x1024xf32, #tpu.memory_space<vmem>>, vector<1x1024xf32>
    %get3A_184 = arith.constant 0 : index
    %get3A_185 = arith.constant 0 : index
    %get3A_186 = vector.load %arg5[%get3A_184, %get3A_185] : memref<1x1024xf32, #tpu.memory_space<vmem>>, vector<1x1024xf32>
    %add3A_187 = arith.addf %get3A_183, %get3A_186 : vector<1x1024xf32>
    %get3A_188 = arith.constant 0 : index
    %get3A_189 = arith.constant 0 : index
    %get3A_190 = vector.load %arg3[%get3A_188, %get3A_189] : memref<1024x256xf32, #tpu.memory_space<vmem>>, vector<1024x256xf32>
    %dot_general3A_191 = arith.constant dense<0.000000e+00> : vector<1x1024xf32>
    %dot_general3A_192 = tpu.matmul %mul3A_44, %get3A_190, %dot_general3A_191 {dimension_numbers = #tpu.dot_dimension_numbers<[1], [1], [0], [0], [0, 0, 1, 0], [], []>, transpose_lhs_hint = false} : vector<1x256xf32>, vector<1024x256xf32>, vector<1x1024xf32> -> vector<1x1024xf32>
    %add3A_193 = arith.addf %dot_general3A_192, %add3A_187 : vector<1x1024xf32>
    %get3A_194 = arith.constant 0 : index
    %get3A_195 = arith.constant 0 : index
    %get3A_196 = vector.load %arg3[%get3A_194, %get3A_195] : memref<1024x256xf32, #tpu.memory_space<vmem>>, vector<1024x256xf32>
    %dot_general3A_197 = arith.constant dense<0.000000e+00> : vector<1x1024xf32>
    %dot_general3A_198 = tpu.matmul %mul3A_78, %get3A_196, %dot_general3A_197 {dimension_numbers = #tpu.dot_dimension_numbers<[1], [1], [0], [0], [0, 0, 1, 0], [], []>, transpose_lhs_hint = false} : vector<1x256xf32>, vector<1024x256xf32>, vector<1x1024xf32> -> vector<1x1024xf32>
    %add3A_199 = arith.addf %dot_general3A_198, %add3A_187 : vector<1x1024xf32>
    %get3A_200 = arith.constant 0 : index
    %get3A_201 = arith.constant 0 : index
    %get3A_202 = vector.load %arg3[%get3A_200, %get3A_201] : memref<1024x256xf32, #tpu.memory_space<vmem>>, vector<1024x256xf32>
    %dot_general3A_203 = arith.constant dense<0.000000e+00> : vector<1x1024xf32>
    %dot_general3A_204 = tpu.matmul %mul3A_112, %get3A_202, %dot_general3A_203 {dimension_numbers = #tpu.dot_dimension_numbers<[1], [1], [0], [0], [0, 0, 1, 0], [], []>, transpose_lhs_hint = false} : vector<1x256xf32>, vector<1024x256xf32>, vector<1x1024xf32> -> vector<1x1024xf32>
    %add3A_205 = arith.addf %dot_general3A_204, %add3A_187 : vector<1x1024xf32>
    %get3A_206 = arith.constant 0 : index
    %get3A_207 = arith.constant 0 : index
    %get3A_208 = vector.load %arg3[%get3A_206, %get3A_207] : memref<1024x256xf32, #tpu.memory_space<vmem>>, vector<1024x256xf32>
    %dot_general3A_209 = arith.constant dense<0.000000e+00> : vector<1x1024xf32>
    %dot_general3A_210 = tpu.matmul %mul3A_146, %get3A_208, %dot_general3A_209 {dimension_numbers = #tpu.dot_dimension_numbers<[1], [1], [0], [0], [0, 0, 1, 0], [], []>, transpose_lhs_hint = false} : vector<1x256xf32>, vector<1024x256xf32>, vector<1x1024xf32> -> vector<1x1024xf32>
    %add3A_211 = arith.addf %dot_general3A_210, %add3A_187 : vector<1x1024xf32>
    %get3A_212 = arith.constant 0 : index
    %get3A_213 = arith.constant 0 : index
    %get3A_214 = vector.load %arg3[%get3A_212, %get3A_213] : memref<1024x256xf32, #tpu.memory_space<vmem>>, vector<1024x256xf32>
    %dot_general3A_215 = arith.constant dense<0.000000e+00> : vector<1x1024xf32>
    %dot_general3A_216 = tpu.matmul %mul3A_180, %get3A_214, %dot_general3A_215 {dimension_numbers = #tpu.dot_dimension_numbers<[1], [1], [0], [0], [0, 0, 1, 0], [], []>, transpose_lhs_hint = false} : vector<1x256xf32>, vector<1024x256xf32>, vector<1x1024xf32> -> vector<1x1024xf32>
    %add3A_217 = arith.addf %dot_general3A_216, %add3A_187 : vector<1x1024xf32>
    %broadcast_in_dim3A_218 = arith.constant 0.000000e+00 : f32
    %broadcast_in_dim3A_219 = vector.broadcast %broadcast_in_dim3A_218 : f32 to vector<1x256xf32>
    %broadcast_in_dim3A_220 = arith.constant 0.000000e+00 : f32
    %broadcast_in_dim3A_221 = vector.broadcast %broadcast_in_dim3A_220 : f32 to vector<1x256xf32>
    %get3A_222 = arith.constant 0 : index
    %get3A_223 = arith.constant 0 : index
    %get3A_224 = vector.load %arg6[%get3A_222, %get3A_223] : memref<1024x256xf32, #tpu.memory_space<vmem>>, vector<1024x256xf32>
    %dot_general3A_225 = arith.constant dense<0.000000e+00> : vector<1x1024xf32>
    %dot_general3A_226 = tpu.matmul %broadcast_in_dim3A_219, %get3A_224, %dot_general3A_225 {dimension_numbers = #tpu.dot_dimension_numbers<[1], [1], [0], [0], [0, 0, 1, 0], [], []>, transpose_lhs_hint = false} : vector<1x256xf32>, vector<1024x256xf32>, vector<1x1024xf32> -> vector<1x1024xf32>
    %add3A_227 = arith.addf %add3A_193, %dot_general3A_226 : vector<1x1024xf32>
    %slice3A_228 = vector.extract_strided_slice %add3A_227 {offsets = [0, 0], sizes = [1, 256], strides = [1, 1]} : vector<1x1024xf32> to vector<1x256xf32>
    %logistic3A_229 = arith.negf %slice3A_228 : vector<1x256xf32>
    %logistic3A_230 = math.exp %logistic3A_229 : vector<1x256xf32>
    %logistic3A_231 = arith.constant 1.000000e+00 : f32
    %logistic3A_232 = vector.broadcast %logistic3A_231 : f32 to vector<1x256xf32>
    %logistic3A_233 = arith.addf %logistic3A_232, %logistic3A_230 : vector<1x256xf32>
    %logistic3A_234 = arith.divf %logistic3A_232, %logistic3A_233 : vector<1x256xf32>
    %slice3A_235 = vector.extract_strided_slice %add3A_227 {offsets = [0, 256], sizes = [1, 256], strides = [1, 1]} : vector<1x1024xf32> to vector<1x256xf32>
    %logistic3A_236 = arith.negf %slice3A_235 : vector<1x256xf32>
    %logistic3A_237 = math.exp %logistic3A_236 : vector<1x256xf32>
    %logistic3A_238 = arith.constant 1.000000e+00 : f32
    %logistic3A_239 = vector.broadcast %logistic3A_238 : f32 to vector<1x256xf32>
    %logistic3A_240 = arith.addf %logistic3A_239, %logistic3A_237 : vector<1x256xf32>
    %logistic3A_241 = arith.divf %logistic3A_239, %logistic3A_240 : vector<1x256xf32>
    %slice3A_242 = vector.extract_strided_slice %add3A_227 {offsets = [0, 512], sizes = [1, 256], strides = [1, 1]} : vector<1x1024xf32> to vector<1x256xf32>
    %tanh3A_243 = math.tanh %slice3A_242 : vector<1x256xf32>
    %slice3A_244 = vector.extract_strided_slice %add3A_227 {offsets = [0, 768], sizes = [1, 256], strides = [1, 1]} : vector<1x1024xf32> to vector<1x256xf32>
    %logistic3A_245 = arith.negf %slice3A_244 : vector<1x256xf32>
    %logistic3A_246 = math.exp %logistic3A_245 : vector<1x256xf32>
    %logistic3A_247 = arith.constant 1.000000e+00 : f32
    %logistic3A_248 = vector.broadcast %logistic3A_247 : f32 to vector<1x256xf32>
    %logistic3A_249 = arith.addf %logistic3A_248, %logistic3A_246 : vector<1x256xf32>
    %logistic3A_250 = arith.divf %logistic3A_248, %logistic3A_249 : vector<1x256xf32>
    %mul3A_251 = arith.mulf %logistic3A_241, %broadcast_in_dim3A_221 : vector<1x256xf32>
    %mul3A_252 = arith.mulf %logistic3A_234, %tanh3A_243 : vector<1x256xf32>
    %add3A_253 = arith.addf %mul3A_251, %mul3A_252 : vector<1x256xf32>
    %tanh3A_254 = math.tanh %add3A_253 : vector<1x256xf32>
    %mul3A_255 = arith.mulf %logistic3A_250, %tanh3A_254 : vector<1x256xf32>
    %get3A_256 = arith.constant 0 : index
    %get3A_257 = arith.constant 0 : index
    %get3A_258 = vector.load %arg6[%get3A_256, %get3A_257] : memref<1024x256xf32, #tpu.memory_space<vmem>>, vector<1024x256xf32>
    %dot_general3A_259 = arith.constant dense<0.000000e+00> : vector<1x1024xf32>
    %dot_general3A_260 = tpu.matmul %mul3A_255, %get3A_258, %dot_general3A_259 {dimension_numbers = #tpu.dot_dimension_numbers<[1], [1], [0], [0], [0, 0, 1, 0], [], []>, transpose_lhs_hint = false} : vector<1x256xf32>, vector<1024x256xf32>, vector<1x1024xf32> -> vector<1x1024xf32>
    %add3A_261 = arith.addf %add3A_199, %dot_general3A_260 : vector<1x1024xf32>
    %slice3A_262 = vector.extract_strided_slice %add3A_261 {offsets = [0, 0], sizes = [1, 256], strides = [1, 1]} : vector<1x1024xf32> to vector<1x256xf32>
    %logistic3A_263 = arith.negf %slice3A_262 : vector<1x256xf32>
    %logistic3A_264 = math.exp %logistic3A_263 : vector<1x256xf32>
    %logistic3A_265 = arith.constant 1.000000e+00 : f32
    %logistic3A_266 = vector.broadcast %logistic3A_265 : f32 to vector<1x256xf32>
    %logistic3A_267 = arith.addf %logistic3A_266, %logistic3A_264 : vector<1x256xf32>
    %logistic3A_268 = arith.divf %logistic3A_266, %logistic3A_267 : vector<1x256xf32>
    %slice3A_269 = vector.extract_strided_slice %add3A_261 {offsets = [0, 256], sizes = [1, 256], strides = [1, 1]} : vector<1x1024xf32> to vector<1x256xf32>
    %logistic3A_270 = arith.negf %slice3A_269 : vector<1x256xf32>
    %logistic3A_271 = math.exp %logistic3A_270 : vector<1x256xf32>
    %logistic3A_272 = arith.constant 1.000000e+00 : f32
    %logistic3A_273 = vector.broadcast %logistic3A_272 : f32 to vector<1x256xf32>
    %logistic3A_274 = arith.addf %logistic3A_273, %logistic3A_271 : vector<1x256xf32>
    %logistic3A_275 = arith.divf %logistic3A_273, %logistic3A_274 : vector<1x256xf32>
    %slice3A_276 = vector.extract_strided_slice %add3A_261 {offsets = [0, 512], sizes = [1, 256], strides = [1, 1]} : vector<1x1024xf32> to vector<1x256xf32>
    %tanh3A_277 = math.tanh %slice3A_276 : vector<1x256xf32>
    %slice3A_278 = vector.extract_strided_slice %add3A_261 {offsets = [0, 768], sizes = [1, 256], strides = [1, 1]} : vector<1x1024xf32> to vector<1x256xf32>
    %logistic3A_279 = arith.negf %slice3A_278 : vector<1x256xf32>
    %logistic3A_280 = math.exp %logistic3A_279 : vector<1x256xf32>
    %logistic3A_281 = arith.constant 1.000000e+00 : f32
    %logistic3A_282 = vector.broadcast %logistic3A_281 : f32 to vector<1x256xf32>
    %logistic3A_283 = arith.addf %logistic3A_282, %logistic3A_280 : vector<1x256xf32>
    %logistic3A_284 = arith.divf %logistic3A_282, %logistic3A_283 : vector<1x256xf32>
    %mul3A_285 = arith.mulf %logistic3A_275, %add3A_253 : vector<1x256xf32>
    %mul3A_286 = arith.mulf %logistic3A_268, %tanh3A_277 : vector<1x256xf32>
    %add3A_287 = arith.addf %mul3A_285, %mul3A_286 : vector<1x256xf32>
    %tanh3A_288 = math.tanh %add3A_287 : vector<1x256xf32>
    %mul3A_289 = arith.mulf %logistic3A_284, %tanh3A_288 : vector<1x256xf32>
    %get3A_290 = arith.constant 0 : index
    %get3A_291 = arith.constant 0 : index
    %get3A_292 = vector.load %arg6[%get3A_290, %get3A_291] : memref<1024x256xf32, #tpu.memory_space<vmem>>, vector<1024x256xf32>
    %dot_general3A_293 = arith.constant dense<0.000000e+00> : vector<1x1024xf32>
    %dot_general3A_294 = tpu.matmul %mul3A_289, %get3A_292, %dot_general3A_293 {dimension_numbers = #tpu.dot_dimension_numbers<[1], [1], [0], [0], [0, 0, 1, 0], [], []>, transpose_lhs_hint = false} : vector<1x256xf32>, vector<1024x256xf32>, vector<1x1024xf32> -> vector<1x1024xf32>
    %add3A_295 = arith.addf %add3A_205, %dot_general3A_294 : vector<1x1024xf32>
    %slice3A_296 = vector.extract_strided_slice %add3A_295 {offsets = [0, 0], sizes = [1, 256], strides = [1, 1]} : vector<1x1024xf32> to vector<1x256xf32>
    %logistic3A_297 = arith.negf %slice3A_296 : vector<1x256xf32>
    %logistic3A_298 = math.exp %logistic3A_297 : vector<1x256xf32>
    %logistic3A_299 = arith.constant 1.000000e+00 : f32
    %logistic3A_300 = vector.broadcast %logistic3A_299 : f32 to vector<1x256xf32>
    %logistic3A_301 = arith.addf %logistic3A_300, %logistic3A_298 : vector<1x256xf32>
    %logistic3A_302 = arith.divf %logistic3A_300, %logistic3A_301 : vector<1x256xf32>
    %slice3A_303 = vector.extract_strided_slice %add3A_295 {offsets = [0, 256], sizes = [1, 256], strides = [1, 1]} : vector<1x1024xf32> to vector<1x256xf32>
    %logistic3A_304 = arith.negf %slice3A_303 : vector<1x256xf32>
    %logistic3A_305 = math.exp %logistic3A_304 : vector<1x256xf32>
    %logistic3A_306 = arith.constant 1.000000e+00 : f32
    %logistic3A_307 = vector.broadcast %logistic3A_306 : f32 to vector<1x256xf32>
    %logistic3A_308 = arith.addf %logistic3A_307, %logistic3A_305 : vector<1x256xf32>
    %logistic3A_309 = arith.divf %logistic3A_307, %logistic3A_308 : vector<1x256xf32>
    %slice3A_310 = vector.extract_strided_slice %add3A_295 {offsets = [0, 512], sizes = [1, 256], strides = [1, 1]} : vector<1x1024xf32> to vector<1x256xf32>
    %tanh3A_311 = math.tanh %slice3A_310 : vector<1x256xf32>
    %slice3A_312 = vector.extract_strided_slice %add3A_295 {offsets = [0, 768], sizes = [1, 256], strides = [1, 1]} : vector<1x1024xf32> to vector<1x256xf32>
    %logistic3A_313 = arith.negf %slice3A_312 : vector<1x256xf32>
    %logistic3A_314 = math.exp %logistic3A_313 : vector<1x256xf32>
    %logistic3A_315 = arith.constant 1.000000e+00 : f32
    %logistic3A_316 = vector.broadcast %logistic3A_315 : f32 to vector<1x256xf32>
    %logistic3A_317 = arith.addf %logistic3A_316, %logistic3A_314 : vector<1x256xf32>
    %logistic3A_318 = arith.divf %logistic3A_316, %logistic3A_317 : vector<1x256xf32>
    %mul3A_319 = arith.mulf %logistic3A_309, %add3A_287 : vector<1x256xf32>
    %mul3A_320 = arith.mulf %logistic3A_302, %tanh3A_311 : vector<1x256xf32>
    %add3A_321 = arith.addf %mul3A_319, %mul3A_320 : vector<1x256xf32>
    %tanh3A_322 = math.tanh %add3A_321 : vector<1x256xf32>
    %mul3A_323 = arith.mulf %logistic3A_318, %tanh3A_322 : vector<1x256xf32>
    %get3A_324 = arith.constant 0 : index
    %get3A_325 = arith.constant 0 : index
    %get3A_326 = vector.load %arg6[%get3A_324, %get3A_325] : memref<1024x256xf32, #tpu.memory_space<vmem>>, vector<1024x256xf32>
    %dot_general3A_327 = arith.constant dense<0.000000e+00> : vector<1x1024xf32>
    %dot_general3A_328 = tpu.matmul %mul3A_323, %get3A_326, %dot_general3A_327 {dimension_numbers = #tpu.dot_dimension_numbers<[1], [1], [0], [0], [0, 0, 1, 0], [], []>, transpose_lhs_hint = false} : vector<1x256xf32>, vector<1024x256xf32>, vector<1x1024xf32> -> vector<1x1024xf32>
    %add3A_329 = arith.addf %add3A_211, %dot_general3A_328 : vector<1x1024xf32>
    %slice3A_330 = vector.extract_strided_slice %add3A_329 {offsets = [0, 0], sizes = [1, 256], strides = [1, 1]} : vector<1x1024xf32> to vector<1x256xf32>
    %logistic3A_331 = arith.negf %slice3A_330 : vector<1x256xf32>
    %logistic3A_332 = math.exp %logistic3A_331 : vector<1x256xf32>
    %logistic3A_333 = arith.constant 1.000000e+00 : f32
    %logistic3A_334 = vector.broadcast %logistic3A_333 : f32 to vector<1x256xf32>
    %logistic3A_335 = arith.addf %logistic3A_334, %logistic3A_332 : vector<1x256xf32>
    %logistic3A_336 = arith.divf %logistic3A_334, %logistic3A_335 : vector<1x256xf32>
    %slice3A_337 = vector.extract_strided_slice %add3A_329 {offsets = [0, 256], sizes = [1, 256], strides = [1, 1]} : vector<1x1024xf32> to vector<1x256xf32>
    %logistic3A_338 = arith.negf %slice3A_337 : vector<1x256xf32>
    %logistic3A_339 = math.exp %logistic3A_338 : vector<1x256xf32>
    %logistic3A_340 = arith.constant 1.000000e+00 : f32
    %logistic3A_341 = vector.broadcast %logistic3A_340 : f32 to vector<1x256xf32>
    %logistic3A_342 = arith.addf %logistic3A_341, %logistic3A_339 : vector<1x256xf32>
    %logistic3A_343 = arith.divf %logistic3A_341, %logistic3A_342 : vector<1x256xf32>
    %slice3A_344 = vector.extract_strided_slice %add3A_329 {offsets = [0, 512], sizes = [1, 256], strides = [1, 1]} : vector<1x1024xf32> to vector<1x256xf32>
    %tanh3A_345 = math.tanh %slice3A_344 : vector<1x256xf32>
    %slice3A_346 = vector.extract_strided_slice %add3A_329 {offsets = [0, 768], sizes = [1, 256], strides = [1, 1]} : vector<1x1024xf32> to vector<1x256xf32>
    %logistic3A_347 = arith.negf %slice3A_346 : vector<1x256xf32>
    %logistic3A_348 = math.exp %logistic3A_347 : vector<1x256xf32>
    %logistic3A_349 = arith.constant 1.000000e+00 : f32
    %logistic3A_350 = vector.broadcast %logistic3A_349 : f32 to vector<1x256xf32>
    %logistic3A_351 = arith.addf %logistic3A_350, %logistic3A_348 : vector<1x256xf32>
    %logistic3A_352 = arith.divf %logistic3A_350, %logistic3A_351 : vector<1x256xf32>
    %mul3A_353 = arith.mulf %logistic3A_343, %add3A_321 : vector<1x256xf32>
    %mul3A_354 = arith.mulf %logistic3A_336, %tanh3A_345 : vector<1x256xf32>
    %add3A_355 = arith.addf %mul3A_353, %mul3A_354 : vector<1x256xf32>
    %tanh3A_356 = math.tanh %add3A_355 : vector<1x256xf32>
    %mul3A_357 = arith.mulf %logistic3A_352, %tanh3A_356 : vector<1x256xf32>
    %get3A_358 = arith.constant 0 : index
    %get3A_359 = arith.constant 0 : index
    %get3A_360 = vector.load %arg6[%get3A_358, %get3A_359] : memref<1024x256xf32, #tpu.memory_space<vmem>>, vector<1024x256xf32>
    %dot_general3A_361 = arith.constant dense<0.000000e+00> : vector<1x1024xf32>
    %dot_general3A_362 = tpu.matmul %mul3A_357, %get3A_360, %dot_general3A_361 {dimension_numbers = #tpu.dot_dimension_numbers<[1], [1], [0], [0], [0, 0, 1, 0], [], []>, transpose_lhs_hint = false} : vector<1x256xf32>, vector<1024x256xf32>, vector<1x1024xf32> -> vector<1x1024xf32>
    %add3A_363 = arith.addf %add3A_217, %dot_general3A_362 : vector<1x1024xf32>
    %slice3A_364 = vector.extract_strided_slice %add3A_363 {offsets = [0, 0], sizes = [1, 256], strides = [1, 1]} : vector<1x1024xf32> to vector<1x256xf32>
    %logistic3A_365 = arith.negf %slice3A_364 : vector<1x256xf32>
    %logistic3A_366 = math.exp %logistic3A_365 : vector<1x256xf32>
    %logistic3A_367 = arith.constant 1.000000e+00 : f32
    %logistic3A_368 = vector.broadcast %logistic3A_367 : f32 to vector<1x256xf32>
    %logistic3A_369 = arith.addf %logistic3A_368, %logistic3A_366 : vector<1x256xf32>
    %logistic3A_370 = arith.divf %logistic3A_368, %logistic3A_369 : vector<1x256xf32>
    %slice3A_371 = vector.extract_strided_slice %add3A_363 {offsets = [0, 256], sizes = [1, 256], strides = [1, 1]} : vector<1x1024xf32> to vector<1x256xf32>
    %logistic3A_372 = arith.negf %slice3A_371 : vector<1x256xf32>
    %logistic3A_373 = math.exp %logistic3A_372 : vector<1x256xf32>
    %logistic3A_374 = arith.constant 1.000000e+00 : f32
    %logistic3A_375 = vector.broadcast %logistic3A_374 : f32 to vector<1x256xf32>
    %logistic3A_376 = arith.addf %logistic3A_375, %logistic3A_373 : vector<1x256xf32>
    %logistic3A_377 = arith.divf %logistic3A_375, %logistic3A_376 : vector<1x256xf32>
    %slice3A_378 = vector.extract_strided_slice %add3A_363 {offsets = [0, 512], sizes = [1, 256], strides = [1, 1]} : vector<1x1024xf32> to vector<1x256xf32>
    %tanh3A_379 = math.tanh %slice3A_378 : vector<1x256xf32>
    %slice3A_380 = vector.extract_strided_slice %add3A_363 {offsets = [0, 768], sizes = [1, 256], strides = [1, 1]} : vector<1x1024xf32> to vector<1x256xf32>
    %logistic3A_381 = arith.negf %slice3A_380 : vector<1x256xf32>
    %logistic3A_382 = math.exp %logistic3A_381 : vector<1x256xf32>
    %logistic3A_383 = arith.constant 1.000000e+00 : f32
    %logistic3A_384 = vector.broadcast %logistic3A_383 : f32 to vector<1x256xf32>
    %logistic3A_385 = arith.addf %logistic3A_384, %logistic3A_382 : vector<1x256xf32>
    %logistic3A_386 = arith.divf %logistic3A_384, %logistic3A_385 : vector<1x256xf32>
    %mul3A_387 = arith.mulf %logistic3A_377, %add3A_355 : vector<1x256xf32>
    %mul3A_388 = arith.mulf %logistic3A_370, %tanh3A_379 : vector<1x256xf32>
    %add3A_389 = arith.addf %mul3A_387, %mul3A_388 : vector<1x256xf32>
    %tanh3A_390 = math.tanh %add3A_389 : vector<1x256xf32>
    %mul3A_391 = arith.mulf %logistic3A_386, %tanh3A_390 : vector<1x256xf32>
    %ge3A = arith.constant 0.000000e+00 : f32
    %ge3A_392 = vector.broadcast %ge3A : f32 to vector<1x256xf32>
    %ge3A_393 = arith.cmpf oge, %mul3A_391, %ge3A_392 : vector<1x256xf32>
    %mul3A_394 = arith.constant 0.00999999977 : f32
    %mul3A_395 = vector.broadcast %mul3A_394 : f32 to vector<1x256xf32>
    %mul3A_396 = arith.mulf %mul3A_395, %mul3A_391 : vector<1x256xf32>
    %select_n3A = arith.select %ge3A_393, %mul3A_391, %mul3A_396 : vector<1x256xi1>, vector<1x256xf32>
    %get3A_397 = arith.constant 0 : index
    %get3A_398 = arith.constant 0 : index
    %get3A_399 = vector.load %arg7[%get3A_397, %get3A_398] : memref<256x256xf32, #tpu.memory_space<vmem>>, vector<256x256xf32>
    %dot_general3A_400 = arith.constant dense<0.000000e+00> : vector<1x256xf32>
    %dot_general3A_401 = tpu.matmul %select_n3A, %get3A_399, %dot_general3A_400 {dimension_numbers = #tpu.dot_dimension_numbers<[1], [1], [0], [0], [0, 0, 1, 0], [], []>, transpose_lhs_hint = false} : vector<1x256xf32>, vector<256x256xf32>, vector<1x256xf32> -> vector<1x256xf32>
    %get3A_402 = arith.constant 0 : index
    %get3A_403 = arith.constant 0 : index
    %get3A_404 = vector.load %arg8[%get3A_402, %get3A_403] : memref<1x256xf32, #tpu.memory_space<vmem>>, vector<1x256xf32>
    %add3A_405 = arith.addf %dot_general3A_401, %get3A_404 : vector<1x256xf32>
    %ge3A_406 = arith.constant 0.000000e+00 : f32
    %ge3A_407 = vector.broadcast %ge3A_406 : f32 to vector<1x256xf32>
    %ge3A_408 = arith.cmpf oge, %add3A_405, %ge3A_407 : vector<1x256xf32>
    %mul3A_409 = arith.constant 0.00999999977 : f32
    %mul3A_410 = vector.broadcast %mul3A_409 : f32 to vector<1x256xf32>
    %mul3A_411 = arith.mulf %mul3A_410, %add3A_405 : vector<1x256xf32>
    %select_n3A_412 = arith.select %ge3A_408, %add3A_405, %mul3A_411 : vector<1x256xi1>, vector<1x256xf32>
    %get3A_413 = arith.constant 0 : index
    %get3A_414 = arith.constant 0 : index
    %get3A_415 = vector.load %arg9[%get3A_413, %get3A_414] : memref<4x256xf32, #tpu.memory_space<vmem>>, vector<4x256xf32>
    %dot_general3A_416 = arith.constant dense<0.000000e+00> : vector<1x4xf32>
    %dot_general3A_417 = tpu.matmul %select_n3A_412, %get3A_415, %dot_general3A_416 {dimension_numbers = #tpu.dot_dimension_numbers<[1], [1], [0], [0], [0, 0, 1, 0], [], []>, transpose_lhs_hint = false} : vector<1x256xf32>, vector<4x256xf32>, vector<1x4xf32> -> vector<1x4xf32>
    %get3A_418 = arith.constant 0 : index
    %get3A_419 = arith.constant 0 : index
    %get3A_420 = vector.load %arg10[%get3A_418, %get3A_419] : memref<1x4xf32, #tpu.memory_space<vmem>>, vector<1x4xf32>
    %add3A_421 = arith.addf %dot_general3A_417, %get3A_420 : vector<1x4xf32>
    %swap3A = arith.constant 0 : index
    %swap3A_422 = arith.constant 0 : index
    %swap3A_423 = vector.load %arg11[%swap3A, %swap3A_422] : memref<1x4xf32, #tpu.memory_space<vmem>>, vector<1x4xf32>
    tpu.vector_store %arg11[%swap3A, %swap3A_422], %add3A_421 {strides = array<i32>} : memref<1x4xf32, #tpu.memory_space<vmem>>, vector<1x4xf32>,
    return
  }
  func.func @transform_0(%arg0: i32) -> (i32, i32) {
    %c0_i32 = arith.constant 0 : i32
    %c0_i32_0 = arith.constant 0 : i32
    %c0_i32_1 = arith.constant 0 : i32
    return %c0_i32, %c0_i32_0 : i32, i32
  }
  func.func @transform_1(%arg0: i32) -> (i32, i32) {
    %c0_i32 = arith.constant 0 : i32
    %c0_i32_0 = arith.constant 0 : i32
    %c0_i32_1 = arith.constant 0 : i32
    return %c0_i32, %c0_i32_0 : i32, i32
  }
  func.func @transform_2(%arg0: i32) -> (i32, i32) {
    %c0_i32 = arith.constant 0 : i32
    %c0_i32_0 = arith.constant 0 : i32
    %c0_i32_1 = arith.constant 0 : i32
    return %c0_i32, %c0_i32_0 : i32, i32
  }
  func.func @transform_3(%arg0: i32) -> (i32, i32) {
    %c0_i32 = arith.constant 0 : i32
    %c0_i32_0 = arith.constant 0 : i32
    %c0_i32_1 = arith.constant 0 : i32
    return %c0_i32, %c0_i32_0 : i32, i32
  }
  func.func @transform_4(%arg0: i32) -> (i32, i32) {
    %c0_i32 = arith.constant 0 : i32
    %c0_i32_0 = arith.constant 0 : i32
    %c0_i32_1 = arith.constant 0 : i32
    return %c0_i32, %c0_i32_0 : i32, i32
  }
  func.func @transform_5(%arg0: i32) -> (i32, i32) {
    %c0_i32 = arith.constant 0 : i32
    %c0_i32_0 = arith.constant 0 : i32
    %c0_i32_1 = arith.constant 0 : i32
    return %c0_i32, %c0_i32_0 : i32, i32
  }
  func.func @transform_6(%arg0: i32) -> (i32, i32) {
    %c0_i32 = arith.constant 0 : i32
    %c0_i32_0 = arith.constant 0 : i32
    %c0_i32_1 = arith.constant 0 : i32
    return %c0_i32, %c0_i32_0 : i32, i32
  }
  func.func @transform_7(%arg0: i32) -> (i32, i32) {
    %c0_i32 = arith.constant 0 : i32
    %c0_i32_0 = arith.constant 0 : i32
    %c0_i32_1 = arith.constant 0 : i32
    return %c0_i32, %c0_i32_0 : i32, i32
  }
  func.func @transform_8(%arg0: i32) -> (i32, i32) {
    %c0_i32 = arith.constant 0 : i32
    %c0_i32_0 = arith.constant 0 : i32
    %c0_i32_1 = arith.constant 0 : i32
    return %c0_i32, %c0_i32_0 : i32, i32
  }
  func.func @transform_9(%arg0: i32) -> (i32, i32) {
    %c0_i32 = arith.constant 0 : i32
    %c0_i32_0 = arith.constant 0 : i32
    %c0_i32_1 = arith.constant 0 : i32
    return %c0_i32, %c0_i32_0 : i32, i32
  }
  func.func @transform_10(%arg0: i32) -> (i32, i32) {
    %c0_i32 = arith.constant 0 : i32
    %c0_i32_0 = arith.constant 0 : i32
    %c0_i32_1 = arith.constant 0 : i32
    return %c0_i32, %c0_i32_0 : i32, i32
  }
}

</mosaic_0001>

<sc_bundles>
// kernel: kernel.13.cloned.1.call-start
scs
__scs_entry_jumppad:
0x0: {  	(pc) =	sbr.rel $0x88, $3  }
0x1: {  	(tag) =	ssettag $0x0;
	lr =	simm.s32 $0x1  }
0x2: {  	[smem:$0x3F8D] =	sst lr;
	_ =	strace $0xD0000000  }
0x3: {  	_ = 	snop  }
0x4: {  	_ = 	snop  }
0x5: {  	_ = 	snop  }
0x6: {  	_ = 	snop  }
0x7: {  	_ = 	snop  }
__scs_overlays_trampoline_lowered:
0x8: {  	[smem:$0x3F9C] =	sst s0  }
0x9: {  	[smem:$0x3F9D] =	sst s1  }
0xa: {  	[smem:$0x3F9E] =	sst s2  }
0xb: {  	[smem:$0x3F9F] =	sst s3  }
0xc: {  	[smem:$0x3FA0] =	sst s4  }
0xd: {  	[smem:$0x3FA1] =	sst s5  }
0xe: {  	[smem:$0x3FA2] =	sst s6  }
0xf: {  	[smem:$0x3FA3] =	sst s7  }
0x10: {  	[smem:$0x3FA4] =	sst s8  }
0x11: {  	[smem:$0x3FA5] =	sst s9;
	s0 =	simm.s32 @!p0 $0x0  }
0x12: {  	s1 =	sld [smem:$0x3F8B];
	s0 =	simm.s32 @p0 $0x1  }
0x13: {  	[smem:$0x3FA6] =	sst s0;
	s0 =	simm.s32 @!p1 $0x0  }
0x14: {  	s2 =	sld [smem:$0x3F8A];
	s0 =	simm.s32 @p1 $0x1  }
0x15: {  	[smem:$0x3FA7] =	sst s0;
	s0 =	simm.s32 @!p2 $0x0  }
0x16: {  	s3 =	sld [smem:$0x3FDB];
	s0 =	simm.s32 @p2 $0x1  }
0x17: {  	s4 =	simm.s32 $0x1BF5;
	[smem:$0x3FA9] =	sst s0  }
0x18: {  	s0 =	sld [smem:$0x3F8C];
	_ =	swait.ge [sflag:s4], $0x0  }
0x19: {  	s7 =	sld [smem:$0x3F8D]  }
0x1a: {  	s8 =	sadd.s32 $0xFFFFE003, lr  }
0x1b: {  	s9 =	sadd.s32 $0xFFFFFEF7, lr;
	s5 =	simm.s32 $0xFFFFFFFF;
	p2 =	slt.u32 s8, $0xFFFFF086  }
0x1c: {  	p1 =	slt.u32 s9, $0xF7A;
	s5 =	simm.s32 @!p2 $0x0  }
0x1d: {  	s5 =	simm.s32 @p1 $0x1;
	p0 =	seq.s32 s7, s2  }
0x1e: {  	s7 =	smul.u32 @!p0 $0xF7A, s2;
	p2 =	seq.s32 @!p0 s5, $0x0  }
0x1f: {  	s9 =	smul.u32 $0xF7A, s1;
	s8 =	simm.s32 @!p0 $0x1BF5;
	p2 =	por !p2, p0  }
0x20: {  	[sflag:s8] =	ssyncset.s32 @!p0 $0xFFFFF086;
	s6 =	sadd.s32 @!p0 s3, s7;
	s7 =	simm.s32 @!p0 $0x108  }
0x21: {  	s3 =	sadd.s32 s3, s9;
	s6 =	sadd.s32 @!p0 $0x88, s6;
	s7 =	simm.s32 @p2 $0x1082  }
0x22: {  	[simem:s7], [sflag:s8] =	dma.local @!p0 [hbm:s6], $0xF7A  }
0x23: {  	s9 =	sor.u32 $0xD0000000, s2;
	s6 =	simm.s32 $0x108;
	_ =	swait.ge @!p0 [sflag:s8], $0x0  }
0x24: {  	s3 =	sadd.s32 $0x88, s3;
	s6 =	simm.s32 @!p1 $0x1082;
	[sflag:s4] =	ssyncset.s32 $0xFFFFF086  }
0x25: {  	[simem:s6], [sflag:s4] =	dma.local [hbm:s3], $0xF7A  }
0x26: {  	[smem:$0x3F8D] =	sst s1;
	(tag) =	ssettag s2;
	_ =	strace s9  }
0x27: {  	s1 =	sld [smem:$0x3F9D]  }
0x28: {  	s2 =	sld [smem:$0x3F9E]  }
0x29: {  	s4 =	sld [smem:$0x3FA0]  }
0x2a: {  	p0 =	seq.s32 s5, $0x0;
	s5 =	sld [smem:$0x3FA1]  }
0x2b: {  	s6 =	sld [smem:$0x3FA2]  }
0x2c: {  	s7 =	sld [smem:$0x3FA3]  }
0x2d: {  	s3 =	simm.s32 $0x108;
	s8 =	sld [smem:$0x3FA4]  }
0x2e: {  	s3 =	simm.s32 @!p0 $0x1082;
	s9 =	sld [smem:$0x3FA5]  }
0x2f: {  	lr =	sadd.s32 s0, s3;
	s0 =	sld [smem:$0x3F9C]  }
0x30: {  	s3 =	sld [smem:$0x3F9F]  }
0x31: {  	[smem:$0x3FA8] =	sst s10  }
0x32: {  	s10 =	sld [smem:$0x3FA6];
	_ =	sdelay $0x3  }
0x33: {  	p0 =	seq.s32 s10, $0x1;
	s10 =	sld [smem:$0x3FA8];
	_ =	sdelay $0x3  }
0x34: {  	[smem:$0x3FA8] =	sst s10  }
0x35: {  	s10 =	sld [smem:$0x3FA7];
	_ =	sdelay $0x3  }
0x36: {  	p1 =	seq.s32 s10, $0x1;
	s10 =	sld [smem:$0x3FA8];
	_ =	sdelay $0x3  }
0x37: {  	[smem:$0x3FA8] =	sst s10  }
0x38: {  	s10 =	sld [smem:$0x3FA9]  }
0x39: {  	_ = 	snop;
	(pc) =	sbr.ind lr, $3  }
0x3a: {  	_ = 	snop  }
0x3b: {  	_ = 	snop  }
0x3c: {  	p2 =	seq.s32 s10, $0x1;
	s10 =	sld [smem:$0x3FA8]  }
0x3d: {  	_ =	shalt  }
0x3e: {  	_ =	shalt  }
0x3f: {  	_ =	shalt  }
0x40: {  	_ =	shalt  }
0x41: {  	_ =	shalt  }
0x42: {  	_ =	shalt  }
0x43: {  	_ =	shalt  }
0x44: {  	_ =	shalt  }
0x45: {  	_ =	shalt  }
0x46: {  	_ =	shalt  }
0x47: {  	_ =	shalt  }
0x48: {  	_ =	shalt  }
0x49: {  	_ =	shalt  }
0x4a: {  	_ =	shalt  }
0x4b: {  	_ =	shalt  }
0x4c: {  	_ =	shalt  }
0x4d: {  	_ =	shalt  }
0x4e: {  	_ =	shalt  }
0x4f: {  	_ =	shalt  }
0x50: {  	_ =	shalt  }
0x51: {  	_ =	shalt  }
0x52: {  	_ =	shalt  }
0x53: {  	_ =	shalt  }
0x54: {  	_ =	shalt  }
0x55: {  	_ =	shalt  }
0x56: {  	_ =	shalt  }
0x57: {  	_ =	shalt  }
0x58: {  	_ =	shalt  }
0x59: {  	_ =	shalt  }
0x5a: {  	_ =	shalt  }
0x5b: {  	_ =	shalt  }
0x5c: {  	_ =	shalt  }
0x5d: {  	_ =	shalt  }
0x5e: {  	_ =	shalt  }
0x5f: {  	_ =	shalt  }
0x60: {  	_ =	shalt  }
0x61: {  	_ =	shalt  }
0x62: {  	_ =	shalt  }
0x63: {  	_ =	shalt  }
0x64: {  	_ =	shalt  }
0x65: {  	_ =	shalt  }
0x66: {  	_ =	shalt  }
0x67: {  	_ =	shalt  }
0x68: {  	_ =	shalt  }
0x69: {  	_ =	shalt  }
0x6a: {  	_ =	shalt  }
0x6b: {  	_ =	shalt  }
0x6c: {  	_ =	shalt  }
0x6d: {  	_ =	shalt  }
0x6e: {  	_ =	shalt  }
0x6f: {  	_ =	shalt  }
0x70: {  	_ =	shalt  }
0x71: {  	_ =	shalt  }
0x72: {  	_ =	shalt  }
0x73: {  	_ =	shalt  }
0x74: {  	_ =	shalt  }
0x75: {  	_ =	shalt  }
0x76: {  	_ =	shalt  }
0x77: {  	_ =	shalt  }
0x78: {  	_ =	shalt  }
0x79: {  	_ =	shalt  }
0x7a: {  	_ =	shalt  }
0x7b: {  	_ =	shalt  }
0x7c: {  	_ =	shalt  }
0x7d: {  	_ =	shalt  }
0x7e: {  	_ =	shalt  }
0x7f: {  	_ =	shalt  }
0x80: {  	_ =	shalt  }
0x81: {  	_ =	shalt  }
0x82: {  	_ =	shalt  }
0x83: {  	_ =	shalt  }
0x84: {  	_ =	shalt  }
0x85: {  	_ =	shalt  }
0x86: {  	_ =	shalt  }
0x87: {  	_ =	shalt  }
.Lfunc_end0:
.L_simem_size_0:
called_computation_lowered:
.L_overlay_start_0:
0x88: {  	s2 =	sld [smem:$0x3FD9]  }
0x89: {  	s3 =	sld [smem:$0x3FFE];
	_ =	sdelay $0x1  }
0x8a: {  	s1 =	srdreg.scid  }
0x8b: {  	s0 =	sand.u32 $0x1, s1  }
0x8c: {  	s16 =	sshll.u32 s0, $0xA;
	s2 =	sadd.s32 s3, s2  }
0x8d: {  	s2 =	sadd.s32 s2, s16  }
0x8e: {  	[smem:$0x3FB4] =	sst s2  }
0x8f: {  	_ = 	snop  }
0x90: {  	(tm) =	ssettm $0x1  }
0x91: {  	s17 =	sld [smem:$0x3FFB];
	_ =	sdelay $0x3  }
0x92: {  	_ =	strace s17  }
0x93: {  	s2 =	sld [smem:$0x3FFC];
	_ =	sdelay $0x3  }
0x94: {  	_ =	strace s2  }
0x95: {  	s2 =	sld [smem:$0x3FFD];
	_ =	sdelay $0x3  }
0x96: {  	_ =	strace s2  }
0x97: {  	_ =	strace $0x8FFFFFFF  }
0x98: {  	s18 =	sld [smem:$0x3FDB];
	_ =	sdelay $0x1  }
0x99: {  	s19 =	simm.s32 $_scs_section_size  }
0x9a: {  	s4 =	simm.s32 $_size__tile_overlayer_lowered;
	s5 =	simm.s32 $_tile_overlayer_lowered  }
0x9b: {  	s22 =	simm.s32 $0x1BFF;
	s21 =	sshll.u32 s5, $0x1;
	s2 =	sadd.s32 s19, s18  }
0x9c: {  	s6 =	simm.s32 $0x0;
	s20 =	sshll.u32 s4, $0x1;
	s4 =	sadd.s32 s21, s2  }
0x9d: {  	[timem:s6], [sflag:s22] =	dma.local [hbm:s4], s20  }
0x9e: {  	_ =	swait.ge [sflag:s22], s20  }
0x9f: {  	s3 =	ssub.s32 $0x0, s20;
	[sflag:s22] =	ssyncset.done $0x0  }
0xa0: {  	[sflag:s22] =	ssyncadd.s32 s3;
	_ =	sdelay $0x1  }
0xa1: {  	s23 =	simm.s32 $0x1B8B  }
0xa2: {  	_ =	swait.ge [sflag:s23], $0x1  }
0xa3: {  	[sflag:s23] =	ssyncset.done $0x0  }
0xa4: {  	s25 =	simm.s32 $0x1B8E;
	s24 =	sld [smem:$0x3FFE];
	[sflag:s23] =	ssyncadd.s32 $0xFFFFFFFF  }
0xa5: {  	s26 =	simm.s32 $execute0_lowered;
	[smem:$0x3FD2] =	sst s25  }
0xa6: {  	s4 =	sshll.u32 s26, $0x1;
	_ =	strace $0x80000046;
	[dreg:$0x1] =	wrdreg $0xFFFFFFFF  }
0xa7: {  	s28 =	simm.s32 $_size_execute0_lowered;
	s2 =	sadd.s32 s2, s4;
	[dreg:$0x0] =	wrdreg $0x0  }
0xa8: {  	s4 =	sshll.u32 s28, $0x1;
	[dreg:$0x2] =	wrdreg s2  }
0xa9: {  	[dreg:$0x3] =	wrdreg s4  }
0xaa: {  	[dreg:$0x4] =	wrdreg $0xC0  }
0xab: {  	_ =	task [dreg:s6], $0x5FFFF  }
0xac: {  	[dreg:$0x1] =	wrdreg $0xFFFFFFFF  }
0xad: {  	[dreg:$0x0] =	wrdreg $0x60  }
0xae: {  	[dreg:$0x2] =	wrdreg s24  }
0xaf: {  	[dreg:$0x3] =	wrdreg $0x68000  }
0xb0: {  	[dreg:$0x4] =	wrdreg $0x9  }
0xb1: {  	_ =	task.clear_ibuf [dreg:s6], $0x5FFFF;
	_ =	strace $0x90000046  }
0xb2: {  	s29 =	simm.s32 $0x9;
	_ =	strace $0x80000048  }
0xb3: {  	_ =	swait.ge [sflag:s29], $0x1  }
0xb4: {  	[sflag:s29] =	ssyncadd.s32 $0xFFFFFFFF  }
0xb5: {  	_ =	strace $0x90000048  }
0xb6: {  	_ =	sfence  }
0xb7: {  	s30 =	sld [smem:$0x0];
	_ =	sdelay $0x2  }
0xb8: {  	s31 =	sshll.u32 s1, $0xD;
	s1 =	sshrl.u32 s1, $0x2  }
0xb9: {  	s3 =	sand.u32 $0x4000, s31;
	s1 =	sadd.s32 s1, s30  }
0xba: {  	s0 =	sor.u32 s3, s0;
	s1 =	sshll.u32 s1, $0x11  }
0xbb: {  	s0 =	sor.u32 s1, s0  }
0xbc: {  	s0 =	sadd.s32 $0x8F2B, s0  }
0xbd: {  	[sflag:s0] =	ssyncadd.remote.s32 $0x1  }
0xbe: {  	_ =	sfence.sel $0xFFFF  }
0xbf: {  	[dreg:$0x0] =	wrdreg $0xFFFFFFFF;
	(pc) =	sbr.abs _section_cstart, $3  }
0xc0: {  	[dreg:$0x1] =	wrdreg $0xFFFFFFFF  }
0xc1: {  	_ =	task.clear_ibuf [dreg:s6], $0x2FFFF;
	_ =	strace $0x9FFFFFFF  }
0xc2: {  	(tm) =	ssettm $0x7FFFFFFF  }
0xc3: {  	_ =	shalt  }
tec
execute0_lowered:
.L_overlay_start_1:
0x0: {  	(tag) =	ssettag $0x1  }
0x1: {  	s7 =	rddreg [dreg:$0x0]  }
0x2: {  	s0 =	srdreg.scid;
	s2 =	rddreg [dreg:$0x1]  }
0x3: {  	s3 =	simm.s32 $0x0;
	s13 =	simm.s32 $0x60;
	s16 =	simm.s32 $0x0  }
0x4: {  	s6 =	sand.u32 $0x1, s0;
	s0 =	stileid.u32;
	[smem:$0x7FF] =	sst s3  }
0x5: {  	s5 =	sadd.s32 $0x1CE00, s7;
	s12 =	sadd.s32 $0x138000, s2;
	s8 =	smul.u32 $0x27100, s6  }
0x6: {  	s1 =	sshll.u32 s6, $0x4;
	s10 =	smul.u32 $0x4E000, s0;
	s6 =	ssub.s32 $0x2, s6  }
0x7: {  	s14 =	smul.u32 $0x2700, s0;
	p0 =	sne.s32 s0, $0xF;
	s31 =	sshll.u32 s0, $0x6  }
0x8: {  	s4 =	sor.u32 s0, s1;
	s1 =	rddreg [dreg:$0x2];
	_ =	strace $0x80000047  }
0x9: {  	s30 =	sshrl.u32 s6, $0x1;
	s4 =	smul.u32 $0x700, s4;
	s10 =	sshrl.u32 s10, $0x2  }
0xa: {  	s12 =	sshrl.u32 @!p0 s12, $0x3;
	s11 =	sadd.s32 s10, s2;
	s10 =	sor.u32 $0x1C01, s31  }
0xb: {  	s9 =	sadd.s32 s4, s7;
	s4 =	sadd.s32 $0x1F600, s7;
	s7 =	sadd.s32 s8, s7  }
0xc: {  	s8 =	ssub.s32 s6, s30;
	s11 =	sshrl.u32 s11, $0x3;
	s6 =	sadd.s32 $0xEE00, s9  }
0xd: {  	s15 =	sadd.s32 $0x1FC00, s7;
	s7 =	smax.u32 s8, $0x1;
	s8 =	simm.s32 $0x3800  }
0xe: {  	s9 =	simm.s32 $0x1;
	s14 =	sadd.s32 s14, s15;
	s15 =	sadd.s32 @!p0 $0x27000, s15  }
.LBB2_1:
0xf: {  	[tilespmem:s8], [sflag:$0x1] =	stream.linear.gather [hbm4b:s4+s3], $0x3000, $0x38;
	[tilespmem:$0x1A0C0] =	vst v63  }
0x10: {  	_ =	swait.ge [sflag:s9], $0x3000  }
0x11: {  	[sflag:s9] =	ssyncset.done $0x0  }
0x12: {  	[sflag:s9] =	ssyncadd.s32 $0xFFFFD000  }
0x13: {  	[spmem:s11], [sflag:s10] =	dma.local [hbm:s5], $0x2700  }
0x14: {  	_ =	swait.ge [sflag:s9], $0x2700  }
0x15: {  	[sflag:s9] =	ssyncset.done $0x0  }
0x16: {  	s17 =	simm.s32 @!p0 $0x1;
	[sflag:s9] =	ssyncadd.s32 $0xFFFFD900  }
0x17: {  	[spmem:s12], [sflag:s10] =	dma.local @!p0 [hbm:s5], $0x100  }
0x18: {  	_ =	swait.ge @!p0 [sflag:s17], $0x100  }
0x19: {  	[sflag:s17] =	ssyncset.done @!p0 $0x0  }
0x1a: {  	[sflag:s17] =	ssyncadd.s32 @!p0 $0xFFFFFF00  }
0x1b: {  	[bflag:$0x0] =	sbarrier.arrive $0xFFFF  }
0x1c: {  	[tilespmem:s3], [sflag:$0x1] =	stream.linear.gather [hbm4b:s6+s3], $0x3480, $0x38;
	[tilespmem:$0x1A0C0] =	vst v63  }
0x1d: {  	_ =	swait.ge [sflag:s9], $0x3480  }
0x1e: {  	[sflag:s9] =	ssyncset.done $0x0  }
0x1f: {  	s31 =	simm.s32 $0x0;
	[sflag:s9] =	ssyncadd.s32 $0xFFFFCB80  }
0x20: {  	[spmem:s2] =	stream.indirect.scatter.add.f32 [tilespmem:s8], [sflag:$0x1], $0x80, s31, s13, $0xb8;
	[tilespmem:$0x1A0C0] =	vst v63  }
0x21: {  	_ =	swait.ge [sflag:s9], $0x3000  }
0x22: {  	s17 =	simm.s32 $0x200;
	[sflag:s9] =	ssyncset.done $0x0  }
.LBB2_2:
0x23: {  	s18 =	sshra.s32 s17, $0x2;
	[sflag:s9] =	ssyncadd.s32 $0xFFFFD000;
	p1 =	sne.s32 s17, $0xD000  }
0x24: {  	[spmem:s2] =	stream.indirect.scatter.add.f32 [tilespmem:s8], [sflag:$0x1], $0x80, s18, s13, $0xb8;
	[tilespmem:$0x1A0C0] =	vst v63  }
.Ltmp0:
0x25: {  	_ = 	snop;
	(pc) =	sbr.rel @p1 .LBB2_2-.Ltmp0, $4  }
0x26: {  	_ = 	snop  }
0x27: {  	s17 =	sadd.s32 $0x200, s17  }
0x28: {  	_ =	swait.ge [sflag:s9], $0x3000  }
0x29: {  	[sflag:s9] =	ssyncset.done $0x0  }
0x2a: {  	[sflag:s9] =	ssyncadd.s32 $0xFFFFD000  }
0x2b: {  	[bflag:$0x0] =	sbarrier.arrive $0xFFFF  }
0x2c: {  	[hbm:s14], [sflag:s10] =	dma.local [spmem:s11], $0x2700  }
0x2d: {  	s16 =	sadd.s32 $0x1, s16;
	_ =	swait.ge [sflag:s9], $0x2700  }
0x2e: {  	p1 =	sne.s32 s16, s7;
	[sflag:s9] =	ssyncset.done $0x0  }
.Ltmp1:
0x2f: {  	s17 =	simm.s32 @!p0 $0x1;
	[sflag:s9] =	ssyncadd.s32 $0xFFFFD900;
	(pc) =	sbr.rel @p1 .LBB2_1-.Ltmp1, $4  }
0x30: {  	[hbm:s15], [sflag:s10] =	dma.local @!p0 [spmem:s12], $0x100  }
0x31: {  	_ =	swait.ge @!p0 [sflag:s17], $0x100  }
0x32: {  	[sflag:s17] =	ssyncset.done @!p0 $0x0  }
0x33: {  	[sflag:s17] =	ssyncadd.s32 @!p0 $0xFFFFFF00  }
0x34: {  	_ =	sfence.sel $0x180000  }
0x35: {  	[bflag:$0x0] =	sbarrier.arrive $0xFFFF  }
0x36: {  	p0 =	sne.s32 s0, $0x0;
	_ =	strace $0x90000047  }
0x37: {  	s0 =	sadd.s32 @!p0 $0x100000, s1;
	[bflag:$0x2] =	sbarrier.arrive $0xFFFF  }
0x38: {  	[sflag:s0] =	ssyncadd.tile.s32 @!p0 $0x1;
	_ =	shalt  }
.Lfunc_end2:
_tile_overlayer_lowered:
.L_overlay_start_2:
0x39: {  	(tag) =	ssettag $0x2  }
0x3a: {  	s0 =	rddreg [dreg:$0x0];
	s2 =	stileid.u32  }
0x3b: {  	s1 =	rddreg [dreg:$0x1];
	p0 =	sne.s32 s2, $0x0  }
0x3c: {  	s3 =	rddreg [dreg:$0x2];
	[bflag:$0x3] =	sbarrier.arrive $0xFFFF;
	s2 =	simm.s32 @!p0 $0x1C01  }
0x3d: {  	[timem:s3], [sflag:s2] =	dma.local @!p0 [hbm:s0], s1  }
0x3e: {  	s0 =	simm.s32 @!p0 $0x1  }
0x3f: {  	_ =	swait.ge @!p0 [sflag:s0], s1  }
0x40: {  	s1 =	ssub.s32 @!p0 $0x0, s1;
	[sflag:s0] =	ssyncset.done @!p0 $0x0  }
0x41: {  	[sflag:s0] =	ssyncadd.s32 @!p0 s1  }
0x42: {  	[bflag:$0x3] =	sbarrier.arrive $0xFFFF  }
0x43: {  	_ =	shalt  }

// kernel: kernel.16.cloned.1.call-start
scs
__scs_entry_jumppad:
0x0: {  	(pc) =	sbr.rel $0x88, $3  }
0x1: {  	(tag) =	ssettag $0x0;
	lr =	simm.s32 $0x1  }
0x2: {  	[smem:$0x3F8D] =	sst lr;
	_ =	strace $0xD0000000  }
0x3: {  	_ = 	snop  }
0x4: {  	_ = 	snop  }
0x5: {  	_ = 	snop  }
0x6: {  	_ = 	snop  }
0x7: {  	_ = 	snop  }
__scs_overlays_trampoline_lowered:
0x8: {  	[smem:$0x3F9C] =	sst s0  }
0x9: {  	[smem:$0x3F9D] =	sst s1  }
0xa: {  	[smem:$0x3F9E] =	sst s2  }
0xb: {  	[smem:$0x3F9F] =	sst s3  }
0xc: {  	[smem:$0x3FA0] =	sst s4  }
0xd: {  	[smem:$0x3FA1] =	sst s5  }
0xe: {  	[smem:$0x3FA2] =	sst s6  }
0xf: {  	[smem:$0x3FA3] =	sst s7  }
0x10: {  	[smem:$0x3FA4] =	sst s8  }
0x11: {  	[smem:$0x3FA5] =	sst s9;
	s0 =	simm.s32 @!p0 $0x0  }
0x12: {  	s1 =	sld [smem:$0x3F8B];
	s0 =	simm.s32 @p0 $0x1  }
0x13: {  	[smem:$0x3FA6] =	sst s0;
	s0 =	simm.s32 @!p1 $0x0  }
0x14: {  	s2 =	sld [smem:$0x3F8A];
	s0 =	simm.s32 @p1 $0x1  }
0x15: {  	[smem:$0x3FA7] =	sst s0;
	s0 =	simm.s32 @!p2 $0x0  }
0x16: {  	s3 =	sld [smem:$0x3FDB];
	s0 =	simm.s32 @p2 $0x1  }
0x17: {  	s4 =	simm.s32 $0x1BF5;
	[smem:$0x3FA9] =	sst s0  }
0x18: {  	s0 =	sld [smem:$0x3F8C];
	_ =	swait.ge [sflag:s4], $0x0  }
0x19: {  	s7 =	sld [smem:$0x3F8D]  }
0x1a: {  	s8 =	sadd.s32 $0xFFFFE003, lr  }
0x1b: {  	s9 =	sadd.s32 $0xFFFFFEF7, lr;
	s5 =	simm.s32 $0xFFFFFFFF;
	p2 =	slt.u32 s8, $0xFFFFF086  }
0x1c: {  	p1 =	slt.u32 s9, $0xF7A;
	s5 =	simm.s32 @!p2 $0x0  }
0x1d: {  	s5 =	simm.s32 @p1 $0x1;
	p0 =	seq.s32 s7, s2  }
0x1e: {  	s7 =	smul.u32 @!p0 $0xF7A, s2;
	p2 =	seq.s32 @!p0 s5, $0x0  }
0x1f: {  	s9 =	smul.u32 $0xF7A, s1;
	s8 =	simm.s32 @!p0 $0x1BF5;
	p2 =	por !p2, p0  }
0x20: {  	[sflag:s8] =	ssyncset.s32 @!p0 $0xFFFFF086;
	s6 =	sadd.s32 @!p0 s3, s7;
	s7 =	simm.s32 @!p0 $0x108  }
0x21: {  	s3 =	sadd.s32 s3, s9;
	s6 =	sadd.s32 @!p0 $0x88, s6;
	s7 =	simm.s32 @p2 $0x1082  }
0x22: {  	[simem:s7], [sflag:s8] =	dma.local @!p0 [hbm:s6], $0xF7A  }
0x23: {  	s9 =	sor.u32 $0xD0000000, s2;
	s6 =	simm.s32 $0x108;
	_ =	swait.ge @!p0 [sflag:s8], $0x0  }
0x24: {  	s3 =	sadd.s32 $0x88, s3;
	s6 =	simm.s32 @!p1 $0x1082;
	[sflag:s4] =	ssyncset.s32 $0xFFFFF086  }
0x25: {  	[simem:s6], [sflag:s4] =	dma.local [hbm:s3], $0xF7A  }
0x26: {  	[smem:$0x3F8D] =	sst s1;
	(tag) =	ssettag s2;
	_ =	strace s9  }
0x27: {  	s1 =	sld [smem:$0x3F9D]  }
0x28: {  	s2 =	sld [smem:$0x3F9E]  }
0x29: {  	s4 =	sld [smem:$0x3FA0]  }
0x2a: {  	p0 =	seq.s32 s5, $0x0;
	s5 =	sld [smem:$0x3FA1]  }
0x2b: {  	s6 =	sld [smem:$0x3FA2]  }
0x2c: {  	s7 =	sld [smem:$0x3FA3]  }
0x2d: {  	s3 =	simm.s32 $0x108;
	s8 =	sld [smem:$0x3FA4]  }
0x2e: {  	s3 =	simm.s32 @!p0 $0x1082;
	s9 =	sld [smem:$0x3FA5]  }
0x2f: {  	lr =	sadd.s32 s0, s3;
	s0 =	sld [smem:$0x3F9C]  }
0x30: {  	s3 =	sld [smem:$0x3F9F]  }
0x31: {  	[smem:$0x3FA8] =	sst s10  }
0x32: {  	s10 =	sld [smem:$0x3FA6];
	_ =	sdelay $0x3  }
0x33: {  	p0 =	seq.s32 s10, $0x1;
	s10 =	sld [smem:$0x3FA8];
	_ =	sdelay $0x3  }
0x34: {  	[smem:$0x3FA8] =	sst s10  }
0x35: {  	s10 =	sld [smem:$0x3FA7];
	_ =	sdelay $0x3  }
0x36: {  	p1 =	seq.s32 s10, $0x1;
	s10 =	sld [smem:$0x3FA8];
	_ =	sdelay $0x3  }
0x37: {  	[smem:$0x3FA8] =	sst s10  }
0x38: {  	s10 =	sld [smem:$0x3FA9]  }
0x39: {  	_ = 	snop;
	(pc) =	sbr.ind lr, $3  }
0x3a: {  	_ = 	snop  }
0x3b: {  	_ = 	snop  }
0x3c: {  	p2 =	seq.s32 s10, $0x1;
	s10 =	sld [smem:$0x3FA8]  }
0x3d: {  	_ =	shalt  }
0x3e: {  	_ =	shalt  }
0x3f: {  	_ =	shalt  }
0x40: {  	_ =	shalt  }
0x41: {  	_ =	shalt  }
0x42: {  	_ =	shalt  }
0x43: {  	_ =	shalt  }
0x44: {  	_ =	shalt  }
0x45: {  	_ =	shalt  }
0x46: {  	_ =	shalt  }
0x47: {  	_ =	shalt  }
0x48: {  	_ =	shalt  }
0x49: {  	_ =	shalt  }
0x4a: {  	_ =	shalt  }
0x4b: {  	_ =	shalt  }
0x4c: {  	_ =	shalt  }
0x4d: {  	_ =	shalt  }
0x4e: {  	_ =	shalt  }
0x4f: {  	_ =	shalt  }
0x50: {  	_ =	shalt  }
0x51: {  	_ =	shalt  }
0x52: {  	_ =	shalt  }
0x53: {  	_ =	shalt  }
0x54: {  	_ =	shalt  }
0x55: {  	_ =	shalt  }
0x56: {  	_ =	shalt  }
0x57: {  	_ =	shalt  }
0x58: {  	_ =	shalt  }
0x59: {  	_ =	shalt  }
0x5a: {  	_ =	shalt  }
0x5b: {  	_ =	shalt  }
0x5c: {  	_ =	shalt  }
0x5d: {  	_ =	shalt  }
0x5e: {  	_ =	shalt  }
0x5f: {  	_ =	shalt  }
0x60: {  	_ =	shalt  }
0x61: {  	_ =	shalt  }
0x62: {  	_ =	shalt  }
0x63: {  	_ =	shalt  }
0x64: {  	_ =	shalt  }
0x65: {  	_ =	shalt  }
0x66: {  	_ =	shalt  }
0x67: {  	_ =	shalt  }
0x68: {  	_ =	shalt  }
0x69: {  	_ =	shalt  }
0x6a: {  	_ =	shalt  }
0x6b: {  	_ =	shalt  }
0x6c: {  	_ =	shalt  }
0x6d: {  	_ =	shalt  }
0x6e: {  	_ =	shalt  }
0x6f: {  	_ =	shalt  }
0x70: {  	_ =	shalt  }
0x71: {  	_ =	shalt  }
0x72: {  	_ =	shalt  }
0x73: {  	_ =	shalt  }
0x74: {  	_ =	shalt  }
0x75: {  	_ =	shalt  }
0x76: {  	_ =	shalt  }
0x77: {  	_ =	shalt  }
0x78: {  	_ =	shalt  }
0x79: {  	_ =	shalt  }
0x7a: {  	_ =	shalt  }
0x7b: {  	_ =	shalt  }
0x7c: {  	_ =	shalt  }
0x7d: {  	_ =	shalt  }
0x7e: {  	_ =	shalt  }
0x7f: {  	_ =	shalt  }
0x80: {  	_ =	shalt  }
0x81: {  	_ =	shalt  }
0x82: {  	_ =	shalt  }
0x83: {  	_ =	shalt  }
0x84: {  	_ =	shalt  }
0x85: {  	_ =	shalt  }
0x86: {  	_ =	shalt  }
0x87: {  	_ =	shalt  }
.Lfunc_end0:
.L_simem_size_0:
called_computation.1_lowered:
.L_overlay_start_0:
0x88: {  	s2 =	sld [smem:$0x3FD9]  }
0x89: {  	s3 =	sld [smem:$0x3FFE];
	_ =	sdelay $0x1  }
0x8a: {  	s1 =	srdreg.scid  }
0x8b: {  	s0 =	sand.u32 $0x1, s1  }
0x8c: {  	s16 =	sshll.u32 s0, $0xA;
	s2 =	sadd.s32 s3, s2  }
0x8d: {  	s2 =	sadd.s32 s2, s16  }
0x8e: {  	[smem:$0x3FB4] =	sst s2  }
0x8f: {  	_ = 	snop  }
0x90: {  	(tm) =	ssettm $0x1  }
0x91: {  	s17 =	sld [smem:$0x3FFB];
	_ =	sdelay $0x3  }
0x92: {  	_ =	strace s17  }
0x93: {  	s2 =	sld [smem:$0x3FFC];
	_ =	sdelay $0x3  }
0x94: {  	_ =	strace s2  }
0x95: {  	s2 =	sld [smem:$0x3FFD];
	_ =	sdelay $0x3  }
0x96: {  	_ =	strace s2  }
0x97: {  	_ =	strace $0x8FFFFFFF  }
0x98: {  	s18 =	sld [smem:$0x3FDB];
	_ =	sdelay $0x1  }
0x99: {  	s19 =	simm.s32 $_scs_section_size  }
0x9a: {  	s4 =	simm.s32 $_size__tile_overlayer_lowered;
	s5 =	simm.s32 $_tile_overlayer_lowered  }
0x9b: {  	s22 =	simm.s32 $0x1BFF;
	s21 =	sshll.u32 s5, $0x1;
	s2 =	sadd.s32 s19, s18  }
0x9c: {  	s6 =	simm.s32 $0x0;
	s20 =	sshll.u32 s4, $0x1;
	s4 =	sadd.s32 s21, s2  }
0x9d: {  	[timem:s6], [sflag:s22] =	dma.local [hbm:s4], s20  }
0x9e: {  	_ =	swait.ge [sflag:s22], s20  }
0x9f: {  	s3 =	ssub.s32 $0x0, s20;
	[sflag:s22] =	ssyncset.done $0x0  }
0xa0: {  	[sflag:s22] =	ssyncadd.s32 s3;
	_ =	sdelay $0x1  }
0xa1: {  	s23 =	simm.s32 $0x1B8B  }
0xa2: {  	_ =	swait.ge [sflag:s23], $0x1  }
0xa3: {  	[sflag:s23] =	ssyncset.done $0x0  }
0xa4: {  	s25 =	simm.s32 $0x1B8E;
	s24 =	sld [smem:$0x3FFE];
	[sflag:s23] =	ssyncadd.s32 $0xFFFFFFFF  }
0xa5: {  	s26 =	simm.s32 $execute0_lowered;
	[smem:$0x3FD2] =	sst s25  }
0xa6: {  	s4 =	sshll.u32 s26, $0x1;
	_ =	strace $0x80000049;
	[dreg:$0x1] =	wrdreg $0xFFFFFFFF  }
0xa7: {  	s28 =	simm.s32 $_size_execute0_lowered;
	s2 =	sadd.s32 s2, s4;
	[dreg:$0x0] =	wrdreg $0x0  }
0xa8: {  	s4 =	sshll.u32 s28, $0x1;
	[dreg:$0x2] =	wrdreg s2  }
0xa9: {  	[dreg:$0x3] =	wrdreg s4  }
0xaa: {  	[dreg:$0x4] =	wrdreg $0xC0  }
0xab: {  	_ =	task [dreg:s6], $0x5FFFF  }
0xac: {  	[dreg:$0x1] =	wrdreg $0xFFFFFFFF  }
0xad: {  	[dreg:$0x0] =	wrdreg $0x60  }
0xae: {  	[dreg:$0x2] =	wrdreg s24  }
0xaf: {  	[dreg:$0x3] =	wrdreg $0xBF800  }
0xb0: {  	[dreg:$0x4] =	wrdreg $0x9  }
0xb1: {  	_ =	task.clear_ibuf [dreg:s6], $0x5FFFF;
	_ =	strace $0x90000049  }
0xb2: {  	s29 =	simm.s32 $0x9;
	_ =	strace $0x8000004B  }
0xb3: {  	_ =	swait.ge [sflag:s29], $0x1  }
0xb4: {  	[sflag:s29] =	ssyncadd.s32 $0xFFFFFFFF  }
0xb5: {  	_ =	strace $0x9000004B  }
0xb6: {  	_ =	sfence  }
0xb7: {  	s30 =	sld [smem:$0x0];
	_ =	sdelay $0x2  }
0xb8: {  	s31 =	sshll.u32 s1, $0xD;
	s1 =	sshrl.u32 s1, $0x2  }
0xb9: {  	s3 =	sand.u32 $0x4000, s31;
	s1 =	sadd.s32 s1, s30  }
0xba: {  	s0 =	sor.u32 s3, s0;
	s1 =	sshll.u32 s1, $0x11  }
0xbb: {  	s0 =	sor.u32 s1, s0  }
0xbc: {  	s0 =	sadd.s32 $0x8F2B, s0  }
0xbd: {  	[sflag:s0] =	ssyncadd.remote.s32 $0x1  }
0xbe: {  	_ =	sfence.sel $0xFFFF  }
0xbf: {  	[dreg:$0x0] =	wrdreg $0xFFFFFFFF;
	(pc) =	sbr.abs _section_cstart, $3  }
0xc0: {  	[dreg:$0x1] =	wrdreg $0xFFFFFFFF  }
0xc1: {  	_ =	task.clear_ibuf [dreg:s6], $0x2FFFF;
	_ =	strace $0x9FFFFFFF  }
0xc2: {  	(tm) =	ssettm $0x7FFFFFFF  }
0xc3: {  	_ =	shalt  }
tec
execute0_lowered:
.L_overlay_start_1:
0x0: {  	(tag) =	ssettag $0x1  }
0x1: {  	s0 =	srdreg.scid;
	s6 =	rddreg [dreg:$0x0]  }
0x2: {  	s2 =	rddreg [dreg:$0x1];
	s1 =	stileid.u32  }
0x3: {  	s3 =	simm.s32 $0x0;
	s14 =	simm.s32 $0x2780;
	s15 =	simm.s32 $0x60  }
0x4: {  	s16 =	simm.s32 $0x5F80;
	s17 =	simm.s32 $0x8F80;
	s18 =	simm.s32 $0x1  }
0x5: {  	s19 =	simm.s32 $0x2;
	s20 =	simm.s32 $0x5A80;
	s21 =	simm.s32 $0x2700  }
0x6: {  	s22 =	simm.s32 $0x5B00;
	s5 =	sand.u32 $0x1, s0;
	s0 =	rddreg [dreg:$0x2]  }
0x7: {  	s23 =	simm.s32 $0x5B80;
	s25 =	simm.s32 $0x0;
	[smem:$0x7FF] =	sst s3  }
0x8: {  	s11 =	smul.u32 $0x4E000, s1;
	s31 =	sshll.u32 s1, $0x6;
	s13 =	sadd.s32 $0x138000, s2  }
0x9: {  	s24 =	smul.u32 $0x2700, s1;
	p0 =	sne.s32 s1, $0xF;
	s4 =	sshll.u32 s5, $0x4  }
0xa: {  	_ =	strace $0x8000004A;
	s9 =	smul.u32 $0x27100, s5;
	s10 =	ssub.s32 $0x2, s5  }
0xb: {  	s5 =	sadd.s32 $0x1CE00, s6;
	s13 =	sshrl.u32 @!p0 s13, $0x3;
	s4 =	sor.u32 s1, s4  }
0xc: {  	s29 =	sshrl.u32 s10, $0x1;
	s30 =	sshrl.u32 s11, $0x2;
	s7 =	smul.u32 $0x4EC, s4  }
0xd: {  	s8 =	smul.u32 $0x700, s4;
	s4 =	sadd.s32 $0x1F600, s6;
	s9 =	sadd.s32 s9, s6  }
0xe: {  	s10 =	ssub.s32 s10, s29;
	s12 =	sadd.s32 s30, s2;
	s9 =	sadd.s32 $0x46800, s9  }
0xf: {  	s10 =	smax.u32 s10, $0x1;
	s11 =	sshrl.u32 s12, $0x3;
	s12 =	simm.s32 $0x3  }
0x10: {  	s7 =	sadd.s32 s7, s6;
	s8 =	sadd.s32 s8, s6;
	s6 =	sor.u32 $0x1C03, s31  }
0x11: {  	s24 =	sadd.s32 s24, s9;
	s7 =	sadd.s32 $0x5000, s7;
	s8 =	sadd.s32 $0xEE00, s8  }
.LBB2_1:
0x12: {  	[spmem:s11], [sflag:s6] =	dma.local [hbm:s5], $0x2700  }
0x13: {  	_ =	swait.ge [sflag:s12], $0x2700  }
0x14: {  	[sflag:s12] =	ssyncset.done $0x0  }
0x15: {  	s26 =	simm.s32 @!p0 $0x3;
	[sflag:s12] =	ssyncadd.s32 $0xFFFFD900  }
0x16: {  	[spmem:s13], [sflag:s6] =	dma.local @!p0 [hbm:s5], $0x100  }
0x17: {  	_ =	swait.ge @!p0 [sflag:s26], $0x100  }
0x18: {  	[sflag:s26] =	ssyncset.done @!p0 $0x0  }
0x19: {  	[sflag:s26] =	ssyncadd.s32 @!p0 $0xFFFFFF00  }
0x1a: {  	[bflag:$0x0] =	sbarrier.arrive $0xFFFF  }
0x1b: {  	[tilespmem:s3], [sflag:$0x3] =	stream.linear.gather [hbm4b:s7+s3], $0x2760, $0x38;
	[tilespmem:$0x1F840] =	vst v63  }
0x1c: {  	_ =	swait.ge [sflag:s12], $0x2760  }
0x1d: {  	[sflag:s12] =	ssyncset.done $0x0  }
0x1e: {  	[sflag:s12] =	ssyncadd.s32 $0xFFFFD8A0  }
0x1f: {  	[tilespmem:s14], [sflag:$0x3] =	stream.linear.gather [hbm4b:s8+s3], $0x3480, $0x38;
	[tilespmem:$0x1F840] =	vst v63  }
0x20: {  	_ =	swait.ge [sflag:s12], $0x3480  }
0x21: {  	[sflag:s12] =	ssyncset.done $0x0  }
0x22: {  	[sflag:s12] =	ssyncadd.s32 $0xFFFFCB80  }
0x23: {  	[tilespmem:s16], [sflag:$0x1] =	stream.indirect.gather [hbm4b:s4+s15], $0x80, s3, s15, $0xb8;
	[tilespmem:$0x1F840] =	vst v63  }
0x24: {  	_ = 	snop  }
0x25: {  	[tilespmem:s17], [sflag:$0x2] =	stream.indirect.gather [hbm4b:s4+s15], $0x80, s15, s15, $0xb8;
	[tilespmem:$0x1F840] =	vst v63  }
0x26: {  	_ =	swait.ge [sflag:s18], $0x3000  }
0x27: {  	[sflag:s18] =	ssyncset.done $0x0  }
0x28: {  	s31 =	simm.s32 $0x2780;
	[sflag:s18] =	ssyncadd.s32 $0xFFFFD000  }
0x29: {  	[spmem:s2] =	stream.indirect.scatter.add.f32 [tilespmem:s16], [sflag:$0x3], $0x80, s31, s15, $0xb8;
	[tilespmem:$0x1F840] =	vst v63  }
0x2a: {  	_ =	swait.ge [sflag:s12], $0x3000  }
0x2b: {  	[sflag:s12] =	ssyncset.done $0x0  }
0x2c: {  	s30 =	simm.s32 $0xC0;
	[sflag:s12] =	ssyncadd.s32 $0xFFFFD000  }
0x2d: {  	[tilespmem:s16], [sflag:$0x1] =	stream.indirect.gather [hbm4b:s4+s15], $0x80, s30, s15, $0xb8;
	[tilespmem:$0x1F840] =	vst v63  }
0x2e: {  	_ =	swait.ge [sflag:s19], $0x3000  }
0x2f: {  	[sflag:s19] =	ssyncset.done $0x0  }
0x30: {  	s31 =	simm.s32 $0x2800;
	[sflag:s19] =	ssyncadd.s32 $0xFFFFD000  }
0x31: {  	[spmem:s2] =	stream.indirect.scatter.add.f32 [tilespmem:s17], [sflag:$0x3], $0x80, s31, s15, $0xb8;
	[tilespmem:$0x1F840] =	vst v63  }
0x32: {  	_ =	swait.ge [sflag:s12], $0x3000  }
0x33: {  	s28 =	simm.s32 $0x400;
	[sflag:s12] =	ssyncset.done $0x0  }
0x34: {  	s29 =	simm.s32 $0x1E0;
	s26 =	simm.s32 $0x120;
	[sflag:s12] =	ssyncadd.s32 $0xFFFFD000  }
.LBB2_2:
0x35: {  	[tilespmem:s17], [sflag:$0x2] =	stream.indirect.gather [hbm4b:s4+s15], $0x80, s26, s15, $0xb8;
	[tilespmem:$0x1F840] =	vst v63  }
0x36: {  	s30 =	smov.u32 s28;
	s26 =	smov.u32 s29  }
0x37: {  	p1 =	sne.s32 s28, $0xC800;
	s28 =	sadd.s32 $0x400, s28;
	_ =	swait.ge [sflag:s18], $0x3000  }
0x38: {  	s30 =	sshra.s32 s30, $0x2;
	[sflag:s18] =	ssyncset.done $0x0  }
0x39: {  	s31 =	sadd.s32 $0x2780, s30;
	[sflag:s18] =	ssyncadd.s32 $0xFFFFD000  }
0x3a: {  	[spmem:s2] =	stream.indirect.scatter.add.f32 [tilespmem:s16], [sflag:$0x3], $0x80, s31, s15, $0xb8;
	[tilespmem:$0x1F840] =	vst v63  }
0x3b: {  	_ =	swait.ge [sflag:s12], $0x3000  }
0x3c: {  	[sflag:s12] =	ssyncset.done $0x0  }
0x3d: {  	s31 =	sadd.s32 $0xFFFFFFA0, s29;
	[sflag:s12] =	ssyncadd.s32 $0xFFFFD000  }
0x3e: {  	[tilespmem:s16], [sflag:$0x1] =	stream.indirect.gather [hbm4b:s4+s15], $0x80, s31, s15, $0xb8;
	[tilespmem:$0x1F840] =	vst v63  }
0x3f: {  	_ =	swait.ge [sflag:s19], $0x3000  }
0x40: {  	[sflag:s19] =	ssyncset.done $0x0  }
.Ltmp0:
0x41: {  	s30 =	sadd.s32 $0x2800, s30;
	[sflag:s19] =	ssyncadd.s32 $0xFFFFD000;
	(pc) =	sbr.rel @p1 .LBB2_2-.Ltmp0, $4  }
0x42: {  	[spmem:s2] =	stream.indirect.scatter.add.f32 [tilespmem:s17], [sflag:$0x3], $0x80, s30, s15, $0xb8;
	[tilespmem:$0x1F840] =	vst v63  }
0x43: {  	_ =	swait.ge [sflag:s12], $0x3000  }
0x44: {  	[sflag:s12] =	ssyncset.done $0x0  }
0x45: {  	s29 =	sadd.s32 $0xC0, s29;
	[sflag:s12] =	ssyncadd.s32 $0xFFFFD000  }
0x46: {  	[tilespmem:s17], [sflag:$0x2] =	stream.indirect.gather [hbm4b:s4+s15], $0x80, s26, s15, $0xb8;
	[tilespmem:$0x1F840] =	vst v63  }
0x47: {  	_ =	swait.ge [sflag:s18], $0x3000  }
0x48: {  	[sflag:s18] =	ssyncset.done $0x0  }
0x49: {  	[sflag:s18] =	ssyncadd.s32 $0xFFFFD000  }
0x4a: {  	[spmem:s2] =	stream.indirect.scatter.add.f32 [tilespmem:s16], [sflag:$0x3], $0x80, s20, s15, $0xb8;
	[tilespmem:$0x1F840] =	vst v63  }
0x4b: {  	_ =	swait.ge [sflag:s12], $0x3000  }
0x4c: {  	[sflag:s12] =	ssyncset.done $0x0  }
0x4d: {  	[sflag:s12] =	ssyncadd.s32 $0xFFFFD000  }
0x4e: {  	[tilespmem:s16], [sflag:$0x1] =	stream.indirect.gather [hbm4b:s4+s15], $0x80, s21, s15, $0xb8;
	[tilespmem:$0x1F840] =	vst v63  }
0x4f: {  	_ =	swait.ge [sflag:s19], $0x3000  }
0x50: {  	[sflag:s19] =	ssyncset.done $0x0  }
0x51: {  	[sflag:s19] =	ssyncadd.s32 $0xFFFFD000  }
0x52: {  	[spmem:s2] =	stream.indirect.scatter.add.f32 [tilespmem:s17], [sflag:$0x3], $0x80, s22, s15, $0xb8;
	[tilespmem:$0x1F840] =	vst v63  }
0x53: {  	_ =	swait.ge [sflag:s12], $0x3000  }
0x54: {  	[sflag:s12] =	ssyncset.done $0x0  }
0x55: {  	[sflag:s12] =	ssyncadd.s32 $0xFFFFD000  }
0x56: {  	_ =	swait.ge [sflag:s18], $0x3000  }
0x57: {  	[sflag:s18] =	ssyncset.done $0x0  }
0x58: {  	[sflag:s18] =	ssyncadd.s32 $0xFFFFD000  }
0x59: {  	[spmem:s2] =	stream.indirect.scatter.add.f32 [tilespmem:s16], [sflag:$0x3], $0x80, s23, s15, $0xb8;
	[tilespmem:$0x1F840] =	vst v63  }
0x5a: {  	_ =	swait.ge [sflag:s12], $0x3000  }
0x5b: {  	[sflag:s12] =	ssyncset.done $0x0  }
0x5c: {  	[sflag:s12] =	ssyncadd.s32 $0xFFFFD000  }
0x5d: {  	[bflag:$0x0] =	sbarrier.arrive $0xFFFF  }
0x5e: {  	[hbm:s24], [sflag:s6] =	dma.local [spmem:s11], $0x2700  }
0x5f: {  	_ =	swait.ge [sflag:s12], $0x2700  }
0x60: {  	s25 =	sadd.s32 $0x1, s25;
	[sflag:s12] =	ssyncset.done $0x0  }
0x61: {  	s26 =	sadd.s32 @!p0 $0x27000, s9;
	p1 =	sne.s32 s25, s10;
	[sflag:s12] =	ssyncadd.s32 $0xFFFFD900  }
0x62: {  	[hbm:s26], [sflag:s6] =	dma.local @!p0 [spmem:s13], $0x100  }
.Ltmp1:
0x63: {  	_ = 	snop;
	(pc) =	sbr.rel @p1 .LBB2_1-.Ltmp1, $4  }
0x64: {  	s26 =	simm.s32 @!p0 $0x3  }
0x65: {  	_ =	swait.ge @!p0 [sflag:s26], $0x100  }
0x66: {  	[sflag:s26] =	ssyncset.done @!p0 $0x0  }
0x67: {  	[sflag:s26] =	ssyncadd.s32 @!p0 $0xFFFFFF00  }
0x68: {  	_ =	sfence.sel $0x180000  }
0x69: {  	[bflag:$0x0] =	sbarrier.arrive $0xFFFF  }
0x6a: {  	p0 =	sne.s32 s1, $0x0;
	_ =	strace $0x9000004A  }
0x6b: {  	s0 =	sadd.s32 @!p0 $0x100000, s0;
	[bflag:$0x2] =	sbarrier.arrive $0xFFFF  }
0x6c: {  	[sflag:s0] =	ssyncadd.tile.s32 @!p0 $0x1;
	_ =	shalt  }
.Lfunc_end2:
_tile_overlayer_lowered:
.L_overlay_start_2:
0x6d: {  	(tag) =	ssettag $0x2  }
0x6e: {  	s0 =	rddreg [dreg:$0x0];
	s2 =	stileid.u32  }
0x6f: {  	s1 =	rddreg [dreg:$0x1];
	p0 =	sne.s32 s2, $0x0  }
0x70: {  	s3 =	rddreg [dreg:$0x2];
	[bflag:$0x3] =	sbarrier.arrive $0xFFFF;
	s2 =	simm.s32 @!p0 $0x1C03  }
0x71: {  	[timem:s3], [sflag:s2] =	dma.local @!p0 [hbm:s0], s1  }
0x72: {  	s0 =	simm.s32 @!p0 $0x3  }
0x73: {  	_ =	swait.ge @!p0 [sflag:s0], s1  }
0x74: {  	s1 =	ssub.s32 @!p0 $0x0, s1;
	[sflag:s0] =	ssyncset.done @!p0 $0x0  }
0x75: {  	[sflag:s0] =	ssyncadd.s32 @!p0 s1  }
0x76: {  	[bflag:$0x3] =	sbarrier.arrive $0xFFFF  }
0x77: {  	_ =	shalt  }

// kernel: kernel.19.cloned.1.call-start
scs
__scs_entry_jumppad:
0x0: {  	(pc) =	sbr.rel $0x88, $3  }
0x1: {  	(tag) =	ssettag $0x0;
	lr =	simm.s32 $0x1  }
0x2: {  	[smem:$0x3F8D] =	sst lr;
	_ =	strace $0xD0000000  }
0x3: {  	_ = 	snop  }
0x4: {  	_ = 	snop  }
0x5: {  	_ = 	snop  }
0x6: {  	_ = 	snop  }
0x7: {  	_ = 	snop  }
__scs_overlays_trampoline_lowered:
0x8: {  	[smem:$0x3F9C] =	sst s0  }
0x9: {  	[smem:$0x3F9D] =	sst s1  }
0xa: {  	[smem:$0x3F9E] =	sst s2  }
0xb: {  	[smem:$0x3F9F] =	sst s3  }
0xc: {  	[smem:$0x3FA0] =	sst s4  }
0xd: {  	[smem:$0x3FA1] =	sst s5  }
0xe: {  	[smem:$0x3FA2] =	sst s6  }
0xf: {  	[smem:$0x3FA3] =	sst s7  }
0x10: {  	[smem:$0x3FA4] =	sst s8  }
0x11: {  	[smem:$0x3FA5] =	sst s9;
	s0 =	simm.s32 @!p0 $0x0  }
0x12: {  	s1 =	sld [smem:$0x3F8B];
	s0 =	simm.s32 @p0 $0x1  }
0x13: {  	[smem:$0x3FA6] =	sst s0;
	s0 =	simm.s32 @!p1 $0x0  }
0x14: {  	s2 =	sld [smem:$0x3F8A];
	s0 =	simm.s32 @p1 $0x1  }
0x15: {  	[smem:$0x3FA7] =	sst s0;
	s0 =	simm.s32 @!p2 $0x0  }
0x16: {  	s3 =	sld [smem:$0x3FDB];
	s0 =	simm.s32 @p2 $0x1  }
0x17: {  	s4 =	simm.s32 $0x1BF5;
	[smem:$0x3FA9] =	sst s0  }
0x18: {  	s0 =	sld [smem:$0x3F8C];
	_ =	swait.ge [sflag:s4], $0x0  }
0x19: {  	s7 =	sld [smem:$0x3F8D]  }
0x1a: {  	s8 =	sadd.s32 $0xFFFFE003, lr  }
0x1b: {  	s9 =	sadd.s32 $0xFFFFFEF7, lr;
	s5 =	simm.s32 $0xFFFFFFFF;
	p2 =	slt.u32 s8, $0xFFFFF086  }
0x1c: {  	p1 =	slt.u32 s9, $0xF7A;
	s5 =	simm.s32 @!p2 $0x0  }
0x1d: {  	s5 =	simm.s32 @p1 $0x1;
	p0 =	seq.s32 s7, s2  }
0x1e: {  	s7 =	smul.u32 @!p0 $0xF7A, s2;
	p2 =	seq.s32 @!p0 s5, $0x0  }
0x1f: {  	s9 =	smul.u32 $0xF7A, s1;
	s8 =	simm.s32 @!p0 $0x1BF5;
	p2 =	por !p2, p0  }
0x20: {  	[sflag:s8] =	ssyncset.s32 @!p0 $0xFFFFF086;
	s6 =	sadd.s32 @!p0 s3, s7;
	s7 =	simm.s32 @!p0 $0x108  }
0x21: {  	s3 =	sadd.s32 s3, s9;
	s6 =	sadd.s32 @!p0 $0x88, s6;
	s7 =	simm.s32 @p2 $0x1082  }
0x22: {  	[simem:s7], [sflag:s8] =	dma.local @!p0 [hbm:s6], $0xF7A  }
0x23: {  	s9 =	sor.u32 $0xD0000000, s2;
	s6 =	simm.s32 $0x108;
	_ =	swait.ge @!p0 [sflag:s8], $0x0  }
0x24: {  	s3 =	sadd.s32 $0x88, s3;
	s6 =	simm.s32 @!p1 $0x1082;
	[sflag:s4] =	ssyncset.s32 $0xFFFFF086  }
0x25: {  	[simem:s6], [sflag:s4] =	dma.local [hbm:s3], $0xF7A  }
0x26: {  	[smem:$0x3F8D] =	sst s1;
	(tag) =	ssettag s2;
	_ =	strace s9  }
0x27: {  	s1 =	sld [smem:$0x3F9D]  }
0x28: {  	s2 =	sld [smem:$0x3F9E]  }
0x29: {  	s4 =	sld [smem:$0x3FA0]  }
0x2a: {  	p0 =	seq.s32 s5, $0x0;
	s5 =	sld [smem:$0x3FA1]  }
0x2b: {  	s6 =	sld [smem:$0x3FA2]  }
0x2c: {  	s7 =	sld [smem:$0x3FA3]  }
0x2d: {  	s3 =	simm.s32 $0x108;
	s8 =	sld [smem:$0x3FA4]  }
0x2e: {  	s3 =	simm.s32 @!p0 $0x1082;
	s9 =	sld [smem:$0x3FA5]  }
0x2f: {  	lr =	sadd.s32 s0, s3;
	s0 =	sld [smem:$0x3F9C]  }
0x30: {  	s3 =	sld [smem:$0x3F9F]  }
0x31: {  	[smem:$0x3FA8] =	sst s10  }
0x32: {  	s10 =	sld [smem:$0x3FA6];
	_ =	sdelay $0x3  }
0x33: {  	p0 =	seq.s32 s10, $0x1;
	s10 =	sld [smem:$0x3FA8];
	_ =	sdelay $0x3  }
0x34: {  	[smem:$0x3FA8] =	sst s10  }
0x35: {  	s10 =	sld [smem:$0x3FA7];
	_ =	sdelay $0x3  }
0x36: {  	p1 =	seq.s32 s10, $0x1;
	s10 =	sld [smem:$0x3FA8];
	_ =	sdelay $0x3  }
0x37: {  	[smem:$0x3FA8] =	sst s10  }
0x38: {  	s10 =	sld [smem:$0x3FA9]  }
0x39: {  	_ = 	snop;
	(pc) =	sbr.ind lr, $3  }
0x3a: {  	_ = 	snop  }
0x3b: {  	_ = 	snop  }
0x3c: {  	p2 =	seq.s32 s10, $0x1;
	s10 =	sld [smem:$0x3FA8]  }
0x3d: {  	_ =	shalt  }
0x3e: {  	_ =	shalt  }
0x3f: {  	_ =	shalt  }
0x40: {  	_ =	shalt  }
0x41: {  	_ =	shalt  }
0x42: {  	_ =	shalt  }
0x43: {  	_ =	shalt  }
0x44: {  	_ =	shalt  }
0x45: {  	_ =	shalt  }
0x46: {  	_ =	shalt  }
0x47: {  	_ =	shalt  }
0x48: {  	_ =	shalt  }
0x49: {  	_ =	shalt  }
0x4a: {  	_ =	shalt  }
0x4b: {  	_ =	shalt  }
0x4c: {  	_ =	shalt  }
0x4d: {  	_ =	shalt  }
0x4e: {  	_ =	shalt  }
0x4f: {  	_ =	shalt  }
0x50: {  	_ =	shalt  }
0x51: {  	_ =	shalt  }
0x52: {  	_ =	shalt  }
0x53: {  	_ =	shalt  }
0x54: {  	_ =	shalt  }
0x55: {  	_ =	shalt  }
0x56: {  	_ =	shalt  }
0x57: {  	_ =	shalt  }
0x58: {  	_ =	shalt  }
0x59: {  	_ =	shalt  }
0x5a: {  	_ =	shalt  }
0x5b: {  	_ =	shalt  }
0x5c: {  	_ =	shalt  }
0x5d: {  	_ =	shalt  }
0x5e: {  	_ =	shalt  }
0x5f: {  	_ =	shalt  }
0x60: {  	_ =	shalt  }
0x61: {  	_ =	shalt  }
0x62: {  	_ =	shalt  }
0x63: {  	_ =	shalt  }
0x64: {  	_ =	shalt  }
0x65: {  	_ =	shalt  }
0x66: {  	_ =	shalt  }
0x67: {  	_ =	shalt  }
0x68: {  	_ =	shalt  }
0x69: {  	_ =	shalt  }
0x6a: {  	_ =	shalt  }
0x6b: {  	_ =	shalt  }
0x6c: {  	_ =	shalt  }
0x6d: {  	_ =	shalt  }
0x6e: {  	_ =	shalt  }
0x6f: {  	_ =	shalt  }
0x70: {  	_ =	shalt  }
0x71: {  	_ =	shalt  }
0x72: {  	_ =	shalt  }
0x73: {  	_ =	shalt  }
0x74: {  	_ =	shalt  }
0x75: {  	_ =	shalt  }
0x76: {  	_ =	shalt  }
0x77: {  	_ =	shalt  }
0x78: {  	_ =	shalt  }
0x79: {  	_ =	shalt  }
0x7a: {  	_ =	shalt  }
0x7b: {  	_ =	shalt  }
0x7c: {  	_ =	shalt  }
0x7d: {  	_ =	shalt  }
0x7e: {  	_ =	shalt  }
0x7f: {  	_ =	shalt  }
0x80: {  	_ =	shalt  }
0x81: {  	_ =	shalt  }
0x82: {  	_ =	shalt  }
0x83: {  	_ =	shalt  }
0x84: {  	_ =	shalt  }
0x85: {  	_ =	shalt  }
0x86: {  	_ =	shalt  }
0x87: {  	_ =	shalt  }
.Lfunc_end0:
.L_simem_size_0:
called_computation.2_lowered:
.L_overlay_start_0:
0x88: {  	s2 =	sld [smem:$0x3FD9]  }
0x89: {  	s3 =	sld [smem:$0x3FFE];
	_ =	sdelay $0x1  }
0x8a: {  	s1 =	srdreg.scid  }
0x8b: {  	s0 =	sand.u32 $0x1, s1  }
0x8c: {  	s16 =	sshll.u32 s0, $0xA;
	s2 =	sadd.s32 s3, s2  }
0x8d: {  	s2 =	sadd.s32 s2, s16  }
0x8e: {  	[smem:$0x3FB4] =	sst s2  }
0x8f: {  	_ = 	snop  }
0x90: {  	(tm) =	ssettm $0x1  }
0x91: {  	s17 =	sld [smem:$0x3FFB];
	_ =	sdelay $0x3  }
0x92: {  	_ =	strace s17  }
0x93: {  	s2 =	sld [smem:$0x3FFC];
	_ =	sdelay $0x3  }
0x94: {  	_ =	strace s2  }
0x95: {  	s2 =	sld [smem:$0x3FFD];
	_ =	sdelay $0x3  }
0x96: {  	_ =	strace s2  }
0x97: {  	_ =	strace $0x8FFFFFFF  }
0x98: {  	s18 =	sld [smem:$0x3FDB];
	_ =	sdelay $0x1  }
0x99: {  	s19 =	simm.s32 $_scs_section_size  }
0x9a: {  	s4 =	simm.s32 $_size__tile_overlayer_lowered;
	s5 =	simm.s32 $_tile_overlayer_lowered  }
0x9b: {  	s22 =	simm.s32 $0x1BFF;
	s21 =	sshll.u32 s5, $0x1;
	s2 =	sadd.s32 s19, s18  }
0x9c: {  	s6 =	simm.s32 $0x0;
	s20 =	sshll.u32 s4, $0x1;
	s4 =	sadd.s32 s21, s2  }
0x9d: {  	[timem:s6], [sflag:s22] =	dma.local [hbm:s4], s20  }
0x9e: {  	_ =	swait.ge [sflag:s22], s20  }
0x9f: {  	s3 =	ssub.s32 $0x0, s20;
	[sflag:s22] =	ssyncset.done $0x0  }
0xa0: {  	[sflag:s22] =	ssyncadd.s32 s3;
	_ =	sdelay $0x1  }
0xa1: {  	s23 =	simm.s32 $0x1B8B  }
0xa2: {  	_ =	swait.ge [sflag:s23], $0x1  }
0xa3: {  	[sflag:s23] =	ssyncset.done $0x0  }
0xa4: {  	s25 =	simm.s32 $0x1B8E;
	s24 =	sld [smem:$0x3FFE];
	[sflag:s23] =	ssyncadd.s32 $0xFFFFFFFF  }
0xa5: {  	s26 =	simm.s32 $execute0_lowered;
	[smem:$0x3FD2] =	sst s25  }
0xa6: {  	s4 =	sshll.u32 s26, $0x1;
	_ =	strace $0x8000004C;
	[dreg:$0x1] =	wrdreg $0xFFFFFFFF  }
0xa7: {  	s28 =	simm.s32 $_size_execute0_lowered;
	s2 =	sadd.s32 s2, s4;
	[dreg:$0x0] =	wrdreg $0x0  }
0xa8: {  	s4 =	sshll.u32 s28, $0x1;
	[dreg:$0x2] =	wrdreg s2  }
0xa9: {  	[dreg:$0x3] =	wrdreg s4  }
0xaa: {  	[dreg:$0x4] =	wrdreg $0xC0  }
0xab: {  	_ =	task [dreg:s6], $0x5FFFF  }
0xac: {  	[dreg:$0x1] =	wrdreg $0xFFFFFFFF  }
0xad: {  	[dreg:$0x0] =	wrdreg $0x60  }
0xae: {  	[dreg:$0x2] =	wrdreg s24  }
0xaf: {  	[dreg:$0x3] =	wrdreg $0xBF800  }
0xb0: {  	[dreg:$0x4] =	wrdreg $0x9  }
0xb1: {  	_ =	task.clear_ibuf [dreg:s6], $0x5FFFF;
	_ =	strace $0x9000004C  }
0xb2: {  	s29 =	simm.s32 $0x9;
	_ =	strace $0x8000004E  }
0xb3: {  	_ =	swait.ge [sflag:s29], $0x1  }
0xb4: {  	[sflag:s29] =	ssyncadd.s32 $0xFFFFFFFF  }
0xb5: {  	_ =	strace $0x9000004E  }
0xb6: {  	_ =	sfence  }
0xb7: {  	s30 =	sld [smem:$0x0];
	_ =	sdelay $0x2  }
0xb8: {  	s31 =	sshll.u32 s1, $0xD;
	s1 =	sshrl.u32 s1, $0x2  }
0xb9: {  	s3 =	sand.u32 $0x4000, s31;
	s1 =	sadd.s32 s1, s30  }
0xba: {  	s0 =	sor.u32 s3, s0;
	s1 =	sshll.u32 s1, $0x11  }
0xbb: {  	s0 =	sor.u32 s1, s0  }
0xbc: {  	s0 =	sadd.s32 $0x8F2B, s0  }
0xbd: {  	[sflag:s0] =	ssyncadd.remote.s32 $0x1  }
0xbe: {  	_ =	sfence.sel $0xFFFF  }
0xbf: {  	[dreg:$0x0] =	wrdreg $0xFFFFFFFF;
	(pc) =	sbr.abs _section_cstart, $3  }
0xc0: {  	[dreg:$0x1] =	wrdreg $0xFFFFFFFF  }
0xc1: {  	_ =	task.clear_ibuf [dreg:s6], $0x2FFFF;
	_ =	strace $0x9FFFFFFF  }
0xc2: {  	(tm) =	ssettm $0x7FFFFFFF  }
0xc3: {  	_ =	shalt  }
tec
execute0_lowered:
.L_overlay_start_1:
0x0: {  	(tag) =	ssettag $0x1  }
0x1: {  	s0 =	srdreg.scid;
	s6 =	rddreg [dreg:$0x0]  }
0x2: {  	s2 =	rddreg [dreg:$0x1];
	s1 =	stileid.u32  }
0x3: {  	s3 =	simm.s32 $0x0;
	s14 =	simm.s32 $0x2780;
	s15 =	simm.s32 $0x60  }
0x4: {  	s16 =	simm.s32 $0x5F80;
	s17 =	simm.s32 $0x8F80;
	s18 =	simm.s32 $0x1  }
0x5: {  	s19 =	simm.s32 $0x2;
	s20 =	simm.s32 $0x5A80;
	s21 =	simm.s32 $0x2700  }
0x6: {  	s22 =	simm.s32 $0x5B00;
	s5 =	sand.u32 $0x1, s0;
	s0 =	rddreg [dreg:$0x2]  }
0x7: {  	s23 =	simm.s32 $0x5B80;
	s25 =	simm.s32 $0x0;
	[smem:$0x7FF] =	sst s3  }
0x8: {  	s11 =	smul.u32 $0x4E000, s1;
	s31 =	sshll.u32 s1, $0x6;
	s13 =	sadd.s32 $0x138000, s2  }
0x9: {  	s24 =	smul.u32 $0x2700, s1;
	p0 =	sne.s32 s1, $0xF;
	s4 =	sshll.u32 s5, $0x4  }
0xa: {  	_ =	strace $0x8000004D;
	s9 =	smul.u32 $0x27100, s5;
	s10 =	ssub.s32 $0x2, s5  }
0xb: {  	s5 =	sadd.s32 $0x1CE00, s6;
	s13 =	sshrl.u32 @!p0 s13, $0x3;
	s4 =	sor.u32 s1, s4  }
0xc: {  	s29 =	sshrl.u32 s10, $0x1;
	s30 =	sshrl.u32 s11, $0x2;
	s7 =	smul.u32 $0x4EC, s4  }
0xd: {  	s8 =	smul.u32 $0x700, s4;
	s4 =	sadd.s32 $0x1F600, s6;
	s9 =	sadd.s32 s9, s6  }
0xe: {  	s10 =	ssub.s32 s10, s29;
	s12 =	sadd.s32 s30, s2;
	s9 =	sadd.s32 $0x46800, s9  }
0xf: {  	s10 =	smax.u32 s10, $0x1;
	s11 =	sshrl.u32 s12, $0x3;
	s12 =	simm.s32 $0x3  }
0x10: {  	s7 =	sadd.s32 s7, s6;
	s8 =	sadd.s32 s8, s6;
	s6 =	sor.u32 $0x1C03, s31  }
0x11: {  	s24 =	sadd.s32 s24, s9;
	s7 =	sadd.s32 $0x5000, s7;
	s8 =	sadd.s32 $0xEE00, s8  }
.LBB2_1:
0x12: {  	[spmem:s11], [sflag:s6] =	dma.local [hbm:s5], $0x2700  }
0x13: {  	_ =	swait.ge [sflag:s12], $0x2700  }
0x14: {  	[sflag:s12] =	ssyncset.done $0x0  }
0x15: {  	s26 =	simm.s32 @!p0 $0x3;
	[sflag:s12] =	ssyncadd.s32 $0xFFFFD900  }
0x16: {  	[spmem:s13], [sflag:s6] =	dma.local @!p0 [hbm:s5], $0x100  }
0x17: {  	_ =	swait.ge @!p0 [sflag:s26], $0x100  }
0x18: {  	[sflag:s26] =	ssyncset.done @!p0 $0x0  }
0x19: {  	[sflag:s26] =	ssyncadd.s32 @!p0 $0xFFFFFF00  }
0x1a: {  	[bflag:$0x0] =	sbarrier.arrive $0xFFFF  }
0x1b: {  	[tilespmem:s3], [sflag:$0x3] =	stream.linear.gather [hbm4b:s7+s3], $0x2760, $0x38;
	[tilespmem:$0x1F840] =	vst v63  }
0x1c: {  	_ =	swait.ge [sflag:s12], $0x2760  }
0x1d: {  	[sflag:s12] =	ssyncset.done $0x0  }
0x1e: {  	[sflag:s12] =	ssyncadd.s32 $0xFFFFD8A0  }
0x1f: {  	[tilespmem:s14], [sflag:$0x3] =	stream.linear.gather [hbm4b:s8+s3], $0x3480, $0x38;
	[tilespmem:$0x1F840] =	vst v63  }
0x20: {  	_ =	swait.ge [sflag:s12], $0x3480  }
0x21: {  	[sflag:s12] =	ssyncset.done $0x0  }
0x22: {  	[sflag:s12] =	ssyncadd.s32 $0xFFFFCB80  }
0x23: {  	[tilespmem:s16], [sflag:$0x1] =	stream.indirect.gather [hbm4b:s4+s15], $0x80, s3, s15, $0xb8;
	[tilespmem:$0x1F840] =	vst v63  }
0x24: {  	_ = 	snop  }
0x25: {  	[tilespmem:s17], [sflag:$0x2] =	stream.indirect.gather [hbm4b:s4+s15], $0x80, s15, s15, $0xb8;
	[tilespmem:$0x1F840] =	vst v63  }
0x26: {  	_ =	swait.ge [sflag:s18], $0x3000  }
0x27: {  	[sflag:s18] =	ssyncset.done $0x0  }
0x28: {  	s31 =	simm.s32 $0x2780;
	[sflag:s18] =	ssyncadd.s32 $0xFFFFD000  }
0x29: {  	[spmem:s2] =	stream.indirect.scatter.add.f32 [tilespmem:s16], [sflag:$0x3], $0x80, s31, s15, $0xb8;
	[tilespmem:$0x1F840] =	vst v63  }
0x2a: {  	_ =	swait.ge [sflag:s12], $0x3000  }
0x2b: {  	[sflag:s12] =	ssyncset.done $0x0  }
0x2c: {  	s30 =	simm.s32 $0xC0;
	[sflag:s12] =	ssyncadd.s32 $0xFFFFD000  }
0x2d: {  	[tilespmem:s16], [sflag:$0x1] =	stream.indirect.gather [hbm4b:s4+s15], $0x80, s30, s15, $0xb8;
	[tilespmem:$0x1F840] =	vst v63  }
0x2e: {  	_ =	swait.ge [sflag:s19], $0x3000  }
0x2f: {  	[sflag:s19] =	ssyncset.done $0x0  }
0x30: {  	s31 =	simm.s32 $0x2800;
	[sflag:s19] =	ssyncadd.s32 $0xFFFFD000  }
0x31: {  	[spmem:s2] =	stream.indirect.scatter.add.f32 [tilespmem:s17], [sflag:$0x3], $0x80, s31, s15, $0xb8;
	[tilespmem:$0x1F840] =	vst v63  }
0x32: {  	_ =	swait.ge [sflag:s12], $0x3000  }
0x33: {  	s28 =	simm.s32 $0x400;
	[sflag:s12] =	ssyncset.done $0x0  }
0x34: {  	s29 =	simm.s32 $0x1E0;
	s26 =	simm.s32 $0x120;
	[sflag:s12] =	ssyncadd.s32 $0xFFFFD000  }
.LBB2_2:
0x35: {  	[tilespmem:s17], [sflag:$0x2] =	stream.indirect.gather [hbm4b:s4+s15], $0x80, s26, s15, $0xb8;
	[tilespmem:$0x1F840] =	vst v63  }
0x36: {  	s30 =	smov.u32 s28;
	s26 =	smov.u32 s29  }
0x37: {  	p1 =	sne.s32 s28, $0xC800;
	s28 =	sadd.s32 $0x400, s28;
	_ =	swait.ge [sflag:s18], $0x3000  }
0x38: {  	s30 =	sshra.s32 s30, $0x2;
	[sflag:s18] =	ssyncset.done $0x0  }
0x39: {  	s31 =	sadd.s32 $0x2780, s30;
	[sflag:s18] =	ssyncadd.s32 $0xFFFFD000  }
0x3a: {  	[spmem:s2] =	stream.indirect.scatter.add.f32 [tilespmem:s16], [sflag:$0x3], $0x80, s31, s15, $0xb8;
	[tilespmem:$0x1F840] =	vst v63  }
0x3b: {  	_ =	swait.ge [sflag:s12], $0x3000  }
0x3c: {  	[sflag:s12] =	ssyncset.done $0x0  }
0x3d: {  	s31 =	sadd.s32 $0xFFFFFFA0, s29;
	[sflag:s12] =	ssyncadd.s32 $0xFFFFD000  }
0x3e: {  	[tilespmem:s16], [sflag:$0x1] =	stream.indirect.gather [hbm4b:s4+s15], $0x80, s31, s15, $0xb8;
	[tilespmem:$0x1F840] =	vst v63  }
0x3f: {  	_ =	swait.ge [sflag:s19], $0x3000  }
0x40: {  	[sflag:s19] =	ssyncset.done $0x0  }
.Ltmp0:
0x41: {  	s30 =	sadd.s32 $0x2800, s30;
	[sflag:s19] =	ssyncadd.s32 $0xFFFFD000;
	(pc) =	sbr.rel @p1 .LBB2_2-.Ltmp0, $4  }
0x42: {  	[spmem:s2] =	stream.indirect.scatter.add.f32 [tilespmem:s17], [sflag:$0x3], $0x80, s30, s15, $0xb8;
	[tilespmem:$0x1F840] =	vst v63  }
0x43: {  	_ =	swait.ge [sflag:s12], $0x3000  }
0x44: {  	[sflag:s12] =	ssyncset.done $0x0  }
0x45: {  	s29 =	sadd.s32 $0xC0, s29;
	[sflag:s12] =	ssyncadd.s32 $0xFFFFD000  }
0x46: {  	[tilespmem:s17], [sflag:$0x2] =	stream.indirect.gather [hbm4b:s4+s15], $0x80, s26, s15, $0xb8;
	[tilespmem:$0x1F840] =	vst v63  }
0x47: {  	_ =	swait.ge [sflag:s18], $0x3000  }
0x48: {  	[sflag:s18] =	ssyncset.done $0x0  }
0x49: {  	[sflag:s18] =	ssyncadd.s32 $0xFFFFD000  }
0x4a: {  	[spmem:s2] =	stream.indirect.scatter.add.f32 [tilespmem:s16], [sflag:$0x3], $0x80, s20, s15, $0xb8;
	[tilespmem:$0x1F840] =	vst v63  }
0x4b: {  	_ =	swait.ge [sflag:s12], $0x3000  }
0x4c: {  	[sflag:s12] =	ssyncset.done $0x0  }
0x4d: {  	[sflag:s12] =	ssyncadd.s32 $0xFFFFD000  }
0x4e: {  	[tilespmem:s16], [sflag:$0x1] =	stream.indirect.gather [hbm4b:s4+s15], $0x80, s21, s15, $0xb8;
	[tilespmem:$0x1F840] =	vst v63  }
0x4f: {  	_ =	swait.ge [sflag:s19], $0x3000  }
0x50: {  	[sflag:s19] =	ssyncset.done $0x0  }
0x51: {  	[sflag:s19] =	ssyncadd.s32 $0xFFFFD000  }
0x52: {  	[spmem:s2] =	stream.indirect.scatter.add.f32 [tilespmem:s17], [sflag:$0x3], $0x80, s22, s15, $0xb8;
	[tilespmem:$0x1F840] =	vst v63  }
0x53: {  	_ =	swait.ge [sflag:s12], $0x3000  }
0x54: {  	[sflag:s12] =	ssyncset.done $0x0  }
0x55: {  	[sflag:s12] =	ssyncadd.s32 $0xFFFFD000  }
0x56: {  	_ =	swait.ge [sflag:s18], $0x3000  }
0x57: {  	[sflag:s18] =	ssyncset.done $0x0  }
0x58: {  	[sflag:s18] =	ssyncadd.s32 $0xFFFFD000  }
0x59: {  	[spmem:s2] =	stream.indirect.scatter.add.f32 [tilespmem:s16], [sflag:$0x3], $0x80, s23, s15, $0xb8;
	[tilespmem:$0x1F840] =	vst v63  }
0x5a: {  	_ =	swait.ge [sflag:s12], $0x3000  }
0x5b: {  	[sflag:s12] =	ssyncset.done $0x0  }
0x5c: {  	[sflag:s12] =	ssyncadd.s32 $0xFFFFD000  }
0x5d: {  	[bflag:$0x0] =	sbarrier.arrive $0xFFFF  }
0x5e: {  	[hbm:s24], [sflag:s6] =	dma.local [spmem:s11], $0x2700  }
0x5f: {  	_ =	swait.ge [sflag:s12], $0x2700  }
0x60: {  	s25 =	sadd.s32 $0x1, s25;
	[sflag:s12] =	ssyncset.done $0x0  }
0x61: {  	s26 =	sadd.s32 @!p0 $0x27000, s9;
	p1 =	sne.s32 s25, s10;
	[sflag:s12] =	ssyncadd.s32 $0xFFFFD900  }
0x62: {  	[hbm:s26], [sflag:s6] =	dma.local @!p0 [spmem:s13], $0x100  }
.Ltmp1:
0x63: {  	_ = 	snop;
	(pc) =	sbr.rel @p1 .LBB2_1-.Ltmp1, $4  }
0x64: {  	s26 =	simm.s32 @!p0 $0x3  }
0x65: {  	_ =	swait.ge @!p0 [sflag:s26], $0x100  }
0x66: {  	[sflag:s26] =	ssyncset.done @!p0 $0x0  }
0x67: {  	[sflag:s26] =	ssyncadd.s32 @!p0 $0xFFFFFF00  }
0x68: {  	_ =	sfence.sel $0x180000  }
0x69: {  	[bflag:$0x0] =	sbarrier.arrive $0xFFFF  }
0x6a: {  	p0 =	sne.s32 s1, $0x0;
	_ =	strace $0x9000004D  }
0x6b: {  	s0 =	sadd.s32 @!p0 $0x100000, s0;
	[bflag:$0x2] =	sbarrier.arrive $0xFFFF  }
0x6c: {  	[sflag:s0] =	ssyncadd.tile.s32 @!p0 $0x1;
	_ =	shalt  }
.Lfunc_end2:
_tile_overlayer_lowered:
.L_overlay_start_2:
0x6d: {  	(tag) =	ssettag $0x2  }
0x6e: {  	s0 =	rddreg [dreg:$0x0];
	s2 =	stileid.u32  }
0x6f: {  	s1 =	rddreg [dreg:$0x1];
	p0 =	sne.s32 s2, $0x0  }
0x70: {  	s3 =	rddreg [dreg:$0x2];
	[bflag:$0x3] =	sbarrier.arrive $0xFFFF;
	s2 =	simm.s32 @!p0 $0x1C03  }
0x71: {  	[timem:s3], [sflag:s2] =	dma.local @!p0 [hbm:s0], s1  }
0x72: {  	s0 =	simm.s32 @!p0 $0x3  }
0x73: {  	_ =	swait.ge @!p0 [sflag:s0], s1  }
0x74: {  	s1 =	ssub.s32 @!p0 $0x0, s1;
	[sflag:s0] =	ssyncset.done @!p0 $0x0  }
0x75: {  	[sflag:s0] =	ssyncadd.s32 @!p0 s1  }
0x76: {  	[bflag:$0x3] =	sbarrier.arrive $0xFFFF  }
0x77: {  	_ =	shalt  }

// kernel: kernel.22.cloned.1.call-start
scs
__scs_entry_jumppad:
0x0: {  	(pc) =	sbr.rel $0x88, $3  }
0x1: {  	(tag) =	ssettag $0x0;
	lr =	simm.s32 $0x1  }
0x2: {  	[smem:$0x3F8D] =	sst lr;
	_ =	strace $0xD0000000  }
0x3: {  	_ = 	snop  }
0x4: {  	_ = 	snop  }
0x5: {  	_ = 	snop  }
0x6: {  	_ = 	snop  }
0x7: {  	_ = 	snop  }
__scs_overlays_trampoline_lowered:
0x8: {  	[smem:$0x3F9C] =	sst s0  }
0x9: {  	[smem:$0x3F9D] =	sst s1  }
0xa: {  	[smem:$0x3F9E] =	sst s2  }
0xb: {  	[smem:$0x3F9F] =	sst s3  }
0xc: {  	[smem:$0x3FA0] =	sst s4  }
0xd: {  	[smem:$0x3FA1] =	sst s5  }
0xe: {  	[smem:$0x3FA2] =	sst s6  }
0xf: {  	[smem:$0x3FA3] =	sst s7  }
0x10: {  	[smem:$0x3FA4] =	sst s8  }
0x11: {  	[smem:$0x3FA5] =	sst s9;
	s0 =	simm.s32 @!p0 $0x0  }
0x12: {  	s1 =	sld [smem:$0x3F8B];
	s0 =	simm.s32 @p0 $0x1  }
0x13: {  	[smem:$0x3FA6] =	sst s0;
	s0 =	simm.s32 @!p1 $0x0  }
0x14: {  	s2 =	sld [smem:$0x3F8A];
	s0 =	simm.s32 @p1 $0x1  }
0x15: {  	[smem:$0x3FA7] =	sst s0;
	s0 =	simm.s32 @!p2 $0x0  }
0x16: {  	s3 =	sld [smem:$0x3FDB];
	s0 =	simm.s32 @p2 $0x1  }
0x17: {  	s4 =	simm.s32 $0x1BF5;
	[smem:$0x3FA9] =	sst s0  }
0x18: {  	s0 =	sld [smem:$0x3F8C];
	_ =	swait.ge [sflag:s4], $0x0  }
0x19: {  	s7 =	sld [smem:$0x3F8D]  }
0x1a: {  	s8 =	sadd.s32 $0xFFFFE003, lr  }
0x1b: {  	s9 =	sadd.s32 $0xFFFFFEF7, lr;
	s5 =	simm.s32 $0xFFFFFFFF;
	p2 =	slt.u32 s8, $0xFFFFF086  }
0x1c: {  	p1 =	slt.u32 s9, $0xF7A;
	s5 =	simm.s32 @!p2 $0x0  }
0x1d: {  	s5 =	simm.s32 @p1 $0x1;
	p0 =	seq.s32 s7, s2  }
0x1e: {  	s7 =	smul.u32 @!p0 $0xF7A, s2;
	p2 =	seq.s32 @!p0 s5, $0x0  }
0x1f: {  	s9 =	smul.u32 $0xF7A, s1;
	s8 =	simm.s32 @!p0 $0x1BF5;
	p2 =	por !p2, p0  }
0x20: {  	[sflag:s8] =	ssyncset.s32 @!p0 $0xFFFFF086;
	s6 =	sadd.s32 @!p0 s3, s7;
	s7 =	simm.s32 @!p0 $0x108  }
0x21: {  	s3 =	sadd.s32 s3, s9;
	s6 =	sadd.s32 @!p0 $0x88, s6;
	s7 =	simm.s32 @p2 $0x1082  }
0x22: {  	[simem:s7], [sflag:s8] =	dma.local @!p0 [hbm:s6], $0xF7A  }
0x23: {  	s9 =	sor.u32 $0xD0000000, s2;
	s6 =	simm.s32 $0x108;
	_ =	swait.ge @!p0 [sflag:s8], $0x0  }
0x24: {  	s3 =	sadd.s32 $0x88, s3;
	s6 =	simm.s32 @!p1 $0x1082;
	[sflag:s4] =	ssyncset.s32 $0xFFFFF086  }
0x25: {  	[simem:s6], [sflag:s4] =	dma.local [hbm:s3], $0xF7A  }
0x26: {  	[smem:$0x3F8D] =	sst s1;
	(tag) =	ssettag s2;
	_ =	strace s9  }
0x27: {  	s1 =	sld [smem:$0x3F9D]  }
0x28: {  	s2 =	sld [smem:$0x3F9E]  }
0x29: {  	s4 =	sld [smem:$0x3FA0]  }
0x2a: {  	p0 =	seq.s32 s5, $0x0;
	s5 =	sld [smem:$0x3FA1]  }
0x2b: {  	s6 =	sld [smem:$0x3FA2]  }
0x2c: {  	s7 =	sld [smem:$0x3FA3]  }
0x2d: {  	s3 =	simm.s32 $0x108;
	s8 =	sld [smem:$0x3FA4]  }
0x2e: {  	s3 =	simm.s32 @!p0 $0x1082;
	s9 =	sld [smem:$0x3FA5]  }
0x2f: {  	lr =	sadd.s32 s0, s3;
	s0 =	sld [smem:$0x3F9C]  }
0x30: {  	s3 =	sld [smem:$0x3F9F]  }
0x31: {  	[smem:$0x3FA8] =	sst s10  }
0x32: {  	s10 =	sld [smem:$0x3FA6];
	_ =	sdelay $0x3  }
0x33: {  	p0 =	seq.s32 s10, $0x1;
	s10 =	sld [smem:$0x3FA8];
	_ =	sdelay $0x3  }
0x34: {  	[smem:$0x3FA8] =	sst s10  }
0x35: {  	s10 =	sld [smem:$0x3FA7];
	_ =	sdelay $0x3  }
0x36: {  	p1 =	seq.s32 s10, $0x1;
	s10 =	sld [smem:$0x3FA8];
	_ =	sdelay $0x3  }
0x37: {  	[smem:$0x3FA8] =	sst s10  }
0x38: {  	s10 =	sld [smem:$0x3FA9]  }
0x39: {  	_ = 	snop;
	(pc) =	sbr.ind lr, $3  }
0x3a: {  	_ = 	snop  }
0x3b: {  	_ = 	snop  }
0x3c: {  	p2 =	seq.s32 s10, $0x1;
	s10 =	sld [smem:$0x3FA8]  }
0x3d: {  	_ =	shalt  }
0x3e: {  	_ =	shalt  }
0x3f: {  	_ =	shalt  }
0x40: {  	_ =	shalt  }
0x41: {  	_ =	shalt  }
0x42: {  	_ =	shalt  }
0x43: {  	_ =	shalt  }
0x44: {  	_ =	shalt  }
0x45: {  	_ =	shalt  }
0x46: {  	_ =	shalt  }
0x47: {  	_ =	shalt  }
0x48: {  	_ =	shalt  }
0x49: {  	_ =	shalt  }
0x4a: {  	_ =	shalt  }
0x4b: {  	_ =	shalt  }
0x4c: {  	_ =	shalt  }
0x4d: {  	_ =	shalt  }
0x4e: {  	_ =	shalt  }
0x4f: {  	_ =	shalt  }
0x50: {  	_ =	shalt  }
0x51: {  	_ =	shalt  }
0x52: {  	_ =	shalt  }
0x53: {  	_ =	shalt  }
0x54: {  	_ =	shalt  }
0x55: {  	_ =	shalt  }
0x56: {  	_ =	shalt  }
0x57: {  	_ =	shalt  }
0x58: {  	_ =	shalt  }
0x59: {  	_ =	shalt  }
0x5a: {  	_ =	shalt  }
0x5b: {  	_ =	shalt  }
0x5c: {  	_ =	shalt  }
0x5d: {  	_ =	shalt  }
0x5e: {  	_ =	shalt  }
0x5f: {  	_ =	shalt  }
0x60: {  	_ =	shalt  }
0x61: {  	_ =	shalt  }
0x62: {  	_ =	shalt  }
0x63: {  	_ =	shalt  }
0x64: {  	_ =	shalt  }
0x65: {  	_ =	shalt  }
0x66: {  	_ =	shalt  }
0x67: {  	_ =	shalt  }
0x68: {  	_ =	shalt  }
0x69: {  	_ =	shalt  }
0x6a: {  	_ =	shalt  }
0x6b: {  	_ =	shalt  }
0x6c: {  	_ =	shalt  }
0x6d: {  	_ =	shalt  }
0x6e: {  	_ =	shalt  }
0x6f: {  	_ =	shalt  }
0x70: {  	_ =	shalt  }
0x71: {  	_ =	shalt  }
0x72: {  	_ =	shalt  }
0x73: {  	_ =	shalt  }
0x74: {  	_ =	shalt  }
0x75: {  	_ =	shalt  }
0x76: {  	_ =	shalt  }
0x77: {  	_ =	shalt  }
0x78: {  	_ =	shalt  }
0x79: {  	_ =	shalt  }
0x7a: {  	_ =	shalt  }
0x7b: {  	_ =	shalt  }
0x7c: {  	_ =	shalt  }
0x7d: {  	_ =	shalt  }
0x7e: {  	_ =	shalt  }
0x7f: {  	_ =	shalt  }
0x80: {  	_ =	shalt  }
0x81: {  	_ =	shalt  }
0x82: {  	_ =	shalt  }
0x83: {  	_ =	shalt  }
0x84: {  	_ =	shalt  }
0x85: {  	_ =	shalt  }
0x86: {  	_ =	shalt  }
0x87: {  	_ =	shalt  }
.Lfunc_end0:
.L_simem_size_0:
called_computation.3_lowered:
.L_overlay_start_0:
0x88: {  	s2 =	sld [smem:$0x3FD9]  }
0x89: {  	s3 =	sld [smem:$0x3FFE];
	_ =	sdelay $0x1  }
0x8a: {  	s1 =	srdreg.scid  }
0x8b: {  	s0 =	sand.u32 $0x1, s1  }
0x8c: {  	s16 =	sshll.u32 s0, $0xA;
	s2 =	sadd.s32 s3, s2  }
0x8d: {  	s2 =	sadd.s32 s2, s16  }
0x8e: {  	[smem:$0x3FB4] =	sst s2  }
0x8f: {  	_ = 	snop  }
0x90: {  	(tm) =	ssettm $0x1  }
0x91: {  	s17 =	sld [smem:$0x3FFB];
	_ =	sdelay $0x3  }
0x92: {  	_ =	strace s17  }
0x93: {  	s2 =	sld [smem:$0x3FFC];
	_ =	sdelay $0x3  }
0x94: {  	_ =	strace s2  }
0x95: {  	s2 =	sld [smem:$0x3FFD];
	_ =	sdelay $0x3  }
0x96: {  	_ =	strace s2  }
0x97: {  	_ =	strace $0x8FFFFFFF  }
0x98: {  	s18 =	sld [smem:$0x3FDB];
	_ =	sdelay $0x1  }
0x99: {  	s19 =	simm.s32 $_scs_section_size  }
0x9a: {  	s4 =	simm.s32 $_size__tile_overlayer_lowered;
	s5 =	simm.s32 $_tile_overlayer_lowered  }
0x9b: {  	s22 =	simm.s32 $0x1BFF;
	s21 =	sshll.u32 s5, $0x1;
	s2 =	sadd.s32 s19, s18  }
0x9c: {  	s6 =	simm.s32 $0x0;
	s20 =	sshll.u32 s4, $0x1;
	s4 =	sadd.s32 s21, s2  }
0x9d: {  	[timem:s6], [sflag:s22] =	dma.local [hbm:s4], s20  }
0x9e: {  	_ =	swait.ge [sflag:s22], s20  }
0x9f: {  	s3 =	ssub.s32 $0x0, s20;
	[sflag:s22] =	ssyncset.done $0x0  }
0xa0: {  	[sflag:s22] =	ssyncadd.s32 s3;
	_ =	sdelay $0x1  }
0xa1: {  	s23 =	simm.s32 $0x1B8B  }
0xa2: {  	_ =	swait.ge [sflag:s23], $0x1  }
0xa3: {  	[sflag:s23] =	ssyncset.done $0x0  }
0xa4: {  	s25 =	simm.s32 $0x1B8E;
	s24 =	sld [smem:$0x3FFE];
	[sflag:s23] =	ssyncadd.s32 $0xFFFFFFFF  }
0xa5: {  	s26 =	simm.s32 $execute0_lowered;
	[smem:$0x3FD2] =	sst s25  }
0xa6: {  	s4 =	sshll.u32 s26, $0x1;
	_ =	strace $0x8000004F;
	[dreg:$0x1] =	wrdreg $0xFFFFFFFF  }
0xa7: {  	s28 =	simm.s32 $_size_execute0_lowered;
	s2 =	sadd.s32 s2, s4;
	[dreg:$0x0] =	wrdreg $0x0  }
0xa8: {  	s4 =	sshll.u32 s28, $0x1;
	[dreg:$0x2] =	wrdreg s2  }
0xa9: {  	[dreg:$0x3] =	wrdreg s4  }
0xaa: {  	[dreg:$0x4] =	wrdreg $0xC0  }
0xab: {  	_ =	task [dreg:s6], $0x5FFFF  }
0xac: {  	[dreg:$0x1] =	wrdreg $0xFFFFFFFF  }
0xad: {  	[dreg:$0x0] =	wrdreg $0x60  }
0xae: {  	[dreg:$0x2] =	wrdreg s24  }
0xaf: {  	[dreg:$0x3] =	wrdreg $0xBF800  }
0xb0: {  	[dreg:$0x4] =	wrdreg $0x9  }
0xb1: {  	_ =	task.clear_ibuf [dreg:s6], $0x5FFFF;
	_ =	strace $0x9000004F  }
0xb2: {  	s29 =	simm.s32 $0x9;
	_ =	strace $0x80000051  }
0xb3: {  	_ =	swait.ge [sflag:s29], $0x1  }
0xb4: {  	[sflag:s29] =	ssyncadd.s32 $0xFFFFFFFF  }
0xb5: {  	_ =	strace $0x90000051  }
0xb6: {  	_ =	sfence  }
0xb7: {  	s30 =	sld [smem:$0x0];
	_ =	sdelay $0x2  }
0xb8: {  	s31 =	sshll.u32 s1, $0xD;
	s1 =	sshrl.u32 s1, $0x2  }
0xb9: {  	s3 =	sand.u32 $0x4000, s31;
	s1 =	sadd.s32 s1, s30  }
0xba: {  	s0 =	sor.u32 s3, s0;
	s1 =	sshll.u32 s1, $0x11  }
0xbb: {  	s0 =	sor.u32 s1, s0  }
0xbc: {  	s0 =	sadd.s32 $0x8F2B, s0  }
0xbd: {  	[sflag:s0] =	ssyncadd.remote.s32 $0x1  }
0xbe: {  	_ =	sfence.sel $0xFFFF  }
0xbf: {  	[dreg:$0x0] =	wrdreg $0xFFFFFFFF;
	(pc) =	sbr.abs _section_cstart, $3  }
0xc0: {  	[dreg:$0x1] =	wrdreg $0xFFFFFFFF  }
0xc1: {  	_ =	task.clear_ibuf [dreg:s6], $0x2FFFF;
	_ =	strace $0x9FFFFFFF  }
0xc2: {  	(tm) =	ssettm $0x7FFFFFFF  }
0xc3: {  	_ =	shalt  }
tec
execute0_lowered:
.L_overlay_start_1:
0x0: {  	(tag) =	ssettag $0x1  }
0x1: {  	s0 =	srdreg.scid;
	s6 =	rddreg [dreg:$0x0]  }
0x2: {  	s2 =	rddreg [dreg:$0x1];
	s1 =	stileid.u32  }
0x3: {  	s3 =	simm.s32 $0x0;
	s14 =	simm.s32 $0x2780;
	s15 =	simm.s32 $0x60  }
0x4: {  	s16 =	simm.s32 $0x5F80;
	s17 =	simm.s32 $0x8F80;
	s18 =	simm.s32 $0x1  }
0x5: {  	s19 =	simm.s32 $0x2;
	s20 =	simm.s32 $0x5A80;
	s21 =	simm.s32 $0x2700  }
0x6: {  	s22 =	simm.s32 $0x5B00;
	s5 =	sand.u32 $0x1, s0;
	s0 =	rddreg [dreg:$0x2]  }
0x7: {  	s23 =	simm.s32 $0x5B80;
	s25 =	simm.s32 $0x0;
	[smem:$0x7FF] =	sst s3  }
0x8: {  	s11 =	smul.u32 $0x4E000, s1;
	s31 =	sshll.u32 s1, $0x6;
	s13 =	sadd.s32 $0x138000, s2  }
0x9: {  	s24 =	smul.u32 $0x2700, s1;
	p0 =	sne.s32 s1, $0xF;
	s4 =	sshll.u32 s5, $0x4  }
0xa: {  	_ =	strace $0x80000050;
	s9 =	smul.u32 $0x27100, s5;
	s10 =	ssub.s32 $0x2, s5  }
0xb: {  	s5 =	sadd.s32 $0x1CE00, s6;
	s13 =	sshrl.u32 @!p0 s13, $0x3;
	s4 =	sor.u32 s1, s4  }
0xc: {  	s29 =	sshrl.u32 s10, $0x1;
	s30 =	sshrl.u32 s11, $0x2;
	s7 =	smul.u32 $0x4EC, s4  }
0xd: {  	s8 =	smul.u32 $0x700, s4;
	s4 =	sadd.s32 $0x1F600, s6;
	s9 =	sadd.s32 s9, s6  }
0xe: {  	s10 =	ssub.s32 s10, s29;
	s12 =	sadd.s32 s30, s2;
	s9 =	sadd.s32 $0x46800, s9  }
0xf: {  	s10 =	smax.u32 s10, $0x1;
	s11 =	sshrl.u32 s12, $0x3;
	s12 =	simm.s32 $0x3  }
0x10: {  	s7 =	sadd.s32 s7, s6;
	s8 =	sadd.s32 s8, s6;
	s6 =	sor.u32 $0x1C03, s31  }
0x11: {  	s24 =	sadd.s32 s24, s9;
	s7 =	sadd.s32 $0x5000, s7;
	s8 =	sadd.s32 $0xEE00, s8  }
.LBB2_1:
0x12: {  	[spmem:s11], [sflag:s6] =	dma.local [hbm:s5], $0x2700  }
0x13: {  	_ =	swait.ge [sflag:s12], $0x2700  }
0x14: {  	[sflag:s12] =	ssyncset.done $0x0  }
0x15: {  	s26 =	simm.s32 @!p0 $0x3;
	[sflag:s12] =	ssyncadd.s32 $0xFFFFD900  }
0x16: {  	[spmem:s13], [sflag:s6] =	dma.local @!p0 [hbm:s5], $0x100  }
0x17: {  	_ =	swait.ge @!p0 [sflag:s26], $0x100  }
0x18: {  	[sflag:s26] =	ssyncset.done @!p0 $0x0  }
0x19: {  	[sflag:s26] =	ssyncadd.s32 @!p0 $0xFFFFFF00  }
0x1a: {  	[bflag:$0x0] =	sbarrier.arrive $0xFFFF  }
0x1b: {  	[tilespmem:s3], [sflag:$0x3] =	stream.linear.gather [hbm4b:s7+s3], $0x2760, $0x38;
	[tilespmem:$0x1F840] =	vst v63  }
0x1c: {  	_ =	swait.ge [sflag:s12], $0x2760  }
0x1d: {  	[sflag:s12] =	ssyncset.done $0x0  }
0x1e: {  	[sflag:s12] =	ssyncadd.s32 $0xFFFFD8A0  }
0x1f: {  	[tilespmem:s14], [sflag:$0x3] =	stream.linear.gather [hbm4b:s8+s3], $0x3480, $0x38;
	[tilespmem:$0x1F840] =	vst v63  }
0x20: {  	_ =	swait.ge [sflag:s12], $0x3480  }
0x21: {  	[sflag:s12] =	ssyncset.done $0x0  }
0x22: {  	[sflag:s12] =	ssyncadd.s32 $0xFFFFCB80  }
0x23: {  	[tilespmem:s16], [sflag:$0x1] =	stream.indirect.gather [hbm4b:s4+s15], $0x80, s3, s15, $0xb8;
	[tilespmem:$0x1F840] =	vst v63  }
0x24: {  	_ = 	snop  }
0x25: {  	[tilespmem:s17], [sflag:$0x2] =	stream.indirect.gather [hbm4b:s4+s15], $0x80, s15, s15, $0xb8;
	[tilespmem:$0x1F840] =	vst v63  }
0x26: {  	_ =	swait.ge [sflag:s18], $0x3000  }
0x27: {  	[sflag:s18] =	ssyncset.done $0x0  }
0x28: {  	s31 =	simm.s32 $0x2780;
	[sflag:s18] =	ssyncadd.s32 $0xFFFFD000  }
0x29: {  	[spmem:s2] =	stream.indirect.scatter.add.f32 [tilespmem:s16], [sflag:$0x3], $0x80, s31, s15, $0xb8;
	[tilespmem:$0x1F840] =	vst v63  }
0x2a: {  	_ =	swait.ge [sflag:s12], $0x3000  }
0x2b: {  	[sflag:s12] =	ssyncset.done $0x0  }
0x2c: {  	s30 =	simm.s32 $0xC0;
	[sflag:s12] =	ssyncadd.s32 $0xFFFFD000  }
0x2d: {  	[tilespmem:s16], [sflag:$0x1] =	stream.indirect.gather [hbm4b:s4+s15], $0x80, s30, s15, $0xb8;
	[tilespmem:$0x1F840] =	vst v63  }
0x2e: {  	_ =	swait.ge [sflag:s19], $0x3000  }
0x2f: {  	[sflag:s19] =	ssyncset.done $0x0  }
0x30: {  	s31 =	simm.s32 $0x2800;
	[sflag:s19] =	ssyncadd.s32 $0xFFFFD000  }
0x31: {  	[spmem:s2] =	stream.indirect.scatter.add.f32 [tilespmem:s17], [sflag:$0x3], $0x80, s31, s15, $0xb8;
	[tilespmem:$0x1F840] =	vst v63  }
0x32: {  	_ =	swait.ge [sflag:s12], $0x3000  }
0x33: {  	s28 =	simm.s32 $0x400;
	[sflag:s12] =	ssyncset.done $0x0  }
0x34: {  	s29 =	simm.s32 $0x1E0;
	s26 =	simm.s32 $0x120;
	[sflag:s12] =	ssyncadd.s32 $0xFFFFD000  }
.LBB2_2:
0x35: {  	[tilespmem:s17], [sflag:$0x2] =	stream.indirect.gather [hbm4b:s4+s15], $0x80, s26, s15, $0xb8;
	[tilespmem:$0x1F840] =	vst v63  }
0x36: {  	s30 =	smov.u32 s28;
	s26 =	smov.u32 s29  }
0x37: {  	p1 =	sne.s32 s28, $0xC800;
	s28 =	sadd.s32 $0x400, s28;
	_ =	swait.ge [sflag:s18], $0x3000  }
0x38: {  	s30 =	sshra.s32 s30, $0x2;
	[sflag:s18] =	ssyncset.done $0x0  }
0x39: {  	s31 =	sadd.s32 $0x2780, s30;
	[sflag:s18] =	ssyncadd.s32 $0xFFFFD000  }
0x3a: {  	[spmem:s2] =	stream.indirect.scatter.add.f32 [tilespmem:s16], [sflag:$0x3], $0x80, s31, s15, $0xb8;
	[tilespmem:$0x1F840] =	vst v63  }
0x3b: {  	_ =	swait.ge [sflag:s12], $0x3000  }
0x3c: {  	[sflag:s12] =	ssyncset.done $0x0  }
0x3d: {  	s31 =	sadd.s32 $0xFFFFFFA0, s29;
	[sflag:s12] =	ssyncadd.s32 $0xFFFFD000  }
0x3e: {  	[tilespmem:s16], [sflag:$0x1] =	stream.indirect.gather [hbm4b:s4+s15], $0x80, s31, s15, $0xb8;
	[tilespmem:$0x1F840] =	vst v63  }
0x3f: {  	_ =	swait.ge [sflag:s19], $0x3000  }
0x40: {  	[sflag:s19] =	ssyncset.done $0x0  }
.Ltmp0:
0x41: {  	s30 =	sadd.s32 $0x2800, s30;
	[sflag:s19] =	ssyncadd.s32 $0xFFFFD000;
	(pc) =	sbr.rel @p1 .LBB2_2-.Ltmp0, $4  }
0x42: {  	[spmem:s2] =	stream.indirect.scatter.add.f32 [tilespmem:s17], [sflag:$0x3], $0x80, s30, s15, $0xb8;
	[tilespmem:$0x1F840] =	vst v63  }
0x43: {  	_ =	swait.ge [sflag:s12], $0x3000  }
0x44: {  	[sflag:s12] =	ssyncset.done $0x0  }
0x45: {  	s29 =	sadd.s32 $0xC0, s29;
	[sflag:s12] =	ssyncadd.s32 $0xFFFFD000  }
0x46: {  	[tilespmem:s17], [sflag:$0x2] =	stream.indirect.gather [hbm4b:s4+s15], $0x80, s26, s15, $0xb8;
	[tilespmem:$0x1F840] =	vst v63  }
0x47: {  	_ =	swait.ge [sflag:s18], $0x3000  }
0x48: {  	[sflag:s18] =	ssyncset.done $0x0  }
0x49: {  	[sflag:s18] =	ssyncadd.s32 $0xFFFFD000  }
0x4a: {  	[spmem:s2] =	stream.indirect.scatter.add.f32 [tilespmem:s16], [sflag:$0x3], $0x80, s20, s15, $0xb8;
	[tilespmem:$0x1F840] =	vst v63  }
0x4b: {  	_ =	swait.ge [sflag:s12], $0x3000  }
0x4c: {  	[sflag:s12] =	ssyncset.done $0x0  }
0x4d: {  	[sflag:s12] =	ssyncadd.s32 $0xFFFFD000  }
0x4e: {  	[tilespmem:s16], [sflag:$0x1] =	stream.indirect.gather [hbm4b:s4+s15], $0x80, s21, s15, $0xb8;
	[tilespmem:$0x1F840] =	vst v63  }
0x4f: {  	_ =	swait.ge [sflag:s19], $0x3000  }
0x50: {  	[sflag:s19] =	ssyncset.done $0x0  }
0x51: {  	[sflag:s19] =	ssyncadd.s32 $0xFFFFD000  }
0x52: {  	[spmem:s2] =	stream.indirect.scatter.add.f32 [tilespmem:s17], [sflag:$0x3], $0x80, s22, s15, $0xb8;
	[tilespmem:$0x1F840] =	vst v63  }
0x53: {  	_ =	swait.ge [sflag:s12], $0x3000  }
0x54: {  	[sflag:s12] =	ssyncset.done $0x0  }
0x55: {  	[sflag:s12] =	ssyncadd.s32 $0xFFFFD000  }
0x56: {  	_ =	swait.ge [sflag:s18], $0x3000  }
0x57: {  	[sflag:s18] =	ssyncset.done $0x0  }
0x58: {  	[sflag:s18] =	ssyncadd.s32 $0xFFFFD000  }
0x59: {  	[spmem:s2] =	stream.indirect.scatter.add.f32 [tilespmem:s16], [sflag:$0x3], $0x80, s23, s15, $0xb8;
	[tilespmem:$0x1F840] =	vst v63  }
0x5a: {  	_ =	swait.ge [sflag:s12], $0x3000  }
0x5b: {  	[sflag:s12] =	ssyncset.done $0x0  }
0x5c: {  	[sflag:s12] =	ssyncadd.s32 $0xFFFFD000  }
0x5d: {  	[bflag:$0x0] =	sbarrier.arrive $0xFFFF  }
0x5e: {  	[hbm:s24], [sflag:s6] =	dma.local [spmem:s11], $0x2700  }
0x5f: {  	_ =	swait.ge [sflag:s12], $0x2700  }
0x60: {  	s25 =	sadd.s32 $0x1, s25;
	[sflag:s12] =	ssyncset.done $0x0  }
0x61: {  	s26 =	sadd.s32 @!p0 $0x27000, s9;
	p1 =	sne.s32 s25, s10;
	[sflag:s12] =	ssyncadd.s32 $0xFFFFD900  }
0x62: {  	[hbm:s26], [sflag:s6] =	dma.local @!p0 [spmem:s13], $0x100  }
.Ltmp1:
0x63: {  	_ = 	snop;
	(pc) =	sbr.rel @p1 .LBB2_1-.Ltmp1, $4  }
0x64: {  	s26 =	simm.s32 @!p0 $0x3  }
0x65: {  	_ =	swait.ge @!p0 [sflag:s26], $0x100  }
0x66: {  	[sflag:s26] =	ssyncset.done @!p0 $0x0  }
0x67: {  	[sflag:s26] =	ssyncadd.s32 @!p0 $0xFFFFFF00  }
0x68: {  	_ =	sfence.sel $0x180000  }
0x69: {  	[bflag:$0x0] =	sbarrier.arrive $0xFFFF  }
0x6a: {  	p0 =	sne.s32 s1, $0x0;
	_ =	strace $0x90000050  }
0x6b: {  	s0 =	sadd.s32 @!p0 $0x100000, s0;
	[bflag:$0x2] =	sbarrier.arrive $0xFFFF  }
0x6c: {  	[sflag:s0] =	ssyncadd.tile.s32 @!p0 $0x1;
	_ =	shalt  }
.Lfunc_end2:
_tile_overlayer_lowered:
.L_overlay_start_2:
0x6d: {  	(tag) =	ssettag $0x2  }
0x6e: {  	s0 =	rddreg [dreg:$0x0];
	s2 =	stileid.u32  }
0x6f: {  	s1 =	rddreg [dreg:$0x1];
	p0 =	sne.s32 s2, $0x0  }
0x70: {  	s3 =	rddreg [dreg:$0x2];
	[bflag:$0x3] =	sbarrier.arrive $0xFFFF;
	s2 =	simm.s32 @!p0 $0x1C03  }
0x71: {  	[timem:s3], [sflag:s2] =	dma.local @!p0 [hbm:s0], s1  }
0x72: {  	s0 =	simm.s32 @!p0 $0x3  }
0x73: {  	_ =	swait.ge @!p0 [sflag:s0], s1  }
0x74: {  	s1 =	ssub.s32 @!p0 $0x0, s1;
	[sflag:s0] =	ssyncset.done @!p0 $0x0  }
0x75: {  	[sflag:s0] =	ssyncadd.s32 @!p0 s1  }
0x76: {  	[bflag:$0x3] =	sbarrier.arrive $0xFFFF  }
0x77: {  	_ =	shalt  }

</sc_bundles>
